<compile_context>
chip_gen: v7x
topology: tpu7x:2x2x1
jax: 0.10.2.dev20260603
libtpu: 0.0.44.dev20260713+nightly
codegen_flags: <defaults>
</compile_context>

<pallas_src>
import functools

import jax
import jax.numpy as jnp
from jax import lax
from jax.experimental import pallas as pl
from jax.experimental.pallas import tpu as pltpu
from jax.experimental.pallas import tpu_sc as plsc

B, S, D = 2, 8192, 1024
H, DH = 16, 64
FF = 4096
CHUNK = 64
NB = 128
EPS = 1e-12
BH = B * H
PK = 2 * DH
NC_SC, NS_SC = 2, 16

BSA = 512
CSB = 512
NCH_B = S // CSB
BS2 = 1024
NBLK2 = S // BS2
NCHD = BS2 // CHUNK
BSF = 256
GC = 128
NGC = S // GC


def _ln(xv, g, b):
    mu = jnp.mean(xv, axis=-1, keepdims=True)
    var = jnp.mean((xv - mu) ** 2, axis=-1, keepdims=True)
    return (xv - mu) / jnp.sqrt(var + EPS) * g + b


def _a_body(x_ref, g1_ref, b1_ref, wqk_ref, wv_ref, rot_ref,
            comb_ref, bk_ref):
    xv = x_ref[0]
    xn = _ln(xv, g1_ref[0], b1_ref[0])
    qk = jnp.dot(xn, wqk_ref[...], preferred_element_type=jnp.float32)
    v = jnp.dot(xn, wv_ref[...], preferred_element_type=jnp.float32)
    rotm = rot_ref[...]
    iota = lax.broadcasted_iota(jnp.int32, (BSA, NB // 2), 1)
    cols = []
    for h in range(H):
        qkh = lax.slice(qk, (0, h * DH), (BSA, (h + 1) * DH))
        vh = lax.slice(v, (0, h * DH), (BSA, (h + 1) * DH))
        comb_ref[h] = jnp.concatenate([qkh, vh], axis=1)
        r = jnp.dot(qkh, rotm, preferred_element_type=jnp.float32)
        mx = jnp.max(r, axis=-1, keepdims=True)
        mn = jnp.min(r, axis=-1, keepdims=True)
        amax = jnp.min(jnp.where(r == mx, iota, NB), axis=-1, keepdims=True)
        amin = jnp.min(jnp.where(r == mn, iota, NB), axis=-1, keepdims=True)
        cols.append(jnp.where(mx >= -mn, amax, NB // 2 + amin))
    bk_ref[0] = jnp.concatenate(cols, axis=1)


def _run_a(x, ln1_g, ln1_b, Wqk, Wv, rot):
    return pl.pallas_call(
        _a_body,
        grid=(B, S // BSA),
        in_specs=[
            pl.BlockSpec((1, BSA, D), lambda b, j: (b, j, 0)),
            pl.BlockSpec((1, D), lambda b, j: (0, 0)),
            pl.BlockSpec((1, D), lambda b, j: (0, 0)),
            pl.BlockSpec((D, H * DH), lambda b, j: (0, 0)),
            pl.BlockSpec((D, H * DH), lambda b, j: (0, 0)),
            pl.BlockSpec((DH, NB // 2), lambda b, j: (0, 0)),
        ],
        out_specs=[
            pl.BlockSpec((H, BSA, PK), lambda b, j: (b, j, 0)),
            pl.BlockSpec((1, BSA, H), lambda b, j: (b, j, 0)),
        ],
        out_shape=[
            jax.ShapeDtypeStruct((BH, S, PK), jnp.float32),
            jax.ShapeDtypeStruct((B, S, H), jnp.int32),
        ],
    )(x, ln1_g.reshape(1, D), ln1_b.reshape(1, D), Wqk, Wv, rot)


def _b_body(bk_ref, undo_ref, row_scr):
    r = pl.program_id(0)
    bc = bk_ref[0, 0, :].reshape(S, 1)
    tri = (lax.broadcasted_iota(jnp.int32, (CSB, CSB), 0)
           >= lax.broadcasted_iota(jnp.int32, (CSB, CSB), 1)
           ).astype(jnp.float32)
    iota_l = lax.broadcasted_iota(jnp.int32, (1, NB), 1)
    run = jnp.zeros((1, NB), jnp.float32)
    for ch in range(NCH_B):
        bch = lax.slice(bc, (ch * CSB, 0), ((ch + 1) * CSB, 1))
        oh = (bch == iota_l).astype(jnp.float32)
        incl = jnp.dot(tri, oh, preferred_element_type=jnp.float32)
        rwin = jnp.sum(oh * (incl - oh + run), axis=1, keepdims=True)
        row_scr[ch * CSB:(ch + 1) * CSB] = rwin
        run = run + lax.slice(incl, (CSB - 1, 0), (CSB, NB))
    ltm = (lax.broadcasted_iota(jnp.int32, (NB, NB), 0)
           < lax.broadcasted_iota(jnp.int32, (NB, NB), 1)).astype(jnp.float32)
    base = jnp.dot(run, ltm, preferred_element_type=jnp.float32)
    for ch in range(NCH_B):
        bch = lax.slice(bc, (ch * CSB, 0), ((ch + 1) * CSB, 1))
        oh = (bch == iota_l).astype(jnp.float32)
        pick = jnp.sum(oh * base, axis=1, keepdims=True)
        row_scr[ch * CSB:(ch + 1) * CSB] = (
            row_scr[ch * CSB:(ch + 1) * CSB] + pick)
    undo_ref[0] = (row_scr[:, 0].astype(jnp.int32) + r * S).reshape(NGC, GC)


def _run_b(bkt):
    return pl.pallas_call(
        _b_body,
        grid=(BH,),
        in_specs=[pl.BlockSpec((1, 1, S), lambda r: (r, 0, 0))],
        out_specs=pl.BlockSpec((1, NGC, GC), lambda r: (r, 0, 0)),
        out_shape=jax.ShapeDtypeStruct((BH, NGC, GC), jnp.int32),
        scratch_shapes=[pltpu.VMEM((S, 1), jnp.float32)],
    )(bkt)


def _c_body(qkv_hbm, undo_hbm, sort_hbm, idx_v, buf, sem):
    w = lax.axis_index("s") * NC_SC + lax.axis_index("c")

    def step(c, carry):
        pltpu.sync_copy(undo_hbm.at[w, c], idx_v)
        pltpu.sync_copy(qkv_hbm.at[w, pl.ds(c * GC, GC)], buf)
        pltpu.async_copy(buf, sort_hbm.at[idx_v], sem).wait()
        return carry

    lax.fori_loop(0, NGC, step, 0)


def _run_c(qkv, undo):
    f = functools.partial(
        pl.kernel,
        out_type=jax.ShapeDtypeStruct((BH * S, PK), jnp.float32),
        mesh=plsc.VectorSubcoreMesh(core_axis_name="c", subcore_axis_name="s",
                                    num_cores=NC_SC, num_subcores=NS_SC),
        scratch_types=[
            pltpu.VMEM((GC,), jnp.int32),
            pltpu.VMEM((GC, PK), jnp.float32),
            pltpu.SemaphoreType.DMA,
        ],
    )(_c_body)
    return f(qkv, undo)


def _d_body(c_ref, cp_ref, out_ref):
    blk = c_ref[0]
    q = lax.slice(blk, (0, 0), (BS2, DH))
    kcat = jnp.concatenate(
        [lax.slice(cp_ref[0], (0, 0), (CHUNK, DH)), q], axis=0)
    kcat = kcat / (jnp.sqrt(jnp.sum(kcat * kcat, axis=-1, keepdims=True))
                   + 1e-6)
    vcat = jnp.concatenate(
        [lax.slice(cp_ref[0], (0, DH), (CHUNK, PK)),
         lax.slice(blk, (0, DH), (BS2, PK))], axis=0)
    scale = 1.0 / (DH ** 0.5)
    rows = []
    for i in range(NCHD):
        cq = lax.slice(q, (i * CHUNK, 0), ((i + 1) * CHUNK, DH))
        ck = lax.slice(kcat, (i * CHUNK, 0), (i * CHUNK + 2 * CHUNK, DH))
        rows.append(lax.dot_general(
            cq, ck, (((1,), (1,)), ((), ())),
            preferred_element_type=jnp.float32))
    logits = jnp.concatenate(rows, axis=0) * scale
    mask = (lax.broadcasted_iota(jnp.int32, (BS2, 2 * CHUNK), 1)
            - (lax.broadcasted_iota(jnp.int32, (BS2, 2 * CHUNK), 0)
               & (CHUNK - 1))) == CHUNK
    logits = jnp.where(mask, -1e5, logits)
    m = jnp.max(logits, axis=-1, keepdims=True)
    e = jnp.exp(logits - m)
    attn = e / jnp.sum(e, axis=-1, keepdims=True)
    zpad = jnp.zeros((CHUNK, DH), jnp.float32)
    for i in range(NCHD):
        ai = lax.slice(attn, (i * CHUNK, 0), ((i + 1) * CHUNK, 2 * CHUNK))
        cv = lax.slice(vcat, (i * CHUNK, 0), (i * CHUNK + 2 * CHUNK, DH))
        o = jnp.dot(ai, cv, preferred_element_type=jnp.float32)
        out_ref[0, i * CHUNK:(i + 1) * CHUNK, :] = jnp.concatenate(
            [o, zpad], axis=1)


def _run_d(comb):
    nC = S // CHUNK
    return pl.pallas_call(
        _d_body,
        grid=(BH, NBLK2),
        in_specs=[
            pl.BlockSpec((1, BS2, PK), lambda r, j: (r, j, 0)),
            pl.BlockSpec((1, CHUNK, PK),
                         lambda r, j: (r, (j * NCHD - 1) % nC, 0)),
        ],
        out_specs=pl.BlockSpec((1, BS2, PK), lambda r, j: (r, j, 0)),
        out_shape=jax.ShapeDtypeStruct((BH, S, PK), jnp.float32),
    )(comb, comb)


def _e_body(sout_hbm, undo_hbm, attn_hbm, idx_v, buf, sem):
    w = lax.axis_index("s") * NC_SC + lax.axis_index("c")

    def step(c, carry):
        pltpu.sync_copy(undo_hbm.at[w, c], idx_v)
        pltpu.async_copy(sout_hbm.at[idx_v], buf, sem).wait()
        pltpu.sync_copy(buf, attn_hbm.at[w, pl.ds(c * GC, GC)])
        return carry

    lax.fori_loop(0, NGC, step, 0)


def _run_e(sout2d, undo):
    f = functools.partial(
        pl.kernel,
        out_type=jax.ShapeDtypeStruct((BH, S, PK), jnp.float32),
        mesh=plsc.VectorSubcoreMesh(core_axis_name="c", subcore_axis_name="s",
                                    num_cores=NC_SC, num_subcores=NS_SC),
        scratch_types=[
            pltpu.VMEM((GC,), jnp.int32),
            pltpu.VMEM((GC, PK), jnp.float32),
            pltpu.SemaphoreType.DMA,
        ],
    )(_e_body)
    return f(sout2d, undo)


def _f_body(a_ref, x_ref, wo_ref, g2_ref, b2l_ref, w1_ref, bb1_ref,
            w2_ref, bb2_ref, out_ref):
    ao = jnp.zeros((BSF, D), jnp.float32)
    for h in range(H):
        ah = lax.slice(a_ref[0, h], (0, 0), (BSF, DH))
        ao = ao + jnp.dot(ah, wo_ref[h],
                          preferred_element_type=jnp.float32)
    x1 = ao + x_ref[0]
    xn2 = _ln(x1, g2_ref[0], b2l_ref[0])
    hmid = jnp.dot(xn2, w1_ref[...], preferred_element_type=jnp.float32) \
        + bb1_ref[0]
    hg = jax.nn.gelu(hmid)
    out_ref[0] = jnp.dot(hg, w2_ref[...],
                         preferred_element_type=jnp.float32) \
        + bb2_ref[0] + x1


def _run_f(attn4d, x, Wo3, ln2_g, ln2_b, W1, b1, W2, b2):
    return pl.pallas_call(
        _f_body,
        grid=(B, S // BSF),
        in_specs=[
            pl.BlockSpec((1, H, BSF, PK), lambda b, j: (b, 0, j, 0)),
            pl.BlockSpec((1, BSF, D), lambda b, j: (b, j, 0)),
            pl.BlockSpec((H, DH, D), lambda b, j: (0, 0, 0)),
            pl.BlockSpec((1, D), lambda b, j: (0, 0)),
            pl.BlockSpec((1, D), lambda b, j: (0, 0)),
            pl.BlockSpec((D, FF), lambda b, j: (0, 0)),
            pl.BlockSpec((1, FF), lambda b, j: (0, 0)),
            pl.BlockSpec((FF, D), lambda b, j: (0, 0)),
            pl.BlockSpec((1, D), lambda b, j: (0, 0)),
        ],
        out_specs=pl.BlockSpec((1, BSF, D), lambda b, j: (b, j, 0)),
        out_shape=jax.ShapeDtypeStruct((B, S, D), jnp.float32),
    )(attn4d, x, Wo3, ln2_g.reshape(1, D), ln2_b.reshape(1, D),
      W1, b1.reshape(1, FF), W2, b2.reshape(1, D))


@jax.jit
def kernel(x, ln1_g, ln1_b, ln2_g, ln2_b, Wqk, Wv, Wo, W1, b1, W2, b2, rot):
    comb, bkt = _run_a(x, ln1_g, ln1_b, Wqk, Wv, rot)
    bkt_t = bkt.transpose(0, 2, 1).reshape(BH, 1, S)
    undo = _run_b(bkt_t)
    sqkv = _run_c(comb, undo)
    sout = _run_d(sqkv.reshape(BH, S, PK))
    attn = _run_e(sout.reshape(BH * S, PK), undo)
    y = _run_f(attn.reshape(B, H, S, PK), x, Wo.reshape(H, DH, D),
               ln2_g, ln2_b, W1, b1, W2, b2)
    return y

# --- scband reference (transcript-rebuilt; emitter-appended) ---
"""Pipeline reference for scband-reformer-block-90572270338582 (READ-ONLY COPY).

The authoritative reference and input builder live on the scoring server;
editing this copy changes nothing except your own understanding.
"""

import jax, jax.numpy as jnp
import numpy as np

B, S, D = 2, 8192, 1024
H, DH = 16, 64
FF = 4096
CHUNK = 64
NB = 128
EPS = 1e-12


def setup_inputs(seed: int = 0):
    key = jax.random.key(seed)
    ks = jax.random.split(key, 8)
    return {
        "x": jax.random.normal(ks[0], (B, S, D), jnp.float32),
        "ln1_g": jnp.ones((D,), jnp.float32),
        "ln1_b": jnp.zeros((D,), jnp.float32),
        "ln2_g": jnp.ones((D,), jnp.float32),
        "ln2_b": jnp.zeros((D,), jnp.float32),
        "Wqk": jax.random.normal(ks[1], (D, H * DH), jnp.float32) * 0.02,
        "Wv": jax.random.normal(ks[2], (D, H * DH), jnp.float32) * 0.02,
        "Wo": jax.random.normal(ks[3], (H * DH, D), jnp.float32) * 0.02,
        "W1": jax.random.normal(ks[4], (D, FF), jnp.float32) * 0.02,
        "b1": jnp.zeros((FF,), jnp.float32),
        "W2": jax.random.normal(ks[5], (FF, D), jnp.float32) * 0.02,
        "b2": jnp.zeros((D,), jnp.float32),
        "rot": jax.random.normal(ks[6], (DH, NB // 2), jnp.float32),
    }


def _layernorm(x, g, b):
    mu = jnp.mean(x, axis=-1, keepdims=True)
    var = jnp.mean((x - mu) ** 2, axis=-1, keepdims=True)
    return (x - mu) / jnp.sqrt(var + EPS) * g + b


def _lsh_attention(xn, Wqk, Wv, Wo, rot):
    # shared query/key projection (Reformer LSH) and value projection
    qk = (xn @ Wqk).reshape(B, S, H, DH).transpose(0, 2, 1, 3)  # [B,H,S,DH]
    v = (xn @ Wv).reshape(B, S, H, DH).transpose(0, 2, 1, 3)
    # LSH bucketing via random rotations
    rotated = jnp.einsum('bhsd,dr->bhsr', qk, rot)
    buckets = jnp.argmax(jnp.concatenate([rotated, -rotated], axis=-1), axis=-1)  # [B,H,S]
    pos = jnp.arange(S)
    # stable sort by bucket, keep original position order inside a bucket
    sticker = jnp.argsort(buckets * S + pos, axis=-1)
    undo = jnp.argsort(sticker, axis=-1)
    sqk = jnp.take_along_axis(qk, sticker[..., None], axis=2)
    sv = jnp.take_along_axis(v, sticker[..., None], axis=2)
    spos = jnp.take_along_axis(jnp.broadcast_to(pos, (B, H, S)), sticker, axis=2)
    # keys are L2-normalized shared-QK vectors
    k = sqk / (jnp.linalg.norm(sqk, axis=-1, keepdims=True) + 1e-6)
    nC = S // CHUNK
    cq = sqk.reshape(B, H, nC, CHUNK, DH)
    ck = k.reshape(B, H, nC, CHUNK, DH)
    cv = sv.reshape(B, H, nC, CHUNK, DH)
    cp = spos.reshape(B, H, nC, CHUNK)
    # attend to own chunk + one chunk look-back (wraps around like Reformer)
    ck2 = jnp.concatenate([jnp.roll(ck, 1, axis=2), ck], axis=3)
    cv2 = jnp.concatenate([jnp.roll(cv, 1, axis=2), cv], axis=3)
    cp2 = jnp.concatenate([jnp.roll(cp, 1, axis=2), cp], axis=3)
    logits = jnp.einsum('bhncd,bhnkd->bhnck', cq, ck2) / jnp.sqrt(DH)
    # mask attention of a token to itself (Reformer self-mask, soft -1e5)
    logits = jnp.where(cp[..., :, None] == cp2[..., None, :], -1e5, logits)
    attn = jax.nn.softmax(logits, axis=-1)
    out = jnp.einsum('bhnck,bhnkd->bhncd', attn, cv2).reshape(B, H, S, DH)
    # undo the bucket sort
    out = jnp.take_along_axis(out, undo[..., None], axis=2)
    out = out.transpose(0, 2, 1, 3).reshape(B, S, H * DH)
    return out @ Wo


def reference(x, ln1_g, ln1_b, ln2_g, ln2_b, Wqk, Wv, Wo, W1, b1, W2, b2, rot):
    res = x
    xn = _layernorm(x, ln1_g, ln1_b)
    a = _lsh_attention(xn, Wqk, Wv, Wo, rot)
    x1 = a + res  # dropout p=0 (eval) is identity
    res = x1
    xn2 = _layernorm(x1, ln2_g, ln2_b)
    h = jax.nn.gelu(xn2 @ W1 + b1) @ W2 + b2
    return h + res

if __name__ == "__main__":
    import jax
    _d = setup_inputs()
    print(jax.jit(kernel)(*tuple(_d.values())))

</pallas_src>

<mosaic_0001>
#map = affine_map<(d0, d1) -> (0, 0, 0)>
#map1 = affine_map<(d0, d1) -> (0, 0)>
module attributes {stable_mosaic.version = 14 : i64} {
  func.func @_c_body(%arg0: i32, %arg1: i32, %arg2: memref<32x8192x128xf32, #tpu.memory_space<hbm>>, %arg3: memref<32x64x128xi32, #tpu.memory_space<hbm>>, %arg4: memref<262144x128xf32, #tpu.memory_space<hbm>>, %arg5: memref<128xi32, #tpu.memory_space<vmem>>, %arg6: memref<128x128xf32, #tpu.memory_space<vmem>>, %arg7: memref<!tpu.dma_semaphore, #tpu.memory_space<semaphore_mem>>) attributes {dimension_semantics = [#tpu.dimension_semantics<core_parallel>, #tpu.dimension_semantics<subcore_parallel>], iteration_bounds = array<i64: 2, 16>, scalar_prefetch = 0 : i64, scratch_operands = 3 : i64, tpu.core_type = #tpu.core_type<sc_vector_subcore>, window_params = [{transform_indices = #map}, {transform_indices = #map}, {transform_indices = #map1}]} {
    %mul3A = arith.constant 2 : i32
    %mul3A_0 = arith.muli %arg1, %mul3A : i32
    %add3A = arith.addi %mul3A_0, %arg0 : i32
    %scan3A = arith.constant 0 : i32
    %scan3A_1 = arith.constant 0 : i32
    %scan3A_2 = arith.constant 64 : i32
    %scan3A_3 = arith.addi %scan3A_1, %scan3A_2 : i32
    %scan3A_4 = arith.constant 1 : i32
    scf.for %scan3A_6 = %scan3A_1 to %scan3A_3 step %scan3A_4  : i32 {
      "tpu.region"() ({
        %run_scoped3A = tpu.sem_alloc : memref<!tpu.dma_semaphore, #tpu.memory_space<semaphore_mem>>
        %dma_start3A_13 = arith.constant 0 : i32
        %dma_start3A_14 = tpu.memref_slice %arg3[%add3A, %scan3A_6, %dma_start3A_13] : memref<32x64x128xi32, #tpu.memory_space<hbm>> -> memref<1x1x128xi32, #tpu.memory_space<hbm>>
        %dma_start3A_15 = tpu.memref_squeeze %dma_start3A_14 : memref<1x1x128xi32, #tpu.memory_space<hbm>> -> memref<128xi32, #tpu.memory_space<hbm>>
        %dma_start3A_16 = arith.constant 0 : i32
        %dma_start3A_17 = tpu.memref_slice %arg3[%add3A, %scan3A_6, %dma_start3A_16] : memref<32x64x128xi32, #tpu.memory_space<hbm>> -> memref<1x1x128xi32, #tpu.memory_space<hbm>>
        %dma_start3A_18 = tpu.memref_squeeze %dma_start3A_17 : memref<1x1x128xi32, #tpu.memory_space<hbm>> -> memref<128xi32, #tpu.memory_space<hbm>>
        tpu.enqueue_dma source(%dma_start3A_18 : memref<128xi32, #tpu.memory_space<hbm>>) target(%arg5 : memref<128xi32, #tpu.memory_space<vmem>>) target_semaphore(%run_scoped3A : memref<!tpu.dma_semaphore, #tpu.memory_space<semaphore_mem>>)
        %dma_wait3A_19 = arith.constant 0 : i32
        %dma_wait3A_20 = tpu.memref_slice %arg3[%add3A, %scan3A_6, %dma_wait3A_19] : memref<32x64x128xi32, #tpu.memory_space<hbm>> -> memref<1x1x128xi32, #tpu.memory_space<hbm>>
        %dma_wait3A_21 = tpu.memref_squeeze %dma_wait3A_20 : memref<1x1x128xi32, #tpu.memory_space<hbm>> -> memref<128xi32, #tpu.memory_space<hbm>>
        %dma_wait3A_22 = arith.constant 0 : i32
        %dma_wait3A_23 = tpu.memref_slice %arg3[%add3A, %scan3A_6, %dma_wait3A_22] : memref<32x64x128xi32, #tpu.memory_space<hbm>> -> memref<1x1x128xi32, #tpu.memory_space<hbm>>
        %dma_wait3A_24 = tpu.memref_squeeze %dma_wait3A_23 : memref<1x1x128xi32, #tpu.memory_space<hbm>> -> memref<128xi32, #tpu.memory_space<hbm>>
        tpu.wait_dma2 semaphore(%run_scoped3A : memref<!tpu.dma_semaphore, #tpu.memory_space<semaphore_mem>>) src(%dma_wait3A_24 : memref<128xi32, #tpu.memory_space<hbm>>) dst(%arg5 : memref<128xi32, #tpu.memory_space<vmem>>)
        tpu.yield
      }) : () -> ()
      %mul3A_7 = arith.constant 128 : i32
      %mul3A_8 = arith.muli %scan3A_6, %mul3A_7 : i32
      "tpu.region"() ({
        %run_scoped3A = tpu.sem_alloc : memref<!tpu.dma_semaphore, #tpu.memory_space<semaphore_mem>>
        %dma_start3A_13 = arith.constant 0 : i32
        %dma_start3A_14 = tpu.memref_slice %arg2[%add3A, %mul3A_8, %dma_start3A_13] : memref<32x8192x128xf32, #tpu.memory_space<hbm>> -> memref<1x128x128xf32, #tpu.memory_space<hbm>>
        %dma_start3A_15 = tpu.memref_squeeze %dma_start3A_14 : memref<1x128x128xf32, #tpu.memory_space<hbm>> -> memref<128x128xf32, #tpu.memory_space<hbm>>
        %dma_start3A_16 = arith.constant 0 : i32
        %dma_start3A_17 = tpu.memref_slice %arg2[%add3A, %mul3A_8, %dma_start3A_16] : memref<32x8192x128xf32, #tpu.memory_space<hbm>> -> memref<1x128x128xf32, #tpu.memory_space<hbm>>
        %dma_start3A_18 = tpu.memref_squeeze %dma_start3A_17 : memref<1x128x128xf32, #tpu.memory_space<hbm>> -> memref<128x128xf32, #tpu.memory_space<hbm>>
        tpu.enqueue_dma source(%dma_start3A_18 : memref<128x128xf32, #tpu.memory_space<hbm>>) target(%arg6 : memref<128x128xf32, #tpu.memory_space<vmem>>) target_semaphore(%run_scoped3A : memref<!tpu.dma_semaphore, #tpu.memory_space<semaphore_mem>>)
        %dma_wait3A_19 = arith.constant 0 : i32
        %dma_wait3A_20 = tpu.memref_slice %arg2[%add3A, %mul3A_8, %dma_wait3A_19] : memref<32x8192x128xf32, #tpu.memory_space<hbm>> -> memref<1x128x128xf32, #tpu.memory_space<hbm>>
        %dma_wait3A_21 = tpu.memref_squeeze %dma_wait3A_20 : memref<1x128x128xf32, #tpu.memory_space<hbm>> -> memref<128x128xf32, #tpu.memory_space<hbm>>
        %dma_wait3A_22 = arith.constant 0 : i32
        %dma_wait3A_23 = tpu.memref_slice %arg2[%add3A, %mul3A_8, %dma_wait3A_22] : memref<32x8192x128xf32, #tpu.memory_space<hbm>> -> memref<1x128x128xf32, #tpu.memory_space<hbm>>
        %dma_wait3A_24 = tpu.memref_squeeze %dma_wait3A_23 : memref<1x128x128xf32, #tpu.memory_space<hbm>> -> memref<128x128xf32, #tpu.memory_space<hbm>>
        tpu.wait_dma2 semaphore(%run_scoped3A : memref<!tpu.dma_semaphore, #tpu.memory_space<semaphore_mem>>) src(%dma_wait3A_24 : memref<128x128xf32, #tpu.memory_space<hbm>>) dst(%arg6 : memref<128x128xf32, #tpu.memory_space<vmem>>)
        tpu.yield
      }) : () -> ()
      %dma_start3A = arith.constant 0 : i32
      %dma_start3A_9 = arith.constant 0 : i32
      %dma_start3A_10 = tpu.memref_slice %arg4[%dma_start3A, %dma_start3A_9] : memref<262144x128xf32, #tpu.memory_space<hbm>> -> memref<262144x128xf32, #tpu.memory_space<hbm>>
      tpu.enqueue_indirect_dma source(%arg6 : memref<128x128xf32, #tpu.memory_space<vmem>>) target(%dma_start3A_10 : memref<262144x128xf32, #tpu.memory_space<hbm>>) offsets(%arg5 : memref<128xi32, #tpu.memory_space<vmem>>) semaphore(%arg7 : memref<!tpu.dma_semaphore, #tpu.memory_space<semaphore_mem>>)
      %dma_wait3A = arith.constant 0 : i32
      %dma_wait3A_11 = arith.constant 0 : i32
      %dma_wait3A_12 = tpu.memref_slice %arg4[%dma_wait3A, %dma_wait3A_11] : memref<262144x128xf32, #tpu.memory_space<hbm>> -> memref<262144x128xf32, #tpu.memory_space<hbm>>
      tpu.wait_indirect_dma semaphore(%arg7 : memref<!tpu.dma_semaphore, #tpu.memory_space<semaphore_mem>>) src(%arg6 : memref<128x128xf32, #tpu.memory_space<vmem>>) dst(%dma_wait3A_12 : memref<262144x128xf32, #tpu.memory_space<hbm>>)
    }
    %scan3A_5 = arith.constant 64 : i32
    return
  }
}

#map = affine_map<(d0, d1) -> (0, 0)>
#map1 = affine_map<(d0, d1) -> (0, 0, 0)>
module attributes {stable_mosaic.version = 14 : i64} {
  func.func @_e_body(%arg0: i32, %arg1: i32, %arg2: memref<262144x128xf32, #tpu.memory_space<hbm>>, %arg3: memref<32x64x128xi32, #tpu.memory_space<hbm>>, %arg4: memref<32x8192x128xf32, #tpu.memory_space<hbm>>, %arg5: memref<128xi32, #tpu.memory_space<vmem>>, %arg6: memref<128x128xf32, #tpu.memory_space<vmem>>, %arg7: memref<!tpu.dma_semaphore, #tpu.memory_space<semaphore_mem>>) attributes {dimension_semantics = [#tpu.dimension_semantics<core_parallel>, #tpu.dimension_semantics<subcore_parallel>], iteration_bounds = array<i64: 2, 16>, scalar_prefetch = 0 : i64, scratch_operands = 3 : i64, tpu.core_type = #tpu.core_type<sc_vector_subcore>, window_params = [{transform_indices = #map}, {transform_indices = #map1}, {transform_indices = #map1}]} {
    %mul3A = arith.constant 2 : i32
    %mul3A_0 = arith.muli %arg1, %mul3A : i32
    %add3A = arith.addi %mul3A_0, %arg0 : i32
    %scan3A = arith.constant 0 : i32
    %scan3A_1 = arith.constant 0 : i32
    %scan3A_2 = arith.constant 64 : i32
    %scan3A_3 = arith.addi %scan3A_1, %scan3A_2 : i32
    %scan3A_4 = arith.constant 1 : i32
    scf.for %scan3A_6 = %scan3A_1 to %scan3A_3 step %scan3A_4  : i32 {
      "tpu.region"() ({
        %run_scoped3A = tpu.sem_alloc : memref<!tpu.dma_semaphore, #tpu.memory_space<semaphore_mem>>
        %dma_start3A_13 = arith.constant 0 : i32
        %dma_start3A_14 = tpu.memref_slice %arg3[%add3A, %scan3A_6, %dma_start3A_13] : memref<32x64x128xi32, #tpu.memory_space<hbm>> -> memref<1x1x128xi32, #tpu.memory_space<hbm>>
        %dma_start3A_15 = tpu.memref_squeeze %dma_start3A_14 : memref<1x1x128xi32, #tpu.memory_space<hbm>> -> memref<128xi32, #tpu.memory_space<hbm>>
        %dma_start3A_16 = arith.constant 0 : i32
        %dma_start3A_17 = tpu.memref_slice %arg3[%add3A, %scan3A_6, %dma_start3A_16] : memref<32x64x128xi32, #tpu.memory_space<hbm>> -> memref<1x1x128xi32, #tpu.memory_space<hbm>>
        %dma_start3A_18 = tpu.memref_squeeze %dma_start3A_17 : memref<1x1x128xi32, #tpu.memory_space<hbm>> -> memref<128xi32, #tpu.memory_space<hbm>>
        tpu.enqueue_dma source(%dma_start3A_18 : memref<128xi32, #tpu.memory_space<hbm>>) target(%arg5 : memref<128xi32, #tpu.memory_space<vmem>>) target_semaphore(%run_scoped3A : memref<!tpu.dma_semaphore, #tpu.memory_space<semaphore_mem>>)
        %dma_wait3A_19 = arith.constant 0 : i32
        %dma_wait3A_20 = tpu.memref_slice %arg3[%add3A, %scan3A_6, %dma_wait3A_19] : memref<32x64x128xi32, #tpu.memory_space<hbm>> -> memref<1x1x128xi32, #tpu.memory_space<hbm>>
        %dma_wait3A_21 = tpu.memref_squeeze %dma_wait3A_20 : memref<1x1x128xi32, #tpu.memory_space<hbm>> -> memref<128xi32, #tpu.memory_space<hbm>>
        %dma_wait3A_22 = arith.constant 0 : i32
        %dma_wait3A_23 = tpu.memref_slice %arg3[%add3A, %scan3A_6, %dma_wait3A_22] : memref<32x64x128xi32, #tpu.memory_space<hbm>> -> memref<1x1x128xi32, #tpu.memory_space<hbm>>
        %dma_wait3A_24 = tpu.memref_squeeze %dma_wait3A_23 : memref<1x1x128xi32, #tpu.memory_space<hbm>> -> memref<128xi32, #tpu.memory_space<hbm>>
        tpu.wait_dma2 semaphore(%run_scoped3A : memref<!tpu.dma_semaphore, #tpu.memory_space<semaphore_mem>>) src(%dma_wait3A_24 : memref<128xi32, #tpu.memory_space<hbm>>) dst(%arg5 : memref<128xi32, #tpu.memory_space<vmem>>)
        tpu.yield
      }) : () -> ()
      %dma_start3A = arith.constant 0 : i32
      %dma_start3A_7 = arith.constant 0 : i32
      %dma_start3A_8 = tpu.memref_slice %arg2[%dma_start3A, %dma_start3A_7] : memref<262144x128xf32, #tpu.memory_space<hbm>> -> memref<262144x128xf32, #tpu.memory_space<hbm>>
      tpu.enqueue_indirect_dma source(%dma_start3A_8 : memref<262144x128xf32, #tpu.memory_space<hbm>>) target(%arg6 : memref<128x128xf32, #tpu.memory_space<vmem>>) offsets(%arg5 : memref<128xi32, #tpu.memory_space<vmem>>) semaphore(%arg7 : memref<!tpu.dma_semaphore, #tpu.memory_space<semaphore_mem>>)
      %dma_wait3A = arith.constant 0 : i32
      %dma_wait3A_9 = arith.constant 0 : i32
      %dma_wait3A_10 = tpu.memref_slice %arg2[%dma_wait3A, %dma_wait3A_9] : memref<262144x128xf32, #tpu.memory_space<hbm>> -> memref<262144x128xf32, #tpu.memory_space<hbm>>
      tpu.wait_indirect_dma semaphore(%arg7 : memref<!tpu.dma_semaphore, #tpu.memory_space<semaphore_mem>>) src(%dma_wait3A_10 : memref<262144x128xf32, #tpu.memory_space<hbm>>) dst(%arg6 : memref<128x128xf32, #tpu.memory_space<vmem>>)
      %mul3A_11 = arith.constant 128 : i32
      %mul3A_12 = arith.muli %scan3A_6, %mul3A_11 : i32
      "tpu.region"() ({
        %run_scoped3A = tpu.sem_alloc : memref<!tpu.dma_semaphore, #tpu.memory_space<semaphore_mem>>
        %dma_start3A_13 = arith.constant 0 : i32
        %dma_start3A_14 = tpu.memref_slice %arg4[%add3A, %mul3A_12, %dma_start3A_13] : memref<32x8192x128xf32, #tpu.memory_space<hbm>> -> memref<1x128x128xf32, #tpu.memory_space<hbm>>
        %dma_start3A_15 = tpu.memref_squeeze %dma_start3A_14 : memref<1x128x128xf32, #tpu.memory_space<hbm>> -> memref<128x128xf32, #tpu.memory_space<hbm>>
        %dma_start3A_16 = arith.constant 0 : i32
        %dma_start3A_17 = tpu.memref_slice %arg4[%add3A, %mul3A_12, %dma_start3A_16] : memref<32x8192x128xf32, #tpu.memory_space<hbm>> -> memref<1x128x128xf32, #tpu.memory_space<hbm>>
        %dma_start3A_18 = tpu.memref_squeeze %dma_start3A_17 : memref<1x128x128xf32, #tpu.memory_space<hbm>> -> memref<128x128xf32, #tpu.memory_space<hbm>>
        tpu.enqueue_dma source(%arg6 : memref<128x128xf32, #tpu.memory_space<vmem>>) target(%dma_start3A_18 : memref<128x128xf32, #tpu.memory_space<hbm>>) target_semaphore(%run_scoped3A : memref<!tpu.dma_semaphore, #tpu.memory_space<semaphore_mem>>)
        %dma_wait3A_19 = arith.constant 0 : i32
        %dma_wait3A_20 = tpu.memref_slice %arg4[%add3A, %mul3A_12, %dma_wait3A_19] : memref<32x8192x128xf32, #tpu.memory_space<hbm>> -> memref<1x128x128xf32, #tpu.memory_space<hbm>>
        %dma_wait3A_21 = tpu.memref_squeeze %dma_wait3A_20 : memref<1x128x128xf32, #tpu.memory_space<hbm>> -> memref<128x128xf32, #tpu.memory_space<hbm>>
        %dma_wait3A_22 = arith.constant 0 : i32
        %dma_wait3A_23 = tpu.memref_slice %arg4[%add3A, %mul3A_12, %dma_wait3A_22] : memref<32x8192x128xf32, #tpu.memory_space<hbm>> -> memref<1x128x128xf32, #tpu.memory_space<hbm>>
        %dma_wait3A_24 = tpu.memref_squeeze %dma_wait3A_23 : memref<1x128x128xf32, #tpu.memory_space<hbm>> -> memref<128x128xf32, #tpu.memory_space<hbm>>
        tpu.wait_dma2 semaphore(%run_scoped3A : memref<!tpu.dma_semaphore, #tpu.memory_space<semaphore_mem>>) src(%arg6 : memref<128x128xf32, #tpu.memory_space<vmem>>) dst(%dma_wait3A_24 : memref<128x128xf32, #tpu.memory_space<hbm>>)
        tpu.yield
      }) : () -> ()
    }
    %scan3A_5 = arith.constant 64 : i32
    return
  }
}

module attributes {stable_mosaic.version = 14 : i64} {
  func.func @_b_body(%arg0: i32, %arg1: memref<1x1x8192xi32, #tpu.memory_space<vmem>>, %arg2: memref<1x64x128xi32, #tpu.memory_space<vmem>>, %arg3: memref<8192x1xf32, #tpu.memory_space<vmem>>) attributes {dimension_semantics = [#tpu.dimension_semantics<arbitrary>], iteration_bounds = array<i64: 32>, scalar_prefetch = 0 : i64, scratch_operands = 1 : i64, tpu.core_type = #tpu.core_type<tc>, window_params = [{transform_indices = @transform_0, window_bounds = array<i64: 1, 1, 8192>}, {transform_indices = @transform_1, window_bounds = array<i64: 1, 64, 128>}]} {
    %get3A = arith.constant 0 : index
    %get3A_0 = arith.constant 0 : index
    %get3A_1 = arith.constant 0 : index
    %get3A_2 = vector.load %arg1[%get3A, %get3A_0, %get3A_1] : memref<1x1x8192xi32, #tpu.memory_space<vmem>>, vector<1x1x8192xi32>
    %get3A_3 = vector.shape_cast %get3A_2 : vector<1x1x8192xi32> to vector<8192xi32>
    %reshape3A = vector.shape_cast %get3A_3 : vector<8192xi32> to vector<8192x1xi32>
    %iota3A = tpu.iota {dimensions = array<i32: 0>} : vector<512x512xi32>
    %iota3A_4 = tpu.iota {dimensions = array<i32: 1>} : vector<512x512xi32>
    %ge3A = arith.cmpi sge, %iota3A, %iota3A_4 : vector<512x512xi32>
    %convert_element_type3A = arith.extui %ge3A : vector<512x512xi1> to vector<512x512xi32>
    %convert_element_type3A_5 = arith.sitofp %convert_element_type3A : vector<512x512xi32> to vector<512x512xf32>
    %iota3A_6 = tpu.iota {dimensions = array<i32: 1>} : vector<1x128xi32>
    %broadcast_in_dim3A = arith.constant 0.000000e+00 : f32
    %broadcast_in_dim3A_7 = vector.broadcast %broadcast_in_dim3A : f32 to vector<1x128xf32>
    %slice3A = vector.extract_strided_slice %reshape3A {offsets = [0, 0], sizes = [512, 1], strides = [1, 1]} : vector<8192x1xi32> to vector<512x1xi32>
    %eq3A = vector.broadcast %slice3A : vector<512x1xi32> to vector<512x128xi32>
    %eq3A_8 = vector.broadcast %iota3A_6 : vector<1x128xi32> to vector<512x128xi32>
    %eq3A_9 = arith.cmpi eq, %eq3A, %eq3A_8 : vector<512x128xi32>
    %convert_element_type3A_10 = arith.extui %eq3A_9 : vector<512x128xi1> to vector<512x128xi32>
    %convert_element_type3A_11 = arith.sitofp %convert_element_type3A_10 : vector<512x128xi32> to vector<512x128xf32>
    %dot_general3A = arith.constant dense<0.000000e+00> : vector<512x128xf32>
    %dot_general3A_12 = tpu.matmul %convert_element_type3A_5, %convert_element_type3A_11, %dot_general3A {dimension_numbers = #tpu.dot_dimension_numbers<[1], [0], [0], [1], [0, 0, 1, 1], [], []>, transpose_lhs_hint = false} : vector<512x512xf32>, vector<512x128xf32>, vector<512x128xf32> -> vector<512x128xf32>
    %sub3A = arith.subf %dot_general3A_12, %convert_element_type3A_11 : vector<512x128xf32>
    %add3A = vector.broadcast %broadcast_in_dim3A_7 : vector<1x128xf32> to vector<512x128xf32>
    %add3A_13 = arith.addf %sub3A, %add3A : vector<512x128xf32>
    %mul3A = arith.mulf %convert_element_type3A_11, %add3A_13 : vector<512x128xf32>
    %reduce_sum3A = arith.constant dense<0.000000e+00> : vector<512xf32>
    %reduce_sum3A_14 = vector.multi_reduction <add>, %mul3A, %reduce_sum3A [1] : vector<512x128xf32> to vector<512xf32>
    %broadcast_in_dim3A_15 = vector.shape_cast %reduce_sum3A_14 : vector<512xf32> to vector<512x1xf32>
    %swap3A = arith.constant 0 : index
    %swap3A_16 = arith.constant 0 : index
    %swap3A_17 = vector.load %arg3[%swap3A, %swap3A_16] : memref<8192x1xf32, #tpu.memory_space<vmem>>, vector<512x1xf32>
    tpu.vector_store %arg3[%swap3A, %swap3A_16], %broadcast_in_dim3A_15 {strides = array<i32>} : memref<8192x1xf32, #tpu.memory_space<vmem>>, vector<512x1xf32>,
    %slice3A_18 = vector.extract_strided_slice %dot_general3A_12 {offsets = [511, 0], sizes = [1, 128], strides = [1, 1]} : vector<512x128xf32> to vector<1x128xf32>
    %add3A_19 = arith.addf %broadcast_in_dim3A_7, %slice3A_18 : vector<1x128xf32>
    %slice3A_20 = vector.extract_strided_slice %reshape3A {offsets = [512, 0], sizes = [512, 1], strides = [1, 1]} : vector<8192x1xi32> to vector<512x1xi32>
    %eq3A_21 = vector.broadcast %slice3A_20 : vector<512x1xi32> to vector<512x128xi32>
    %eq3A_22 = vector.broadcast %iota3A_6 : vector<1x128xi32> to vector<512x128xi32>
    %eq3A_23 = arith.cmpi eq, %eq3A_21, %eq3A_22 : vector<512x128xi32>
    %convert_element_type3A_24 = arith.extui %eq3A_23 : vector<512x128xi1> to vector<512x128xi32>
    %convert_element_type3A_25 = arith.sitofp %convert_element_type3A_24 : vector<512x128xi32> to vector<512x128xf32>
    %dot_general3A_26 = arith.constant dense<0.000000e+00> : vector<512x128xf32>
    %dot_general3A_27 = tpu.matmul %convert_element_type3A_5, %convert_element_type3A_25, %dot_general3A_26 {dimension_numbers = #tpu.dot_dimension_numbers<[1], [0], [0], [1], [0, 0, 1, 1], [], []>, transpose_lhs_hint = false} : vector<512x512xf32>, vector<512x128xf32>, vector<512x128xf32> -> vector<512x128xf32>
    %sub3A_28 = arith.subf %dot_general3A_27, %convert_element_type3A_25 : vector<512x128xf32>
    %add3A_29 = vector.broadcast %add3A_19 : vector<1x128xf32> to vector<512x128xf32>
    %add3A_30 = arith.addf %sub3A_28, %add3A_29 : vector<512x128xf32>
    %mul3A_31 = arith.mulf %convert_element_type3A_25, %add3A_30 : vector<512x128xf32>
    %reduce_sum3A_32 = arith.constant dense<0.000000e+00> : vector<512xf32>
    %reduce_sum3A_33 = vector.multi_reduction <add>, %mul3A_31, %reduce_sum3A_32 [1] : vector<512x128xf32> to vector<512xf32>
    %broadcast_in_dim3A_34 = vector.shape_cast %reduce_sum3A_33 : vector<512xf32> to vector<512x1xf32>
    %swap3A_35 = arith.constant 512 : index
    %swap3A_36 = arith.constant 0 : index
    %swap3A_37 = vector.load %arg3[%swap3A_35, %swap3A_36] : memref<8192x1xf32, #tpu.memory_space<vmem>>, vector<512x1xf32>
    tpu.vector_store %arg3[%swap3A_35, %swap3A_36], %broadcast_in_dim3A_34 {strides = array<i32>} : memref<8192x1xf32, #tpu.memory_space<vmem>>, vector<512x1xf32>,
    %slice3A_38 = vector.extract_strided_slice %dot_general3A_27 {offsets = [511, 0], sizes = [1, 128], strides = [1, 1]} : vector<512x128xf32> to vector<1x128xf32>
    %add3A_39 = arith.addf %add3A_19, %slice3A_38 : vector<1x128xf32>
    %slice3A_40 = vector.extract_strided_slice %reshape3A {offsets = [1024, 0], sizes = [512, 1], strides = [1, 1]} : vector<8192x1xi32> to vector<512x1xi32>
    %eq3A_41 = vector.broadcast %slice3A_40 : vector<512x1xi32> to vector<512x128xi32>
    %eq3A_42 = vector.broadcast %iota3A_6 : vector<1x128xi32> to vector<512x128xi32>
    %eq3A_43 = arith.cmpi eq, %eq3A_41, %eq3A_42 : vector<512x128xi32>
    %convert_element_type3A_44 = arith.extui %eq3A_43 : vector<512x128xi1> to vector<512x128xi32>
    %convert_element_type3A_45 = arith.sitofp %convert_element_type3A_44 : vector<512x128xi32> to vector<512x128xf32>
    %dot_general3A_46 = arith.constant dense<0.000000e+00> : vector<512x128xf32>
    %dot_general3A_47 = tpu.matmul %convert_element_type3A_5, %convert_element_type3A_45, %dot_general3A_46 {dimension_numbers = #tpu.dot_dimension_numbers<[1], [0], [0], [1], [0, 0, 1, 1], [], []>, transpose_lhs_hint = false} : vector<512x512xf32>, vector<512x128xf32>, vector<512x128xf32> -> vector<512x128xf32>
    %sub3A_48 = arith.subf %dot_general3A_47, %convert_element_type3A_45 : vector<512x128xf32>
    %add3A_49 = vector.broadcast %add3A_39 : vector<1x128xf32> to vector<512x128xf32>
    %add3A_50 = arith.addf %sub3A_48, %add3A_49 : vector<512x128xf32>
    %mul3A_51 = arith.mulf %convert_element_type3A_45, %add3A_50 : vector<512x128xf32>
    %reduce_sum3A_52 = arith.constant dense<0.000000e+00> : vector<512xf32>
    %reduce_sum3A_53 = vector.multi_reduction <add>, %mul3A_51, %reduce_sum3A_52 [1] : vector<512x128xf32> to vector<512xf32>
    %broadcast_in_dim3A_54 = vector.shape_cast %reduce_sum3A_53 : vector<512xf32> to vector<512x1xf32>
    %swap3A_55 = arith.constant 1024 : index
    %swap3A_56 = arith.constant 0 : index
    %swap3A_57 = vector.load %arg3[%swap3A_55, %swap3A_56] : memref<8192x1xf32, #tpu.memory_space<vmem>>, vector<512x1xf32>
    tpu.vector_store %arg3[%swap3A_55, %swap3A_56], %broadcast_in_dim3A_54 {strides = array<i32>} : memref<8192x1xf32, #tpu.memory_space<vmem>>, vector<512x1xf32>,
    %slice3A_58 = vector.extract_strided_slice %dot_general3A_47 {offsets = [511, 0], sizes = [1, 128], strides = [1, 1]} : vector<512x128xf32> to vector<1x128xf32>
    %add3A_59 = arith.addf %add3A_39, %slice3A_58 : vector<1x128xf32>
    %slice3A_60 = vector.extract_strided_slice %reshape3A {offsets = [1536, 0], sizes = [512, 1], strides = [1, 1]} : vector<8192x1xi32> to vector<512x1xi32>
    %eq3A_61 = vector.broadcast %slice3A_60 : vector<512x1xi32> to vector<512x128xi32>
    %eq3A_62 = vector.broadcast %iota3A_6 : vector<1x128xi32> to vector<512x128xi32>
    %eq3A_63 = arith.cmpi eq, %eq3A_61, %eq3A_62 : vector<512x128xi32>
    %convert_element_type3A_64 = arith.extui %eq3A_63 : vector<512x128xi1> to vector<512x128xi32>
    %convert_element_type3A_65 = arith.sitofp %convert_element_type3A_64 : vector<512x128xi32> to vector<512x128xf32>
    %dot_general3A_66 = arith.constant dense<0.000000e+00> : vector<512x128xf32>
    %dot_general3A_67 = tpu.matmul %convert_element_type3A_5, %convert_element_type3A_65, %dot_general3A_66 {dimension_numbers = #tpu.dot_dimension_numbers<[1], [0], [0], [1], [0, 0, 1, 1], [], []>, transpose_lhs_hint = false} : vector<512x512xf32>, vector<512x128xf32>, vector<512x128xf32> -> vector<512x128xf32>
    %sub3A_68 = arith.subf %dot_general3A_67, %convert_element_type3A_65 : vector<512x128xf32>
    %add3A_69 = vector.broadcast %add3A_59 : vector<1x128xf32> to vector<512x128xf32>
    %add3A_70 = arith.addf %sub3A_68, %add3A_69 : vector<512x128xf32>
    %mul3A_71 = arith.mulf %convert_element_type3A_65, %add3A_70 : vector<512x128xf32>
    %reduce_sum3A_72 = arith.constant dense<0.000000e+00> : vector<512xf32>
    %reduce_sum3A_73 = vector.multi_reduction <add>, %mul3A_71, %reduce_sum3A_72 [1] : vector<512x128xf32> to vector<512xf32>
    %broadcast_in_dim3A_74 = vector.shape_cast %reduce_sum3A_73 : vector<512xf32> to vector<512x1xf32>
    %swap3A_75 = arith.constant 1536 : index
    %swap3A_76 = arith.constant 0 : index
    %swap3A_77 = vector.load %arg3[%swap3A_75, %swap3A_76] : memref<8192x1xf32, #tpu.memory_space<vmem>>, vector<512x1xf32>
    tpu.vector_store %arg3[%swap3A_75, %swap3A_76], %broadcast_in_dim3A_74 {strides = array<i32>} : memref<8192x1xf32, #tpu.memory_space<vmem>>, vector<512x1xf32>,
    %slice3A_78 = vector.extract_strided_slice %dot_general3A_67 {offsets = [511, 0], sizes = [1, 128], strides = [1, 1]} : vector<512x128xf32> to vector<1x128xf32>
    %add3A_79 = arith.addf %add3A_59, %slice3A_78 : vector<1x128xf32>
    %slice3A_80 = vector.extract_strided_slice %reshape3A {offsets = [2048, 0], sizes = [512, 1], strides = [1, 1]} : vector<8192x1xi32> to vector<512x1xi32>
    %eq3A_81 = vector.broadcast %slice3A_80 : vector<512x1xi32> to vector<512x128xi32>
    %eq3A_82 = vector.broadcast %iota3A_6 : vector<1x128xi32> to vector<512x128xi32>
    %eq3A_83 = arith.cmpi eq, %eq3A_81, %eq3A_82 : vector<512x128xi32>
    %convert_element_type3A_84 = arith.extui %eq3A_83 : vector<512x128xi1> to vector<512x128xi32>
    %convert_element_type3A_85 = arith.sitofp %convert_element_type3A_84 : vector<512x128xi32> to vector<512x128xf32>
    %dot_general3A_86 = arith.constant dense<0.000000e+00> : vector<512x128xf32>
    %dot_general3A_87 = tpu.matmul %convert_element_type3A_5, %convert_element_type3A_85, %dot_general3A_86 {dimension_numbers = #tpu.dot_dimension_numbers<[1], [0], [0], [1], [0, 0, 1, 1], [], []>, transpose_lhs_hint = false} : vector<512x512xf32>, vector<512x128xf32>, vector<512x128xf32> -> vector<512x128xf32>
    %sub3A_88 = arith.subf %dot_general3A_87, %convert_element_type3A_85 : vector<512x128xf32>
    %add3A_89 = vector.broadcast %add3A_79 : vector<1x128xf32> to vector<512x128xf32>
    %add3A_90 = arith.addf %sub3A_88, %add3A_89 : vector<512x128xf32>
    %mul3A_91 = arith.mulf %convert_element_type3A_85, %add3A_90 : vector<512x128xf32>
    %reduce_sum3A_92 = arith.constant dense<0.000000e+00> : vector<512xf32>
    %reduce_sum3A_93 = vector.multi_reduction <add>, %mul3A_91, %reduce_sum3A_92 [1] : vector<512x128xf32> to vector<512xf32>
    %broadcast_in_dim3A_94 = vector.shape_cast %reduce_sum3A_93 : vector<512xf32> to vector<512x1xf32>
    %swap3A_95 = arith.constant 2048 : index
    %swap3A_96 = arith.constant 0 : index
    %swap3A_97 = vector.load %arg3[%swap3A_95, %swap3A_96] : memref<8192x1xf32, #tpu.memory_space<vmem>>, vector<512x1xf32>
    tpu.vector_store %arg3[%swap3A_95, %swap3A_96], %broadcast_in_dim3A_94 {strides = array<i32>} : memref<8192x1xf32, #tpu.memory_space<vmem>>, vector<512x1xf32>,
    %slice3A_98 = vector.extract_strided_slice %dot_general3A_87 {offsets = [511, 0], sizes = [1, 128], strides = [1, 1]} : vector<512x128xf32> to vector<1x128xf32>
    %add3A_99 = arith.addf %add3A_79, %slice3A_98 : vector<1x128xf32>
    %slice3A_100 = vector.extract_strided_slice %reshape3A {offsets = [2560, 0], sizes = [512, 1], strides = [1, 1]} : vector<8192x1xi32> to vector<512x1xi32>
    %eq3A_101 = vector.broadcast %slice3A_100 : vector<512x1xi32> to vector<512x128xi32>
    %eq3A_102 = vector.broadcast %iota3A_6 : vector<1x128xi32> to vector<512x128xi32>
    %eq3A_103 = arith.cmpi eq, %eq3A_101, %eq3A_102 : vector<512x128xi32>
    %convert_element_type3A_104 = arith.extui %eq3A_103 : vector<512x128xi1> to vector<512x128xi32>
    %convert_element_type3A_105 = arith.sitofp %convert_element_type3A_104 : vector<512x128xi32> to vector<512x128xf32>
    %dot_general3A_106 = arith.constant dense<0.000000e+00> : vector<512x128xf32>
    %dot_general3A_107 = tpu.matmul %convert_element_type3A_5, %convert_element_type3A_105, %dot_general3A_106 {dimension_numbers = #tpu.dot_dimension_numbers<[1], [0], [0], [1], [0, 0, 1, 1], [], []>, transpose_lhs_hint = false} : vector<512x512xf32>, vector<512x128xf32>, vector<512x128xf32> -> vector<512x128xf32>
    %sub3A_108 = arith.subf %dot_general3A_107, %convert_element_type3A_105 : vector<512x128xf32>
    %add3A_109 = vector.broadcast %add3A_99 : vector<1x128xf32> to vector<512x128xf32>
    %add3A_110 = arith.addf %sub3A_108, %add3A_109 : vector<512x128xf32>
    %mul3A_111 = arith.mulf %convert_element_type3A_105, %add3A_110 : vector<512x128xf32>
    %reduce_sum3A_112 = arith.constant dense<0.000000e+00> : vector<512xf32>
    %reduce_sum3A_113 = vector.multi_reduction <add>, %mul3A_111, %reduce_sum3A_112 [1] : vector<512x128xf32> to vector<512xf32>
    %broadcast_in_dim3A_114 = vector.shape_cast %reduce_sum3A_113 : vector<512xf32> to vector<512x1xf32>
    %swap3A_115 = arith.constant 2560 : index
    %swap3A_116 = arith.constant 0 : index
    %swap3A_117 = vector.load %arg3[%swap3A_115, %swap3A_116] : memref<8192x1xf32, #tpu.memory_space<vmem>>, vector<512x1xf32>
    tpu.vector_store %arg3[%swap3A_115, %swap3A_116], %broadcast_in_dim3A_114 {strides = array<i32>} : memref<8192x1xf32, #tpu.memory_space<vmem>>, vector<512x1xf32>,
    %slice3A_118 = vector.extract_strided_slice %dot_general3A_107 {offsets = [511, 0], sizes = [1, 128], strides = [1, 1]} : vector<512x128xf32> to vector<1x128xf32>
    %add3A_119 = arith.addf %add3A_99, %slice3A_118 : vector<1x128xf32>
    %slice3A_120 = vector.extract_strided_slice %reshape3A {offsets = [3072, 0], sizes = [512, 1], strides = [1, 1]} : vector<8192x1xi32> to vector<512x1xi32>
    %eq3A_121 = vector.broadcast %slice3A_120 : vector<512x1xi32> to vector<512x128xi32>
    %eq3A_122 = vector.broadcast %iota3A_6 : vector<1x128xi32> to vector<512x128xi32>
    %eq3A_123 = arith.cmpi eq, %eq3A_121, %eq3A_122 : vector<512x128xi32>
    %convert_element_type3A_124 = arith.extui %eq3A_123 : vector<512x128xi1> to vector<512x128xi32>
    %convert_element_type3A_125 = arith.sitofp %convert_element_type3A_124 : vector<512x128xi32> to vector<512x128xf32>
    %dot_general3A_126 = arith.constant dense<0.000000e+00> : vector<512x128xf32>
    %dot_general3A_127 = tpu.matmul %convert_element_type3A_5, %convert_element_type3A_125, %dot_general3A_126 {dimension_numbers = #tpu.dot_dimension_numbers<[1], [0], [0], [1], [0, 0, 1, 1], [], []>, transpose_lhs_hint = false} : vector<512x512xf32>, vector<512x128xf32>, vector<512x128xf32> -> vector<512x128xf32>
    %sub3A_128 = arith.subf %dot_general3A_127, %convert_element_type3A_125 : vector<512x128xf32>
    %add3A_129 = vector.broadcast %add3A_119 : vector<1x128xf32> to vector<512x128xf32>
    %add3A_130 = arith.addf %sub3A_128, %add3A_129 : vector<512x128xf32>
    %mul3A_131 = arith.mulf %convert_element_type3A_125, %add3A_130 : vector<512x128xf32>
    %reduce_sum3A_132 = arith.constant dense<0.000000e+00> : vector<512xf32>
    %reduce_sum3A_133 = vector.multi_reduction <add>, %mul3A_131, %reduce_sum3A_132 [1] : vector<512x128xf32> to vector<512xf32>
    %broadcast_in_dim3A_134 = vector.shape_cast %reduce_sum3A_133 : vector<512xf32> to vector<512x1xf32>
    %swap3A_135 = arith.constant 3072 : index
    %swap3A_136 = arith.constant 0 : index
    %swap3A_137 = vector.load %arg3[%swap3A_135, %swap3A_136] : memref<8192x1xf32, #tpu.memory_space<vmem>>, vector<512x1xf32>
    tpu.vector_store %arg3[%swap3A_135, %swap3A_136], %broadcast_in_dim3A_134 {strides = array<i32>} : memref<8192x1xf32, #tpu.memory_space<vmem>>, vector<512x1xf32>,
    %slice3A_138 = vector.extract_strided_slice %dot_general3A_127 {offsets = [511, 0], sizes = [1, 128], strides = [1, 1]} : vector<512x128xf32> to vector<1x128xf32>
    %add3A_139 = arith.addf %add3A_119, %slice3A_138 : vector<1x128xf32>
    %slice3A_140 = vector.extract_strided_slice %reshape3A {offsets = [3584, 0], sizes = [512, 1], strides = [1, 1]} : vector<8192x1xi32> to vector<512x1xi32>
    %eq3A_141 = vector.broadcast %slice3A_140 : vector<512x1xi32> to vector<512x128xi32>
    %eq3A_142 = vector.broadcast %iota3A_6 : vector<1x128xi32> to vector<512x128xi32>
    %eq3A_143 = arith.cmpi eq, %eq3A_141, %eq3A_142 : vector<512x128xi32>
    %convert_element_type3A_144 = arith.extui %eq3A_143 : vector<512x128xi1> to vector<512x128xi32>
    %convert_element_type3A_145 = arith.sitofp %convert_element_type3A_144 : vector<512x128xi32> to vector<512x128xf32>
    %dot_general3A_146 = arith.constant dense<0.000000e+00> : vector<512x128xf32>
    %dot_general3A_147 = tpu.matmul %convert_element_type3A_5, %convert_element_type3A_145, %dot_general3A_146 {dimension_numbers = #tpu.dot_dimension_numbers<[1], [0], [0], [1], [0, 0, 1, 1], [], []>, transpose_lhs_hint = false} : vector<512x512xf32>, vector<512x128xf32>, vector<512x128xf32> -> vector<512x128xf32>
    %sub3A_148 = arith.subf %dot_general3A_147, %convert_element_type3A_145 : vector<512x128xf32>
    %add3A_149 = vector.broadcast %add3A_139 : vector<1x128xf32> to vector<512x128xf32>
    %add3A_150 = arith.addf %sub3A_148, %add3A_149 : vector<512x128xf32>
    %mul3A_151 = arith.mulf %convert_element_type3A_145, %add3A_150 : vector<512x128xf32>
    %reduce_sum3A_152 = arith.constant dense<0.000000e+00> : vector<512xf32>
    %reduce_sum3A_153 = vector.multi_reduction <add>, %mul3A_151, %reduce_sum3A_152 [1] : vector<512x128xf32> to vector<512xf32>
    %broadcast_in_dim3A_154 = vector.shape_cast %reduce_sum3A_153 : vector<512xf32> to vector<512x1xf32>
    %swap3A_155 = arith.constant 3584 : index
    %swap3A_156 = arith.constant 0 : index
    %swap3A_157 = vector.load %arg3[%swap3A_155, %swap3A_156] : memref<8192x1xf32, #tpu.memory_space<vmem>>, vector<512x1xf32>
    tpu.vector_store %arg3[%swap3A_155, %swap3A_156], %broadcast_in_dim3A_154 {strides = array<i32>} : memref<8192x1xf32, #tpu.memory_space<vmem>>, vector<512x1xf32>,
    %slice3A_158 = vector.extract_strided_slice %dot_general3A_147 {offsets = [511, 0], sizes = [1, 128], strides = [1, 1]} : vector<512x128xf32> to vector<1x128xf32>
    %add3A_159 = arith.addf %add3A_139, %slice3A_158 : vector<1x128xf32>
    %slice3A_160 = vector.extract_strided_slice %reshape3A {offsets = [4096, 0], sizes = [512, 1], strides = [1, 1]} : vector<8192x1xi32> to vector<512x1xi32>
    %eq3A_161 = vector.broadcast %slice3A_160 : vector<512x1xi32> to vector<512x128xi32>
    %eq3A_162 = vector.broadcast %iota3A_6 : vector<1x128xi32> to vector<512x128xi32>
    %eq3A_163 = arith.cmpi eq, %eq3A_161, %eq3A_162 : vector<512x128xi32>
    %convert_element_type3A_164 = arith.extui %eq3A_163 : vector<512x128xi1> to vector<512x128xi32>
    %convert_element_type3A_165 = arith.sitofp %convert_element_type3A_164 : vector<512x128xi32> to vector<512x128xf32>
    %dot_general3A_166 = arith.constant dense<0.000000e+00> : vector<512x128xf32>
    %dot_general3A_167 = tpu.matmul %convert_element_type3A_5, %convert_element_type3A_165, %dot_general3A_166 {dimension_numbers = #tpu.dot_dimension_numbers<[1], [0], [0], [1], [0, 0, 1, 1], [], []>, transpose_lhs_hint = false} : vector<512x512xf32>, vector<512x128xf32>, vector<512x128xf32> -> vector<512x128xf32>
    %sub3A_168 = arith.subf %dot_general3A_167, %convert_element_type3A_165 : vector<512x128xf32>
    %add3A_169 = vector.broadcast %add3A_159 : vector<1x128xf32> to vector<512x128xf32>
    %add3A_170 = arith.addf %sub3A_168, %add3A_169 : vector<512x128xf32>
    %mul3A_171 = arith.mulf %convert_element_type3A_165, %add3A_170 : vector<512x128xf32>
    %reduce_sum3A_172 = arith.constant dense<0.000000e+00> : vector<512xf32>
    %reduce_sum3A_173 = vector.multi_reduction <add>, %mul3A_171, %reduce_sum3A_172 [1] : vector<512x128xf32> to vector<512xf32>
    %broadcast_in_dim3A_174 = vector.shape_cast %reduce_sum3A_173 : vector<512xf32> to vector<512x1xf32>
    %swap3A_175 = arith.constant 4096 : index
    %swap3A_176 = arith.constant 0 : index
    %swap3A_177 = vector.load %arg3[%swap3A_175, %swap3A_176] : memref<8192x1xf32, #tpu.memory_space<vmem>>, vector<512x1xf32>
    tpu.vector_store %arg3[%swap3A_175, %swap3A_176], %broadcast_in_dim3A_174 {strides = array<i32>} : memref<8192x1xf32, #tpu.memory_space<vmem>>, vector<512x1xf32>,
    %slice3A_178 = vector.extract_strided_slice %dot_general3A_167 {offsets = [511, 0], sizes = [1, 128], strides = [1, 1]} : vector<512x128xf32> to vector<1x128xf32>
    %add3A_179 = arith.addf %add3A_159, %slice3A_178 : vector<1x128xf32>
    %slice3A_180 = vector.extract_strided_slice %reshape3A {offsets = [4608, 0], sizes = [512, 1], strides = [1, 1]} : vector<8192x1xi32> to vector<512x1xi32>
    %eq3A_181 = vector.broadcast %slice3A_180 : vector<512x1xi32> to vector<512x128xi32>
    %eq3A_182 = vector.broadcast %iota3A_6 : vector<1x128xi32> to vector<512x128xi32>
    %eq3A_183 = arith.cmpi eq, %eq3A_181, %eq3A_182 : vector<512x128xi32>
    %convert_element_type3A_184 = arith.extui %eq3A_183 : vector<512x128xi1> to vector<512x128xi32>
    %convert_element_type3A_185 = arith.sitofp %convert_element_type3A_184 : vector<512x128xi32> to vector<512x128xf32>
    %dot_general3A_186 = arith.constant dense<0.000000e+00> : vector<512x128xf32>
    %dot_general3A_187 = tpu.matmul %convert_element_type3A_5, %convert_element_type3A_185, %dot_general3A_186 {dimension_numbers = #tpu.dot_dimension_numbers<[1], [0], [0], [1], [0, 0, 1, 1], [], []>, transpose_lhs_hint = false} : vector<512x512xf32>, vector<512x128xf32>, vector<512x128xf32> -> vector<512x128xf32>
    %sub3A_188 = arith.subf %dot_general3A_187, %convert_element_type3A_185 : vector<512x128xf32>
    %add3A_189 = vector.broadcast %add3A_179 : vector<1x128xf32> to vector<512x128xf32>
    %add3A_190 = arith.addf %sub3A_188, %add3A_189 : vector<512x128xf32>
    %mul3A_191 = arith.mulf %convert_element_type3A_185, %add3A_190 : vector<512x128xf32>
    %reduce_sum3A_192 = arith.constant dense<0.000000e+00> : vector<512xf32>
    %reduce_sum3A_193 = vector.multi_reduction <add>, %mul3A_191, %reduce_sum3A_192 [1] : vector<512x128xf32> to vector<512xf32>
    %broadcast_in_dim3A_194 = vector.shape_cast %reduce_sum3A_193 : vector<512xf32> to vector<512x1xf32>
    %swap3A_195 = arith.constant 4608 : index
    %swap3A_196 = arith.constant 0 : index
    %swap3A_197 = vector.load %arg3[%swap3A_195, %swap3A_196] : memref<8192x1xf32, #tpu.memory_space<vmem>>, vector<512x1xf32>
    tpu.vector_store %arg3[%swap3A_195, %swap3A_196], %broadcast_in_dim3A_194 {strides = array<i32>} : memref<8192x1xf32, #tpu.memory_space<vmem>>, vector<512x1xf32>,
    %slice3A_198 = vector.extract_strided_slice %dot_general3A_187 {offsets = [511, 0], sizes = [1, 128], strides = [1, 1]} : vector<512x128xf32> to vector<1x128xf32>
    %add3A_199 = arith.addf %add3A_179, %slice3A_198 : vector<1x128xf32>
    %slice3A_200 = vector.extract_strided_slice %reshape3A {offsets = [5120, 0], sizes = [512, 1], strides = [1, 1]} : vector<8192x1xi32> to vector<512x1xi32>
    %eq3A_201 = vector.broadcast %slice3A_200 : vector<512x1xi32> to vector<512x128xi32>
    %eq3A_202 = vector.broadcast %iota3A_6 : vector<1x128xi32> to vector<512x128xi32>
    %eq3A_203 = arith.cmpi eq, %eq3A_201, %eq3A_202 : vector<512x128xi32>
    %convert_element_type3A_204 = arith.extui %eq3A_203 : vector<512x128xi1> to vector<512x128xi32>
    %convert_element_type3A_205 = arith.sitofp %convert_element_type3A_204 : vector<512x128xi32> to vector<512x128xf32>
    %dot_general3A_206 = arith.constant dense<0.000000e+00> : vector<512x128xf32>
    %dot_general3A_207 = tpu.matmul %convert_element_type3A_5, %convert_element_type3A_205, %dot_general3A_206 {dimension_numbers = #tpu.dot_dimension_numbers<[1], [0], [0], [1], [0, 0, 1, 1], [], []>, transpose_lhs_hint = false} : vector<512x512xf32>, vector<512x128xf32>, vector<512x128xf32> -> vector<512x128xf32>
    %sub3A_208 = arith.subf %dot_general3A_207, %convert_element_type3A_205 : vector<512x128xf32>
    %add3A_209 = vector.broadcast %add3A_199 : vector<1x128xf32> to vector<512x128xf32>
    %add3A_210 = arith.addf %sub3A_208, %add3A_209 : vector<512x128xf32>
    %mul3A_211 = arith.mulf %convert_element_type3A_205, %add3A_210 : vector<512x128xf32>
    %reduce_sum3A_212 = arith.constant dense<0.000000e+00> : vector<512xf32>
    %reduce_sum3A_213 = vector.multi_reduction <add>, %mul3A_211, %reduce_sum3A_212 [1] : vector<512x128xf32> to vector<512xf32>
    %broadcast_in_dim3A_214 = vector.shape_cast %reduce_sum3A_213 : vector<512xf32> to vector<512x1xf32>
    %swap3A_215 = arith.constant 5120 : index
    %swap3A_216 = arith.constant 0 : index
    %swap3A_217 = vector.load %arg3[%swap3A_215, %swap3A_216] : memref<8192x1xf32, #tpu.memory_space<vmem>>, vector<512x1xf32>
    tpu.vector_store %arg3[%swap3A_215, %swap3A_216], %broadcast_in_dim3A_214 {strides = array<i32>} : memref<8192x1xf32, #tpu.memory_space<vmem>>, vector<512x1xf32>,
    %slice3A_218 = vector.extract_strided_slice %dot_general3A_207 {offsets = [511, 0], sizes = [1, 128], strides = [1, 1]} : vector<512x128xf32> to vector<1x128xf32>
    %add3A_219 = arith.addf %add3A_199, %slice3A_218 : vector<1x128xf32>
    %slice3A_220 = vector.extract_strided_slice %reshape3A {offsets = [5632, 0], sizes = [512, 1], strides = [1, 1]} : vector<8192x1xi32> to vector<512x1xi32>
    %eq3A_221 = vector.broadcast %slice3A_220 : vector<512x1xi32> to vector<512x128xi32>
    %eq3A_222 = vector.broadcast %iota3A_6 : vector<1x128xi32> to vector<512x128xi32>
    %eq3A_223 = arith.cmpi eq, %eq3A_221, %eq3A_222 : vector<512x128xi32>
    %convert_element_type3A_224 = arith.extui %eq3A_223 : vector<512x128xi1> to vector<512x128xi32>
    %convert_element_type3A_225 = arith.sitofp %convert_element_type3A_224 : vector<512x128xi32> to vector<512x128xf32>
    %dot_general3A_226 = arith.constant dense<0.000000e+00> : vector<512x128xf32>
    %dot_general3A_227 = tpu.matmul %convert_element_type3A_5, %convert_element_type3A_225, %dot_general3A_226 {dimension_numbers = #tpu.dot_dimension_numbers<[1], [0], [0], [1], [0, 0, 1, 1], [], []>, transpose_lhs_hint = false} : vector<512x512xf32>, vector<512x128xf32>, vector<512x128xf32> -> vector<512x128xf32>
    %sub3A_228 = arith.subf %dot_general3A_227, %convert_element_type3A_225 : vector<512x128xf32>
    %add3A_229 = vector.broadcast %add3A_219 : vector<1x128xf32> to vector<512x128xf32>
    %add3A_230 = arith.addf %sub3A_228, %add3A_229 : vector<512x128xf32>
    %mul3A_231 = arith.mulf %convert_element_type3A_225, %add3A_230 : vector<512x128xf32>
    %reduce_sum3A_232 = arith.constant dense<0.000000e+00> : vector<512xf32>
    %reduce_sum3A_233 = vector.multi_reduction <add>, %mul3A_231, %reduce_sum3A_232 [1] : vector<512x128xf32> to vector<512xf32>
    %broadcast_in_dim3A_234 = vector.shape_cast %reduce_sum3A_233 : vector<512xf32> to vector<512x1xf32>
    %swap3A_235 = arith.constant 5632 : index
    %swap3A_236 = arith.constant 0 : index
    %swap3A_237 = vector.load %arg3[%swap3A_235, %swap3A_236] : memref<8192x1xf32, #tpu.memory_space<vmem>>, vector<512x1xf32>
    tpu.vector_store %arg3[%swap3A_235, %swap3A_236], %broadcast_in_dim3A_234 {strides = array<i32>} : memref<8192x1xf32, #tpu.memory_space<vmem>>, vector<512x1xf32>,
    %slice3A_238 = vector.extract_strided_slice %dot_general3A_227 {offsets = [511, 0], sizes = [1, 128], strides = [1, 1]} : vector<512x128xf32> to vector<1x128xf32>
    %add3A_239 = arith.addf %add3A_219, %slice3A_238 : vector<1x128xf32>
    %slice3A_240 = vector.extract_strided_slice %reshape3A {offsets = [6144, 0], sizes = [512, 1], strides = [1, 1]} : vector<8192x1xi32> to vector<512x1xi32>
    %eq3A_241 = vector.broadcast %slice3A_240 : vector<512x1xi32> to vector<512x128xi32>
    %eq3A_242 = vector.broadcast %iota3A_6 : vector<1x128xi32> to vector<512x128xi32>
    %eq3A_243 = arith.cmpi eq, %eq3A_241, %eq3A_242 : vector<512x128xi32>
    %convert_element_type3A_244 = arith.extui %eq3A_243 : vector<512x128xi1> to vector<512x128xi32>
    %convert_element_type3A_245 = arith.sitofp %convert_element_type3A_244 : vector<512x128xi32> to vector<512x128xf32>
    %dot_general3A_246 = arith.constant dense<0.000000e+00> : vector<512x128xf32>
    %dot_general3A_247 = tpu.matmul %convert_element_type3A_5, %convert_element_type3A_245, %dot_general3A_246 {dimension_numbers = #tpu.dot_dimension_numbers<[1], [0], [0], [1], [0, 0, 1, 1], [], []>, transpose_lhs_hint = false} : vector<512x512xf32>, vector<512x128xf32>, vector<512x128xf32> -> vector<512x128xf32>
    %sub3A_248 = arith.subf %dot_general3A_247, %convert_element_type3A_245 : vector<512x128xf32>
    %add3A_249 = vector.broadcast %add3A_239 : vector<1x128xf32> to vector<512x128xf32>
    %add3A_250 = arith.addf %sub3A_248, %add3A_249 : vector<512x128xf32>
    %mul3A_251 = arith.mulf %convert_element_type3A_245, %add3A_250 : vector<512x128xf32>
    %reduce_sum3A_252 = arith.constant dense<0.000000e+00> : vector<512xf32>
    %reduce_sum3A_253 = vector.multi_reduction <add>, %mul3A_251, %reduce_sum3A_252 [1] : vector<512x128xf32> to vector<512xf32>
    %broadcast_in_dim3A_254 = vector.shape_cast %reduce_sum3A_253 : vector<512xf32> to vector<512x1xf32>
    %swap3A_255 = arith.constant 6144 : index
    %swap3A_256 = arith.constant 0 : index
    %swap3A_257 = vector.load %arg3[%swap3A_255, %swap3A_256] : memref<8192x1xf32, #tpu.memory_space<vmem>>, vector<512x1xf32>
    tpu.vector_store %arg3[%swap3A_255, %swap3A_256], %broadcast_in_dim3A_254 {strides = array<i32>} : memref<8192x1xf32, #tpu.memory_space<vmem>>, vector<512x1xf32>,
    %slice3A_258 = vector.extract_strided_slice %dot_general3A_247 {offsets = [511, 0], sizes = [1, 128], strides = [1, 1]} : vector<512x128xf32> to vector<1x128xf32>
    %add3A_259 = arith.addf %add3A_239, %slice3A_258 : vector<1x128xf32>
    %slice3A_260 = vector.extract_strided_slice %reshape3A {offsets = [6656, 0], sizes = [512, 1], strides = [1, 1]} : vector<8192x1xi32> to vector<512x1xi32>
    %eq3A_261 = vector.broadcast %slice3A_260 : vector<512x1xi32> to vector<512x128xi32>
    %eq3A_262 = vector.broadcast %iota3A_6 : vector<1x128xi32> to vector<512x128xi32>
    %eq3A_263 = arith.cmpi eq, %eq3A_261, %eq3A_262 : vector<512x128xi32>
    %convert_element_type3A_264 = arith.extui %eq3A_263 : vector<512x128xi1> to vector<512x128xi32>
    %convert_element_type3A_265 = arith.sitofp %convert_element_type3A_264 : vector<512x128xi32> to vector<512x128xf32>
    %dot_general3A_266 = arith.constant dense<0.000000e+00> : vector<512x128xf32>
    %dot_general3A_267 = tpu.matmul %convert_element_type3A_5, %convert_element_type3A_265, %dot_general3A_266 {dimension_numbers = #tpu.dot_dimension_numbers<[1], [0], [0], [1], [0, 0, 1, 1], [], []>, transpose_lhs_hint = false} : vector<512x512xf32>, vector<512x128xf32>, vector<512x128xf32> -> vector<512x128xf32>
    %sub3A_268 = arith.subf %dot_general3A_267, %convert_element_type3A_265 : vector<512x128xf32>
    %add3A_269 = vector.broadcast %add3A_259 : vector<1x128xf32> to vector<512x128xf32>
    %add3A_270 = arith.addf %sub3A_268, %add3A_269 : vector<512x128xf32>
    %mul3A_271 = arith.mulf %convert_element_type3A_265, %add3A_270 : vector<512x128xf32>
    %reduce_sum3A_272 = arith.constant dense<0.000000e+00> : vector<512xf32>
    %reduce_sum3A_273 = vector.multi_reduction <add>, %mul3A_271, %reduce_sum3A_272 [1] : vector<512x128xf32> to vector<512xf32>
    %broadcast_in_dim3A_274 = vector.shape_cast %reduce_sum3A_273 : vector<512xf32> to vector<512x1xf32>
    %swap3A_275 = arith.constant 6656 : index
    %swap3A_276 = arith.constant 0 : index
    %swap3A_277 = vector.load %arg3[%swap3A_275, %swap3A_276] : memref<8192x1xf32, #tpu.memory_space<vmem>>, vector<512x1xf32>
    tpu.vector_store %arg3[%swap3A_275, %swap3A_276], %broadcast_in_dim3A_274 {strides = array<i32>} : memref<8192x1xf32, #tpu.memory_space<vmem>>, vector<512x1xf32>,
    %slice3A_278 = vector.extract_strided_slice %dot_general3A_267 {offsets = [511, 0], sizes = [1, 128], strides = [1, 1]} : vector<512x128xf32> to vector<1x128xf32>
    %add3A_279 = arith.addf %add3A_259, %slice3A_278 : vector<1x128xf32>
    %slice3A_280 = vector.extract_strided_slice %reshape3A {offsets = [7168, 0], sizes = [512, 1], strides = [1, 1]} : vector<8192x1xi32> to vector<512x1xi32>
    %eq3A_281 = vector.broadcast %slice3A_280 : vector<512x1xi32> to vector<512x128xi32>
    %eq3A_282 = vector.broadcast %iota3A_6 : vector<1x128xi32> to vector<512x128xi32>
    %eq3A_283 = arith.cmpi eq, %eq3A_281, %eq3A_282 : vector<512x128xi32>
    %convert_element_type3A_284 = arith.extui %eq3A_283 : vector<512x128xi1> to vector<512x128xi32>
    %convert_element_type3A_285 = arith.sitofp %convert_element_type3A_284 : vector<512x128xi32> to vector<512x128xf32>
    %dot_general3A_286 = arith.constant dense<0.000000e+00> : vector<512x128xf32>
    %dot_general3A_287 = tpu.matmul %convert_element_type3A_5, %convert_element_type3A_285, %dot_general3A_286 {dimension_numbers = #tpu.dot_dimension_numbers<[1], [0], [0], [1], [0, 0, 1, 1], [], []>, transpose_lhs_hint = false} : vector<512x512xf32>, vector<512x128xf32>, vector<512x128xf32> -> vector<512x128xf32>
    %sub3A_288 = arith.subf %dot_general3A_287, %convert_element_type3A_285 : vector<512x128xf32>
    %add3A_289 = vector.broadcast %add3A_279 : vector<1x128xf32> to vector<512x128xf32>
    %add3A_290 = arith.addf %sub3A_288, %add3A_289 : vector<512x128xf32>
    %mul3A_291 = arith.mulf %convert_element_type3A_285, %add3A_290 : vector<512x128xf32>
    %reduce_sum3A_292 = arith.constant dense<0.000000e+00> : vector<512xf32>
    %reduce_sum3A_293 = vector.multi_reduction <add>, %mul3A_291, %reduce_sum3A_292 [1] : vector<512x128xf32> to vector<512xf32>
    %broadcast_in_dim3A_294 = vector.shape_cast %reduce_sum3A_293 : vector<512xf32> to vector<512x1xf32>
    %swap3A_295 = arith.constant 7168 : index
    %swap3A_296 = arith.constant 0 : index
    %swap3A_297 = vector.load %arg3[%swap3A_295, %swap3A_296] : memref<8192x1xf32, #tpu.memory_space<vmem>>, vector<512x1xf32>
    tpu.vector_store %arg3[%swap3A_295, %swap3A_296], %broadcast_in_dim3A_294 {strides = array<i32>} : memref<8192x1xf32, #tpu.memory_space<vmem>>, vector<512x1xf32>,
    %slice3A_298 = vector.extract_strided_slice %dot_general3A_287 {offsets = [511, 0], sizes = [1, 128], strides = [1, 1]} : vector<512x128xf32> to vector<1x128xf32>
    %add3A_299 = arith.addf %add3A_279, %slice3A_298 : vector<1x128xf32>
    %slice3A_300 = vector.extract_strided_slice %reshape3A {offsets = [7680, 0], sizes = [512, 1], strides = [1, 1]} : vector<8192x1xi32> to vector<512x1xi32>
    %eq3A_301 = vector.broadcast %slice3A_300 : vector<512x1xi32> to vector<512x128xi32>
    %eq3A_302 = vector.broadcast %iota3A_6 : vector<1x128xi32> to vector<512x128xi32>
    %eq3A_303 = arith.cmpi eq, %eq3A_301, %eq3A_302 : vector<512x128xi32>
    %convert_element_type3A_304 = arith.extui %eq3A_303 : vector<512x128xi1> to vector<512x128xi32>
    %convert_element_type3A_305 = arith.sitofp %convert_element_type3A_304 : vector<512x128xi32> to vector<512x128xf32>
    %dot_general3A_306 = arith.constant dense<0.000000e+00> : vector<512x128xf32>
    %dot_general3A_307 = tpu.matmul %convert_element_type3A_5, %convert_element_type3A_305, %dot_general3A_306 {dimension_numbers = #tpu.dot_dimension_numbers<[1], [0], [0], [1], [0, 0, 1, 1], [], []>, transpose_lhs_hint = false} : vector<512x512xf32>, vector<512x128xf32>, vector<512x128xf32> -> vector<512x128xf32>
    %sub3A_308 = arith.subf %dot_general3A_307, %convert_element_type3A_305 : vector<512x128xf32>
    %add3A_309 = vector.broadcast %add3A_299 : vector<1x128xf32> to vector<512x128xf32>
    %add3A_310 = arith.addf %sub3A_308, %add3A_309 : vector<512x128xf32>
    %mul3A_311 = arith.mulf %convert_element_type3A_305, %add3A_310 : vector<512x128xf32>
    %reduce_sum3A_312 = arith.constant dense<0.000000e+00> : vector<512xf32>
    %reduce_sum3A_313 = vector.multi_reduction <add>, %mul3A_311, %reduce_sum3A_312 [1] : vector<512x128xf32> to vector<512xf32>
    %broadcast_in_dim3A_314 = vector.shape_cast %reduce_sum3A_313 : vector<512xf32> to vector<512x1xf32>
    %swap3A_315 = arith.constant 7680 : index
    %swap3A_316 = arith.constant 0 : index
    %swap3A_317 = vector.load %arg3[%swap3A_315, %swap3A_316] : memref<8192x1xf32, #tpu.memory_space<vmem>>, vector<512x1xf32>
    tpu.vector_store %arg3[%swap3A_315, %swap3A_316], %broadcast_in_dim3A_314 {strides = array<i32>} : memref<8192x1xf32, #tpu.memory_space<vmem>>, vector<512x1xf32>,
    %slice3A_318 = vector.extract_strided_slice %dot_general3A_307 {offsets = [511, 0], sizes = [1, 128], strides = [1, 1]} : vector<512x128xf32> to vector<1x128xf32>
    %add3A_319 = arith.addf %add3A_299, %slice3A_318 : vector<1x128xf32>
    %iota3A_320 = tpu.iota {dimensions = array<i32: 0>} : vector<128x128xi32>
    %iota3A_321 = tpu.iota {dimensions = array<i32: 1>} : vector<128x128xi32>
    %lt3A = arith.cmpi slt, %iota3A_320, %iota3A_321 : vector<128x128xi32>
    %convert_element_type3A_322 = arith.extui %lt3A : vector<128x128xi1> to vector<128x128xi32>
    %convert_element_type3A_323 = arith.sitofp %convert_element_type3A_322 : vector<128x128xi32> to vector<128x128xf32>
    %dot_general3A_324 = arith.constant dense<0.000000e+00> : vector<1x128xf32>
    %dot_general3A_325 = tpu.matmul %add3A_319, %convert_element_type3A_323, %dot_general3A_324 {dimension_numbers = #tpu.dot_dimension_numbers<[1], [0], [0], [1], [0, 0, 1, 1], [], []>, transpose_lhs_hint = false} : vector<1x128xf32>, vector<128x128xf32>, vector<1x128xf32> -> vector<1x128xf32>
    %slice3A_326 = vector.extract_strided_slice %reshape3A {offsets = [0, 0], sizes = [512, 1], strides = [1, 1]} : vector<8192x1xi32> to vector<512x1xi32>
    %eq3A_327 = vector.broadcast %slice3A_326 : vector<512x1xi32> to vector<512x128xi32>
    %eq3A_328 = vector.broadcast %iota3A_6 : vector<1x128xi32> to vector<512x128xi32>
    %eq3A_329 = arith.cmpi eq, %eq3A_327, %eq3A_328 : vector<512x128xi32>
    %convert_element_type3A_330 = arith.extui %eq3A_329 : vector<512x128xi1> to vector<512x128xi32>
    %convert_element_type3A_331 = arith.sitofp %convert_element_type3A_330 : vector<512x128xi32> to vector<512x128xf32>
    %mul3A_332 = vector.broadcast %dot_general3A_325 : vector<1x128xf32> to vector<512x128xf32>
    %mul3A_333 = arith.mulf %convert_element_type3A_331, %mul3A_332 : vector<512x128xf32>
    %reduce_sum3A_334 = arith.constant dense<0.000000e+00> : vector<512xf32>
    %reduce_sum3A_335 = vector.multi_reduction <add>, %mul3A_333, %reduce_sum3A_334 [1] : vector<512x128xf32> to vector<512xf32>
    %broadcast_in_dim3A_336 = vector.shape_cast %reduce_sum3A_335 : vector<512xf32> to vector<512x1xf32>
    %get3A_337 = arith.constant 0 : index
    %get3A_338 = arith.constant 0 : index
    %get3A_339 = vector.load %arg3[%get3A_337, %get3A_338] : memref<8192x1xf32, #tpu.memory_space<vmem>>, vector<512x1xf32>
    %add3A_340 = arith.addf %get3A_339, %broadcast_in_dim3A_336 : vector<512x1xf32>
    %swap3A_341 = arith.constant 0 : index
    %swap3A_342 = arith.constant 0 : index
    %swap3A_343 = vector.load %arg3[%swap3A_341, %swap3A_342] : memref<8192x1xf32, #tpu.memory_space<vmem>>, vector<512x1xf32>
    tpu.vector_store %arg3[%swap3A_341, %swap3A_342], %add3A_340 {strides = array<i32>} : memref<8192x1xf32, #tpu.memory_space<vmem>>, vector<512x1xf32>,
    %slice3A_344 = vector.extract_strided_slice %reshape3A {offsets = [512, 0], sizes = [512, 1], strides = [1, 1]} : vector<8192x1xi32> to vector<512x1xi32>
    %eq3A_345 = vector.broadcast %slice3A_344 : vector<512x1xi32> to vector<512x128xi32>
    %eq3A_346 = vector.broadcast %iota3A_6 : vector<1x128xi32> to vector<512x128xi32>
    %eq3A_347 = arith.cmpi eq, %eq3A_345, %eq3A_346 : vector<512x128xi32>
    %convert_element_type3A_348 = arith.extui %eq3A_347 : vector<512x128xi1> to vector<512x128xi32>
    %convert_element_type3A_349 = arith.sitofp %convert_element_type3A_348 : vector<512x128xi32> to vector<512x128xf32>
    %mul3A_350 = vector.broadcast %dot_general3A_325 : vector<1x128xf32> to vector<512x128xf32>
    %mul3A_351 = arith.mulf %convert_element_type3A_349, %mul3A_350 : vector<512x128xf32>
    %reduce_sum3A_352 = arith.constant dense<0.000000e+00> : vector<512xf32>
    %reduce_sum3A_353 = vector.multi_reduction <add>, %mul3A_351, %reduce_sum3A_352 [1] : vector<512x128xf32> to vector<512xf32>
    %broadcast_in_dim3A_354 = vector.shape_cast %reduce_sum3A_353 : vector<512xf32> to vector<512x1xf32>
    %get3A_355 = arith.constant 512 : index
    %get3A_356 = arith.constant 0 : index
    %get3A_357 = vector.load %arg3[%get3A_355, %get3A_356] : memref<8192x1xf32, #tpu.memory_space<vmem>>, vector<512x1xf32>
    %add3A_358 = arith.addf %get3A_357, %broadcast_in_dim3A_354 : vector<512x1xf32>
    %swap3A_359 = arith.constant 512 : index
    %swap3A_360 = arith.constant 0 : index
    %swap3A_361 = vector.load %arg3[%swap3A_359, %swap3A_360] : memref<8192x1xf32, #tpu.memory_space<vmem>>, vector<512x1xf32>
    tpu.vector_store %arg3[%swap3A_359, %swap3A_360], %add3A_358 {strides = array<i32>} : memref<8192x1xf32, #tpu.memory_space<vmem>>, vector<512x1xf32>,
    %slice3A_362 = vector.extract_strided_slice %reshape3A {offsets = [1024, 0], sizes = [512, 1], strides = [1, 1]} : vector<8192x1xi32> to vector<512x1xi32>
    %eq3A_363 = vector.broadcast %slice3A_362 : vector<512x1xi32> to vector<512x128xi32>
    %eq3A_364 = vector.broadcast %iota3A_6 : vector<1x128xi32> to vector<512x128xi32>
    %eq3A_365 = arith.cmpi eq, %eq3A_363, %eq3A_364 : vector<512x128xi32>
    %convert_element_type3A_366 = arith.extui %eq3A_365 : vector<512x128xi1> to vector<512x128xi32>
    %convert_element_type3A_367 = arith.sitofp %convert_element_type3A_366 : vector<512x128xi32> to vector<512x128xf32>
    %mul3A_368 = vector.broadcast %dot_general3A_325 : vector<1x128xf32> to vector<512x128xf32>
    %mul3A_369 = arith.mulf %convert_element_type3A_367, %mul3A_368 : vector<512x128xf32>
    %reduce_sum3A_370 = arith.constant dense<0.000000e+00> : vector<512xf32>
    %reduce_sum3A_371 = vector.multi_reduction <add>, %mul3A_369, %reduce_sum3A_370 [1] : vector<512x128xf32> to vector<512xf32>
    %broadcast_in_dim3A_372 = vector.shape_cast %reduce_sum3A_371 : vector<512xf32> to vector<512x1xf32>
    %get3A_373 = arith.constant 1024 : index
    %get3A_374 = arith.constant 0 : index
    %get3A_375 = vector.load %arg3[%get3A_373, %get3A_374] : memref<8192x1xf32, #tpu.memory_space<vmem>>, vector<512x1xf32>
    %add3A_376 = arith.addf %get3A_375, %broadcast_in_dim3A_372 : vector<512x1xf32>
    %swap3A_377 = arith.constant 1024 : index
    %swap3A_378 = arith.constant 0 : index
    %swap3A_379 = vector.load %arg3[%swap3A_377, %swap3A_378] : memref<8192x1xf32, #tpu.memory_space<vmem>>, vector<512x1xf32>
    tpu.vector_store %arg3[%swap3A_377, %swap3A_378], %add3A_376 {strides = array<i32>} : memref<8192x1xf32, #tpu.memory_space<vmem>>, vector<512x1xf32>,
    %slice3A_380 = vector.extract_strided_slice %reshape3A {offsets = [1536, 0], sizes = [512, 1], strides = [1, 1]} : vector<8192x1xi32> to vector<512x1xi32>
    %eq3A_381 = vector.broadcast %slice3A_380 : vector<512x1xi32> to vector<512x128xi32>
    %eq3A_382 = vector.broadcast %iota3A_6 : vector<1x128xi32> to vector<512x128xi32>
    %eq3A_383 = arith.cmpi eq, %eq3A_381, %eq3A_382 : vector<512x128xi32>
    %convert_element_type3A_384 = arith.extui %eq3A_383 : vector<512x128xi1> to vector<512x128xi32>
    %convert_element_type3A_385 = arith.sitofp %convert_element_type3A_384 : vector<512x128xi32> to vector<512x128xf32>
    %mul3A_386 = vector.broadcast %dot_general3A_325 : vector<1x128xf32> to vector<512x128xf32>
    %mul3A_387 = arith.mulf %convert_element_type3A_385, %mul3A_386 : vector<512x128xf32>
    %reduce_sum3A_388 = arith.constant dense<0.000000e+00> : vector<512xf32>
    %reduce_sum3A_389 = vector.multi_reduction <add>, %mul3A_387, %reduce_sum3A_388 [1] : vector<512x128xf32> to vector<512xf32>
    %broadcast_in_dim3A_390 = vector.shape_cast %reduce_sum3A_389 : vector<512xf32> to vector<512x1xf32>
    %get3A_391 = arith.constant 1536 : index
    %get3A_392 = arith.constant 0 : index
    %get3A_393 = vector.load %arg3[%get3A_391, %get3A_392] : memref<8192x1xf32, #tpu.memory_space<vmem>>, vector<512x1xf32>
    %add3A_394 = arith.addf %get3A_393, %broadcast_in_dim3A_390 : vector<512x1xf32>
    %swap3A_395 = arith.constant 1536 : index
    %swap3A_396 = arith.constant 0 : index
    %swap3A_397 = vector.load %arg3[%swap3A_395, %swap3A_396] : memref<8192x1xf32, #tpu.memory_space<vmem>>, vector<512x1xf32>
    tpu.vector_store %arg3[%swap3A_395, %swap3A_396], %add3A_394 {strides = array<i32>} : memref<8192x1xf32, #tpu.memory_space<vmem>>, vector<512x1xf32>,
    %slice3A_398 = vector.extract_strided_slice %reshape3A {offsets = [2048, 0], sizes = [512, 1], strides = [1, 1]} : vector<8192x1xi32> to vector<512x1xi32>
    %eq3A_399 = vector.broadcast %slice3A_398 : vector<512x1xi32> to vector<512x128xi32>
    %eq3A_400 = vector.broadcast %iota3A_6 : vector<1x128xi32> to vector<512x128xi32>
    %eq3A_401 = arith.cmpi eq, %eq3A_399, %eq3A_400 : vector<512x128xi32>
    %convert_element_type3A_402 = arith.extui %eq3A_401 : vector<512x128xi1> to vector<512x128xi32>
    %convert_element_type3A_403 = arith.sitofp %convert_element_type3A_402 : vector<512x128xi32> to vector<512x128xf32>
    %mul3A_404 = vector.broadcast %dot_general3A_325 : vector<1x128xf32> to vector<512x128xf32>
    %mul3A_405 = arith.mulf %convert_element_type3A_403, %mul3A_404 : vector<512x128xf32>
    %reduce_sum3A_406 = arith.constant dense<0.000000e+00> : vector<512xf32>
    %reduce_sum3A_407 = vector.multi_reduction <add>, %mul3A_405, %reduce_sum3A_406 [1] : vector<512x128xf32> to vector<512xf32>
    %broadcast_in_dim3A_408 = vector.shape_cast %reduce_sum3A_407 : vector<512xf32> to vector<512x1xf32>
    %get3A_409 = arith.constant 2048 : index
    %get3A_410 = arith.constant 0 : index
    %get3A_411 = vector.load %arg3[%get3A_409, %get3A_410] : memref<8192x1xf32, #tpu.memory_space<vmem>>, vector<512x1xf32>
    %add3A_412 = arith.addf %get3A_411, %broadcast_in_dim3A_408 : vector<512x1xf32>
    %swap3A_413 = arith.constant 2048 : index
    %swap3A_414 = arith.constant 0 : index
    %swap3A_415 = vector.load %arg3[%swap3A_413, %swap3A_414] : memref<8192x1xf32, #tpu.memory_space<vmem>>, vector<512x1xf32>
    tpu.vector_store %arg3[%swap3A_413, %swap3A_414], %add3A_412 {strides = array<i32>} : memref<8192x1xf32, #tpu.memory_space<vmem>>, vector<512x1xf32>,
    %slice3A_416 = vector.extract_strided_slice %reshape3A {offsets = [2560, 0], sizes = [512, 1], strides = [1, 1]} : vector<8192x1xi32> to vector<512x1xi32>
    %eq3A_417 = vector.broadcast %slice3A_416 : vector<512x1xi32> to vector<512x128xi32>
    %eq3A_418 = vector.broadcast %iota3A_6 : vector<1x128xi32> to vector<512x128xi32>
    %eq3A_419 = arith.cmpi eq, %eq3A_417, %eq3A_418 : vector<512x128xi32>
    %convert_element_type3A_420 = arith.extui %eq3A_419 : vector<512x128xi1> to vector<512x128xi32>
    %convert_element_type3A_421 = arith.sitofp %convert_element_type3A_420 : vector<512x128xi32> to vector<512x128xf32>
    %mul3A_422 = vector.broadcast %dot_general3A_325 : vector<1x128xf32> to vector<512x128xf32>
    %mul3A_423 = arith.mulf %convert_element_type3A_421, %mul3A_422 : vector<512x128xf32>
    %reduce_sum3A_424 = arith.constant dense<0.000000e+00> : vector<512xf32>
    %reduce_sum3A_425 = vector.multi_reduction <add>, %mul3A_423, %reduce_sum3A_424 [1] : vector<512x128xf32> to vector<512xf32>
    %broadcast_in_dim3A_426 = vector.shape_cast %reduce_sum3A_425 : vector<512xf32> to vector<512x1xf32>
    %get3A_427 = arith.constant 2560 : index
    %get3A_428 = arith.constant 0 : index
    %get3A_429 = vector.load %arg3[%get3A_427, %get3A_428] : memref<8192x1xf32, #tpu.memory_space<vmem>>, vector<512x1xf32>
    %add3A_430 = arith.addf %get3A_429, %broadcast_in_dim3A_426 : vector<512x1xf32>
    %swap3A_431 = arith.constant 2560 : index
    %swap3A_432 = arith.constant 0 : index
    %swap3A_433 = vector.load %arg3[%swap3A_431, %swap3A_432] : memref<8192x1xf32, #tpu.memory_space<vmem>>, vector<512x1xf32>
    tpu.vector_store %arg3[%swap3A_431, %swap3A_432], %add3A_430 {strides = array<i32>} : memref<8192x1xf32, #tpu.memory_space<vmem>>, vector<512x1xf32>,
    %slice3A_434 = vector.extract_strided_slice %reshape3A {offsets = [3072, 0], sizes = [512, 1], strides = [1, 1]} : vector<8192x1xi32> to vector<512x1xi32>
    %eq3A_435 = vector.broadcast %slice3A_434 : vector<512x1xi32> to vector<512x128xi32>
    %eq3A_436 = vector.broadcast %iota3A_6 : vector<1x128xi32> to vector<512x128xi32>
    %eq3A_437 = arith.cmpi eq, %eq3A_435, %eq3A_436 : vector<512x128xi32>
    %convert_element_type3A_438 = arith.extui %eq3A_437 : vector<512x128xi1> to vector<512x128xi32>
    %convert_element_type3A_439 = arith.sitofp %convert_element_type3A_438 : vector<512x128xi32> to vector<512x128xf32>
    %mul3A_440 = vector.broadcast %dot_general3A_325 : vector<1x128xf32> to vector<512x128xf32>
    %mul3A_441 = arith.mulf %convert_element_type3A_439, %mul3A_440 : vector<512x128xf32>
    %reduce_sum3A_442 = arith.constant dense<0.000000e+00> : vector<512xf32>
    %reduce_sum3A_443 = vector.multi_reduction <add>, %mul3A_441, %reduce_sum3A_442 [1] : vector<512x128xf32> to vector<512xf32>
    %broadcast_in_dim3A_444 = vector.shape_cast %reduce_sum3A_443 : vector<512xf32> to vector<512x1xf32>
    %get3A_445 = arith.constant 3072 : index
    %get3A_446 = arith.constant 0 : index
    %get3A_447 = vector.load %arg3[%get3A_445, %get3A_446] : memref<8192x1xf32, #tpu.memory_space<vmem>>, vector<512x1xf32>
    %add3A_448 = arith.addf %get3A_447, %broadcast_in_dim3A_444 : vector<512x1xf32>
    %swap3A_449 = arith.constant 3072 : index
    %swap3A_450 = arith.constant 0 : index
    %swap3A_451 = vector.load %arg3[%swap3A_449, %swap3A_450] : memref<8192x1xf32, #tpu.memory_space<vmem>>, vector<512x1xf32>
    tpu.vector_store %arg3[%swap3A_449, %swap3A_450], %add3A_448 {strides = array<i32>} : memref<8192x1xf32, #tpu.memory_space<vmem>>, vector<512x1xf32>,
    %slice3A_452 = vector.extract_strided_slice %reshape3A {offsets = [3584, 0], sizes = [512, 1], strides = [1, 1]} : vector<8192x1xi32> to vector<512x1xi32>
    %eq3A_453 = vector.broadcast %slice3A_452 : vector<512x1xi32> to vector<512x128xi32>
    %eq3A_454 = vector.broadcast %iota3A_6 : vector<1x128xi32> to vector<512x128xi32>
    %eq3A_455 = arith.cmpi eq, %eq3A_453, %eq3A_454 : vector<512x128xi32>
    %convert_element_type3A_456 = arith.extui %eq3A_455 : vector<512x128xi1> to vector<512x128xi32>
    %convert_element_type3A_457 = arith.sitofp %convert_element_type3A_456 : vector<512x128xi32> to vector<512x128xf32>
    %mul3A_458 = vector.broadcast %dot_general3A_325 : vector<1x128xf32> to vector<512x128xf32>
    %mul3A_459 = arith.mulf %convert_element_type3A_457, %mul3A_458 : vector<512x128xf32>
    %reduce_sum3A_460 = arith.constant dense<0.000000e+00> : vector<512xf32>
    %reduce_sum3A_461 = vector.multi_reduction <add>, %mul3A_459, %reduce_sum3A_460 [1] : vector<512x128xf32> to vector<512xf32>
    %broadcast_in_dim3A_462 = vector.shape_cast %reduce_sum3A_461 : vector<512xf32> to vector<512x1xf32>
    %get3A_463 = arith.constant 3584 : index
    %get3A_464 = arith.constant 0 : index
    %get3A_465 = vector.load %arg3[%get3A_463, %get3A_464] : memref<8192x1xf32, #tpu.memory_space<vmem>>, vector<512x1xf32>
    %add3A_466 = arith.addf %get3A_465, %broadcast_in_dim3A_462 : vector<512x1xf32>
    %swap3A_467 = arith.constant 3584 : index
    %swap3A_468 = arith.constant 0 : index
    %swap3A_469 = vector.load %arg3[%swap3A_467, %swap3A_468] : memref<8192x1xf32, #tpu.memory_space<vmem>>, vector<512x1xf32>
    tpu.vector_store %arg3[%swap3A_467, %swap3A_468], %add3A_466 {strides = array<i32>} : memref<8192x1xf32, #tpu.memory_space<vmem>>, vector<512x1xf32>,
    %slice3A_470 = vector.extract_strided_slice %reshape3A {offsets = [4096, 0], sizes = [512, 1], strides = [1, 1]} : vector<8192x1xi32> to vector<512x1xi32>
    %eq3A_471 = vector.broadcast %slice3A_470 : vector<512x1xi32> to vector<512x128xi32>
    %eq3A_472 = vector.broadcast %iota3A_6 : vector<1x128xi32> to vector<512x128xi32>
    %eq3A_473 = arith.cmpi eq, %eq3A_471, %eq3A_472 : vector<512x128xi32>
    %convert_element_type3A_474 = arith.extui %eq3A_473 : vector<512x128xi1> to vector<512x128xi32>
    %convert_element_type3A_475 = arith.sitofp %convert_element_type3A_474 : vector<512x128xi32> to vector<512x128xf32>
    %mul3A_476 = vector.broadcast %dot_general3A_325 : vector<1x128xf32> to vector<512x128xf32>
    %mul3A_477 = arith.mulf %convert_element_type3A_475, %mul3A_476 : vector<512x128xf32>
    %reduce_sum3A_478 = arith.constant dense<0.000000e+00> : vector<512xf32>
    %reduce_sum3A_479 = vector.multi_reduction <add>, %mul3A_477, %reduce_sum3A_478 [1] : vector<512x128xf32> to vector<512xf32>
    %broadcast_in_dim3A_480 = vector.shape_cast %reduce_sum3A_479 : vector<512xf32> to vector<512x1xf32>
    %get3A_481 = arith.constant 4096 : index
    %get3A_482 = arith.constant 0 : index
    %get3A_483 = vector.load %arg3[%get3A_481, %get3A_482] : memref<8192x1xf32, #tpu.memory_space<vmem>>, vector<512x1xf32>
    %add3A_484 = arith.addf %get3A_483, %broadcast_in_dim3A_480 : vector<512x1xf32>
    %swap3A_485 = arith.constant 4096 : index
    %swap3A_486 = arith.constant 0 : index
    %swap3A_487 = vector.load %arg3[%swap3A_485, %swap3A_486] : memref<8192x1xf32, #tpu.memory_space<vmem>>, vector<512x1xf32>
    tpu.vector_store %arg3[%swap3A_485, %swap3A_486], %add3A_484 {strides = array<i32>} : memref<8192x1xf32, #tpu.memory_space<vmem>>, vector<512x1xf32>,
    %slice3A_488 = vector.extract_strided_slice %reshape3A {offsets = [4608, 0], sizes = [512, 1], strides = [1, 1]} : vector<8192x1xi32> to vector<512x1xi32>
    %eq3A_489 = vector.broadcast %slice3A_488 : vector<512x1xi32> to vector<512x128xi32>
    %eq3A_490 = vector.broadcast %iota3A_6 : vector<1x128xi32> to vector<512x128xi32>
    %eq3A_491 = arith.cmpi eq, %eq3A_489, %eq3A_490 : vector<512x128xi32>
    %convert_element_type3A_492 = arith.extui %eq3A_491 : vector<512x128xi1> to vector<512x128xi32>
    %convert_element_type3A_493 = arith.sitofp %convert_element_type3A_492 : vector<512x128xi32> to vector<512x128xf32>
    %mul3A_494 = vector.broadcast %dot_general3A_325 : vector<1x128xf32> to vector<512x128xf32>
    %mul3A_495 = arith.mulf %convert_element_type3A_493, %mul3A_494 : vector<512x128xf32>
    %reduce_sum3A_496 = arith.constant dense<0.000000e+00> : vector<512xf32>
    %reduce_sum3A_497 = vector.multi_reduction <add>, %mul3A_495, %reduce_sum3A_496 [1] : vector<512x128xf32> to vector<512xf32>
    %broadcast_in_dim3A_498 = vector.shape_cast %reduce_sum3A_497 : vector<512xf32> to vector<512x1xf32>
    %get3A_499 = arith.constant 4608 : index
    %get3A_500 = arith.constant 0 : index
    %get3A_501 = vector.load %arg3[%get3A_499, %get3A_500] : memref<8192x1xf32, #tpu.memory_space<vmem>>, vector<512x1xf32>
    %add3A_502 = arith.addf %get3A_501, %broadcast_in_dim3A_498 : vector<512x1xf32>
    %swap3A_503 = arith.constant 4608 : index
    %swap3A_504 = arith.constant 0 : index
    %swap3A_505 = vector.load %arg3[%swap3A_503, %swap3A_504] : memref<8192x1xf32, #tpu.memory_space<vmem>>, vector<512x1xf32>
    tpu.vector_store %arg3[%swap3A_503, %swap3A_504], %add3A_502 {strides = array<i32>} : memref<8192x1xf32, #tpu.memory_space<vmem>>, vector<512x1xf32>,
    %slice3A_506 = vector.extract_strided_slice %reshape3A {offsets = [5120, 0], sizes = [512, 1], strides = [1, 1]} : vector<8192x1xi32> to vector<512x1xi32>
    %eq3A_507 = vector.broadcast %slice3A_506 : vector<512x1xi32> to vector<512x128xi32>
    %eq3A_508 = vector.broadcast %iota3A_6 : vector<1x128xi32> to vector<512x128xi32>
    %eq3A_509 = arith.cmpi eq, %eq3A_507, %eq3A_508 : vector<512x128xi32>
    %convert_element_type3A_510 = arith.extui %eq3A_509 : vector<512x128xi1> to vector<512x128xi32>
    %convert_element_type3A_511 = arith.sitofp %convert_element_type3A_510 : vector<512x128xi32> to vector<512x128xf32>
    %mul3A_512 = vector.broadcast %dot_general3A_325 : vector<1x128xf32> to vector<512x128xf32>
    %mul3A_513 = arith.mulf %convert_element_type3A_511, %mul3A_512 : vector<512x128xf32>
    %reduce_sum3A_514 = arith.constant dense<0.000000e+00> : vector<512xf32>
    %reduce_sum3A_515 = vector.multi_reduction <add>, %mul3A_513, %reduce_sum3A_514 [1] : vector<512x128xf32> to vector<512xf32>
    %broadcast_in_dim3A_516 = vector.shape_cast %reduce_sum3A_515 : vector<512xf32> to vector<512x1xf32>
    %get3A_517 = arith.constant 5120 : index
    %get3A_518 = arith.constant 0 : index
    %get3A_519 = vector.load %arg3[%get3A_517, %get3A_518] : memref<8192x1xf32, #tpu.memory_space<vmem>>, vector<512x1xf32>
    %add3A_520 = arith.addf %get3A_519, %broadcast_in_dim3A_516 : vector<512x1xf32>
    %swap3A_521 = arith.constant 5120 : index
    %swap3A_522 = arith.constant 0 : index
    %swap3A_523 = vector.load %arg3[%swap3A_521, %swap3A_522] : memref<8192x1xf32, #tpu.memory_space<vmem>>, vector<512x1xf32>
    tpu.vector_store %arg3[%swap3A_521, %swap3A_522], %add3A_520 {strides = array<i32>} : memref<8192x1xf32, #tpu.memory_space<vmem>>, vector<512x1xf32>,
    %slice3A_524 = vector.extract_strided_slice %reshape3A {offsets = [5632, 0], sizes = [512, 1], strides = [1, 1]} : vector<8192x1xi32> to vector<512x1xi32>
    %eq3A_525 = vector.broadcast %slice3A_524 : vector<512x1xi32> to vector<512x128xi32>
    %eq3A_526 = vector.broadcast %iota3A_6 : vector<1x128xi32> to vector<512x128xi32>
    %eq3A_527 = arith.cmpi eq, %eq3A_525, %eq3A_526 : vector<512x128xi32>
    %convert_element_type3A_528 = arith.extui %eq3A_527 : vector<512x128xi1> to vector<512x128xi32>
    %convert_element_type3A_529 = arith.sitofp %convert_element_type3A_528 : vector<512x128xi32> to vector<512x128xf32>
    %mul3A_530 = vector.broadcast %dot_general3A_325 : vector<1x128xf32> to vector<512x128xf32>
    %mul3A_531 = arith.mulf %convert_element_type3A_529, %mul3A_530 : vector<512x128xf32>
    %reduce_sum3A_532 = arith.constant dense<0.000000e+00> : vector<512xf32>
    %reduce_sum3A_533 = vector.multi_reduction <add>, %mul3A_531, %reduce_sum3A_532 [1] : vector<512x128xf32> to vector<512xf32>
    %broadcast_in_dim3A_534 = vector.shape_cast %reduce_sum3A_533 : vector<512xf32> to vector<512x1xf32>
    %get3A_535 = arith.constant 5632 : index
    %get3A_536 = arith.constant 0 : index
    %get3A_537 = vector.load %arg3[%get3A_535, %get3A_536] : memref<8192x1xf32, #tpu.memory_space<vmem>>, vector<512x1xf32>
    %add3A_538 = arith.addf %get3A_537, %broadcast_in_dim3A_534 : vector<512x1xf32>
    %swap3A_539 = arith.constant 5632 : index
    %swap3A_540 = arith.constant 0 : index
    %swap3A_541 = vector.load %arg3[%swap3A_539, %swap3A_540] : memref<8192x1xf32, #tpu.memory_space<vmem>>, vector<512x1xf32>
    tpu.vector_store %arg3[%swap3A_539, %swap3A_540], %add3A_538 {strides = array<i32>} : memref<8192x1xf32, #tpu.memory_space<vmem>>, vector<512x1xf32>,
    %slice3A_542 = vector.extract_strided_slice %reshape3A {offsets = [6144, 0], sizes = [512, 1], strides = [1, 1]} : vector<8192x1xi32> to vector<512x1xi32>
    %eq3A_543 = vector.broadcast %slice3A_542 : vector<512x1xi32> to vector<512x128xi32>
    %eq3A_544 = vector.broadcast %iota3A_6 : vector<1x128xi32> to vector<512x128xi32>
    %eq3A_545 = arith.cmpi eq, %eq3A_543, %eq3A_544 : vector<512x128xi32>
    %convert_element_type3A_546 = arith.extui %eq3A_545 : vector<512x128xi1> to vector<512x128xi32>
    %convert_element_type3A_547 = arith.sitofp %convert_element_type3A_546 : vector<512x128xi32> to vector<512x128xf32>
    %mul3A_548 = vector.broadcast %dot_general3A_325 : vector<1x128xf32> to vector<512x128xf32>
    %mul3A_549 = arith.mulf %convert_element_type3A_547, %mul3A_548 : vector<512x128xf32>
    %reduce_sum3A_550 = arith.constant dense<0.000000e+00> : vector<512xf32>
    %reduce_sum3A_551 = vector.multi_reduction <add>, %mul3A_549, %reduce_sum3A_550 [1] : vector<512x128xf32> to vector<512xf32>
    %broadcast_in_dim3A_552 = vector.shape_cast %reduce_sum3A_551 : vector<512xf32> to vector<512x1xf32>
    %get3A_553 = arith.constant 6144 : index
    %get3A_554 = arith.constant 0 : index
    %get3A_555 = vector.load %arg3[%get3A_553, %get3A_554] : memref<8192x1xf32, #tpu.memory_space<vmem>>, vector<512x1xf32>
    %add3A_556 = arith.addf %get3A_555, %broadcast_in_dim3A_552 : vector<512x1xf32>
    %swap3A_557 = arith.constant 6144 : index
    %swap3A_558 = arith.constant 0 : index
    %swap3A_559 = vector.load %arg3[%swap3A_557, %swap3A_558] : memref<8192x1xf32, #tpu.memory_space<vmem>>, vector<512x1xf32>
    tpu.vector_store %arg3[%swap3A_557, %swap3A_558], %add3A_556 {strides = array<i32>} : memref<8192x1xf32, #tpu.memory_space<vmem>>, vector<512x1xf32>,
    %slice3A_560 = vector.extract_strided_slice %reshape3A {offsets = [6656, 0], sizes = [512, 1], strides = [1, 1]} : vector<8192x1xi32> to vector<512x1xi32>
    %eq3A_561 = vector.broadcast %slice3A_560 : vector<512x1xi32> to vector<512x128xi32>
    %eq3A_562 = vector.broadcast %iota3A_6 : vector<1x128xi32> to vector<512x128xi32>
    %eq3A_563 = arith.cmpi eq, %eq3A_561, %eq3A_562 : vector<512x128xi32>
    %convert_element_type3A_564 = arith.extui %eq3A_563 : vector<512x128xi1> to vector<512x128xi32>
    %convert_element_type3A_565 = arith.sitofp %convert_element_type3A_564 : vector<512x128xi32> to vector<512x128xf32>
    %mul3A_566 = vector.broadcast %dot_general3A_325 : vector<1x128xf32> to vector<512x128xf32>
    %mul3A_567 = arith.mulf %convert_element_type3A_565, %mul3A_566 : vector<512x128xf32>
    %reduce_sum3A_568 = arith.constant dense<0.000000e+00> : vector<512xf32>
    %reduce_sum3A_569 = vector.multi_reduction <add>, %mul3A_567, %reduce_sum3A_568 [1] : vector<512x128xf32> to vector<512xf32>
    %broadcast_in_dim3A_570 = vector.shape_cast %reduce_sum3A_569 : vector<512xf32> to vector<512x1xf32>
    %get3A_571 = arith.constant 6656 : index
    %get3A_572 = arith.constant 0 : index
    %get3A_573 = vector.load %arg3[%get3A_571, %get3A_572] : memref<8192x1xf32, #tpu.memory_space<vmem>>, vector<512x1xf32>
    %add3A_574 = arith.addf %get3A_573, %broadcast_in_dim3A_570 : vector<512x1xf32>
    %swap3A_575 = arith.constant 6656 : index
    %swap3A_576 = arith.constant 0 : index
    %swap3A_577 = vector.load %arg3[%swap3A_575, %swap3A_576] : memref<8192x1xf32, #tpu.memory_space<vmem>>, vector<512x1xf32>
    tpu.vector_store %arg3[%swap3A_575, %swap3A_576], %add3A_574 {strides = array<i32>} : memref<8192x1xf32, #tpu.memory_space<vmem>>, vector<512x1xf32>,
    %slice3A_578 = vector.extract_strided_slice %reshape3A {offsets = [7168, 0], sizes = [512, 1], strides = [1, 1]} : vector<8192x1xi32> to vector<512x1xi32>
    %eq3A_579 = vector.broadcast %slice3A_578 : vector<512x1xi32> to vector<512x128xi32>
    %eq3A_580 = vector.broadcast %iota3A_6 : vector<1x128xi32> to vector<512x128xi32>
    %eq3A_581 = arith.cmpi eq, %eq3A_579, %eq3A_580 : vector<512x128xi32>
    %convert_element_type3A_582 = arith.extui %eq3A_581 : vector<512x128xi1> to vector<512x128xi32>
    %convert_element_type3A_583 = arith.sitofp %convert_element_type3A_582 : vector<512x128xi32> to vector<512x128xf32>
    %mul3A_584 = vector.broadcast %dot_general3A_325 : vector<1x128xf32> to vector<512x128xf32>
    %mul3A_585 = arith.mulf %convert_element_type3A_583, %mul3A_584 : vector<512x128xf32>
    %reduce_sum3A_586 = arith.constant dense<0.000000e+00> : vector<512xf32>
    %reduce_sum3A_587 = vector.multi_reduction <add>, %mul3A_585, %reduce_sum3A_586 [1] : vector<512x128xf32> to vector<512xf32>
    %broadcast_in_dim3A_588 = vector.shape_cast %reduce_sum3A_587 : vector<512xf32> to vector<512x1xf32>
    %get3A_589 = arith.constant 7168 : index
    %get3A_590 = arith.constant 0 : index
    %get3A_591 = vector.load %arg3[%get3A_589, %get3A_590] : memref<8192x1xf32, #tpu.memory_space<vmem>>, vector<512x1xf32>
    %add3A_592 = arith.addf %get3A_591, %broadcast_in_dim3A_588 : vector<512x1xf32>
    %swap3A_593 = arith.constant 7168 : index
    %swap3A_594 = arith.constant 0 : index
    %swap3A_595 = vector.load %arg3[%swap3A_593, %swap3A_594] : memref<8192x1xf32, #tpu.memory_space<vmem>>, vector<512x1xf32>
    tpu.vector_store %arg3[%swap3A_593, %swap3A_594], %add3A_592 {strides = array<i32>} : memref<8192x1xf32, #tpu.memory_space<vmem>>, vector<512x1xf32>,
    %slice3A_596 = vector.extract_strided_slice %reshape3A {offsets = [7680, 0], sizes = [512, 1], strides = [1, 1]} : vector<8192x1xi32> to vector<512x1xi32>
    %eq3A_597 = vector.broadcast %slice3A_596 : vector<512x1xi32> to vector<512x128xi32>
    %eq3A_598 = vector.broadcast %iota3A_6 : vector<1x128xi32> to vector<512x128xi32>
    %eq3A_599 = arith.cmpi eq, %eq3A_597, %eq3A_598 : vector<512x128xi32>
    %convert_element_type3A_600 = arith.extui %eq3A_599 : vector<512x128xi1> to vector<512x128xi32>
    %convert_element_type3A_601 = arith.sitofp %convert_element_type3A_600 : vector<512x128xi32> to vector<512x128xf32>
    %mul3A_602 = vector.broadcast %dot_general3A_325 : vector<1x128xf32> to vector<512x128xf32>
    %mul3A_603 = arith.mulf %convert_element_type3A_601, %mul3A_602 : vector<512x128xf32>
    %reduce_sum3A_604 = arith.constant dense<0.000000e+00> : vector<512xf32>
    %reduce_sum3A_605 = vector.multi_reduction <add>, %mul3A_603, %reduce_sum3A_604 [1] : vector<512x128xf32> to vector<512xf32>
    %broadcast_in_dim3A_606 = vector.shape_cast %reduce_sum3A_605 : vector<512xf32> to vector<512x1xf32>
    %get3A_607 = arith.constant 7680 : index
    %get3A_608 = arith.constant 0 : index
    %get3A_609 = vector.load %arg3[%get3A_607, %get3A_608] : memref<8192x1xf32, #tpu.memory_space<vmem>>, vector<512x1xf32>
    %add3A_610 = arith.addf %get3A_609, %broadcast_in_dim3A_606 : vector<512x1xf32>
    %swap3A_611 = arith.constant 7680 : index
    %swap3A_612 = arith.constant 0 : index
    %swap3A_613 = vector.load %arg3[%swap3A_611, %swap3A_612] : memref<8192x1xf32, #tpu.memory_space<vmem>>, vector<512x1xf32>
    tpu.vector_store %arg3[%swap3A_611, %swap3A_612], %add3A_610 {strides = array<i32>} : memref<8192x1xf32, #tpu.memory_space<vmem>>, vector<512x1xf32>,
    %get3A_614 = arith.constant 0 : index
    %get3A_615 = arith.constant 0 : index
    %get3A_616 = vector.load %arg3[%get3A_614, %get3A_615] : memref<8192x1xf32, #tpu.memory_space<vmem>>, vector<8192x1xf32>
    %get3A_617 = vector.shape_cast %get3A_616 : vector<8192x1xf32> to vector<8192xf32>
    %convert_element_type3A_618 = arith.fptosi %get3A_617 : vector<8192xf32> to vector<8192xi32>
    %mul3A_619 = arith.constant 8192 : i32
    %mul3A_620 = arith.muli %arg0, %mul3A_619 : i32
    %add3A_621 = vector.broadcast %mul3A_620 : i32 to vector<8192xi32>
    %add3A_622 = arith.addi %convert_element_type3A_618, %add3A_621 : vector<8192xi32>
    %reshape3A_623 = vector.shape_cast %add3A_622 : vector<8192xi32> to vector<64x128xi32>
    %swap3A_624 = arith.constant 0 : index
    %swap3A_625 = arith.constant 0 : index
    %swap3A_626 = arith.constant 0 : index
    %swap3A_627 = vector.load %arg2[%swap3A_624, %swap3A_625, %swap3A_626] : memref<1x64x128xi32, #tpu.memory_space<vmem>>, vector<1x64x128xi32>
    %swap3A_628 = vector.shape_cast %swap3A_627 : vector<1x64x128xi32> to vector<64x128xi32>
    %swap3A_629 = vector.shape_cast %reshape3A_623 : vector<64x128xi32> to vector<1x64x128xi32>
    tpu.vector_store %arg2[%swap3A_624, %swap3A_625, %swap3A_626], %swap3A_629 {strides = array<i32>} : memref<1x64x128xi32, #tpu.memory_space<vmem>>, vector<1x64x128xi32>,
    return
  }
  func.func @transform_0(%arg0: i32) -> (i32, i32, i32) {
    %c0_i32 = arith.constant 0 : i32
    %c0_i32_0 = arith.constant 0 : i32
    %c0_i32_1 = arith.constant 0 : i32
    return %arg0, %c0_i32, %c0_i32_0 : i32, i32, i32
  }
  func.func @transform_1(%arg0: i32) -> (i32, i32, i32) {
    %c0_i32 = arith.constant 0 : i32
    %c0_i32_0 = arith.constant 0 : i32
    %c0_i32_1 = arith.constant 0 : i32
    return %arg0, %c0_i32, %c0_i32_0 : i32, i32, i32
  }
}

module attributes {stable_mosaic.version = 14 : i64} {
  func.func @_a_body(%arg0: i32, %arg1: i32, %arg2: memref<1x512x1024xf32, #tpu.memory_space<vmem>>, %arg3: memref<1x1024xf32, #tpu.memory_space<vmem>>, %arg4: memref<1x1024xf32, #tpu.memory_space<vmem>>, %arg5: memref<1024x1024xf32, #tpu.memory_space<vmem>>, %arg6: memref<1024x1024xf32, #tpu.memory_space<vmem>>, %arg7: memref<64x64xf32, #tpu.memory_space<vmem>>, %arg8: memref<16x512x128xf32, #tpu.memory_space<vmem>>, %arg9: memref<1x512x16xi32, #tpu.memory_space<vmem>>) attributes {dimension_semantics = [#tpu.dimension_semantics<arbitrary>, #tpu.dimension_semantics<arbitrary>], iteration_bounds = array<i64: 2, 16>, scalar_prefetch = 0 : i64, scratch_operands = 0 : i64, tpu.core_type = #tpu.core_type<tc>, window_params = [{transform_indices = @transform_0, window_bounds = array<i64: 1, 512, 1024>}, {pipeline_mode = #tpu.pipeline_mode<synchronous>, transform_indices = @transform_1, window_bounds = array<i64: 1, 1024>}, {pipeline_mode = #tpu.pipeline_mode<synchronous>, transform_indices = @transform_2, window_bounds = array<i64: 1, 1024>}, {pipeline_mode = #tpu.pipeline_mode<synchronous>, transform_indices = @transform_3, window_bounds = array<i64: 1024, 1024>}, {pipeline_mode = #tpu.pipeline_mode<synchronous>, transform_indices = @transform_4, window_bounds = array<i64: 1024, 1024>}, {pipeline_mode = #tpu.pipeline_mode<synchronous>, transform_indices = @transform_5, window_bounds = array<i64: 64, 64>}, {transform_indices = @transform_6, window_bounds = array<i64: 16, 512, 128>}, {transform_indices = @transform_7, window_bounds = array<i64: 1, 512, 16>}]} {
    %get3A = arith.constant 0 : index
    %get3A_0 = arith.constant 0 : index
    %get3A_1 = arith.constant 0 : index
    %get3A_2 = vector.load %arg2[%get3A, %get3A_0, %get3A_1] : memref<1x512x1024xf32, #tpu.memory_space<vmem>>, vector<1x512x1024xf32>
    %get3A_3 = vector.shape_cast %get3A_2 : vector<1x512x1024xf32> to vector<512x1024xf32>
    %get3A_4 = arith.constant 0 : index
    %get3A_5 = arith.constant 0 : index
    %get3A_6 = vector.load %arg3[%get3A_4, %get3A_5] : memref<1x1024xf32, #tpu.memory_space<vmem>>, vector<1x1024xf32>
    %get3A_7 = vector.shape_cast %get3A_6 : vector<1x1024xf32> to vector<1024xf32>
    %get3A_8 = arith.constant 0 : index
    %get3A_9 = arith.constant 0 : index
    %get3A_10 = vector.load %arg4[%get3A_8, %get3A_9] : memref<1x1024xf32, #tpu.memory_space<vmem>>, vector<1x1024xf32>
    %get3A_11 = vector.shape_cast %get3A_10 : vector<1x1024xf32> to vector<1024xf32>
    %reduce_sum3A = arith.constant dense<0.000000e+00> : vector<512xf32>
    %reduce_sum3A_12 = vector.multi_reduction <add>, %get3A_3, %reduce_sum3A [1] : vector<512x1024xf32> to vector<512xf32>
    %broadcast_in_dim3A = vector.shape_cast %reduce_sum3A_12 : vector<512xf32> to vector<512x1xf32>
    %div3A = arith.constant 1.024000e+03 : f32
    %div3A_13 = vector.broadcast %div3A : f32 to vector<512x1xf32>
    %div3A_14 = arith.divf %broadcast_in_dim3A, %div3A_13 : vector<512x1xf32>
    %sub3A = vector.broadcast %div3A_14 : vector<512x1xf32> to vector<512x1024xf32>
    %sub3A_15 = arith.subf %get3A_3, %sub3A : vector<512x1024xf32>
    %integer_pow3A = arith.mulf %sub3A_15, %sub3A_15 : vector<512x1024xf32>
    %reduce_sum3A_16 = arith.constant dense<0.000000e+00> : vector<512xf32>
    %reduce_sum3A_17 = vector.multi_reduction <add>, %integer_pow3A, %reduce_sum3A_16 [1] : vector<512x1024xf32> to vector<512xf32>
    %broadcast_in_dim3A_18 = vector.shape_cast %reduce_sum3A_17 : vector<512xf32> to vector<512x1xf32>
    %div3A_19 = arith.constant 1.024000e+03 : f32
    %div3A_20 = vector.broadcast %div3A_19 : f32 to vector<512x1xf32>
    %div3A_21 = arith.divf %broadcast_in_dim3A_18, %div3A_20 : vector<512x1xf32>
    %sub3A_22 = vector.broadcast %div3A_14 : vector<512x1xf32> to vector<512x1024xf32>
    %sub3A_23 = arith.subf %get3A_3, %sub3A_22 : vector<512x1024xf32>
    %add3A = arith.constant 9.99999996E-13 : f32
    %add3A_24 = vector.broadcast %add3A : f32 to vector<512x1xf32>
    %add3A_25 = arith.addf %div3A_21, %add3A_24 : vector<512x1xf32>
    %sqrt3A = math.sqrt %add3A_25 : vector<512x1xf32>
    %div3A_26 = vector.broadcast %sqrt3A : vector<512x1xf32> to vector<512x1024xf32>
    %div3A_27 = arith.divf %sub3A_23, %div3A_26 : vector<512x1024xf32>
    %broadcast_in_dim3A_28 = vector.shape_cast %get3A_7 : vector<1024xf32> to vector<1x1024xf32>
    %mul3A = vector.broadcast %broadcast_in_dim3A_28 : vector<1x1024xf32> to vector<512x1024xf32>
    %mul3A_29 = arith.mulf %div3A_27, %mul3A : vector<512x1024xf32>
    %broadcast_in_dim3A_30 = vector.shape_cast %get3A_11 : vector<1024xf32> to vector<1x1024xf32>
    %add3A_31 = vector.broadcast %broadcast_in_dim3A_30 : vector<1x1024xf32> to vector<512x1024xf32>
    %add3A_32 = arith.addf %mul3A_29, %add3A_31 : vector<512x1024xf32>
    %get3A_33 = arith.constant 0 : index
    %get3A_34 = arith.constant 0 : index
    %get3A_35 = vector.load %arg5[%get3A_33, %get3A_34] : memref<1024x1024xf32, #tpu.memory_space<vmem>>, vector<1024x1024xf32>
    %dot_general3A = arith.constant dense<0.000000e+00> : vector<512x1024xf32>
    %dot_general3A_36 = tpu.matmul %add3A_32, %get3A_35, %dot_general3A {dimension_numbers = #tpu.dot_dimension_numbers<[1], [0], [0], [1], [0, 0, 1, 1], [], []>, transpose_lhs_hint = false} : vector<512x1024xf32>, vector<1024x1024xf32>, vector<512x1024xf32> -> vector<512x1024xf32>
    %get3A_37 = arith.constant 0 : index
    %get3A_38 = arith.constant 0 : index
    %get3A_39 = vector.load %arg6[%get3A_37, %get3A_38] : memref<1024x1024xf32, #tpu.memory_space<vmem>>, vector<1024x1024xf32>
    %dot_general3A_40 = arith.constant dense<0.000000e+00> : vector<512x1024xf32>
    %dot_general3A_41 = tpu.matmul %add3A_32, %get3A_39, %dot_general3A_40 {dimension_numbers = #tpu.dot_dimension_numbers<[1], [0], [0], [1], [0, 0, 1, 1], [], []>, transpose_lhs_hint = false} : vector<512x1024xf32>, vector<1024x1024xf32>, vector<512x1024xf32> -> vector<512x1024xf32>
    %get3A_42 = arith.constant 0 : index
    %get3A_43 = arith.constant 0 : index
    %get3A_44 = vector.load %arg7[%get3A_42, %get3A_43] : memref<64x64xf32, #tpu.memory_space<vmem>>, vector<64x64xf32>
    %iota3A = tpu.iota {dimensions = array<i32: 1>} : vector<512x64xi32>
    %slice3A = vector.extract_strided_slice %dot_general3A_36 {offsets = [0, 0], sizes = [512, 64], strides = [1, 1]} : vector<512x1024xf32> to vector<512x64xf32>
    %slice3A_45 = vector.extract_strided_slice %dot_general3A_41 {offsets = [0, 0], sizes = [512, 64], strides = [1, 1]} : vector<512x1024xf32> to vector<512x64xf32>
    %concatenate3A = tpu.concatenate %slice3A, %slice3A_45 in 1 : vector<512x64xf32>, vector<512x64xf32> -> vector<512x128xf32>
    %swap3A = arith.constant 0 : index
    %swap3A_46 = arith.constant 0 : index
    %swap3A_47 = arith.constant 0 : index
    %swap3A_48 = vector.load %arg8[%swap3A, %swap3A_46, %swap3A_47] : memref<16x512x128xf32, #tpu.memory_space<vmem>>, vector<1x512x128xf32>
    %swap3A_49 = vector.shape_cast %swap3A_48 : vector<1x512x128xf32> to vector<512x128xf32>
    %swap3A_50 = vector.shape_cast %concatenate3A : vector<512x128xf32> to vector<1x512x128xf32>
    tpu.vector_store %arg8[%swap3A, %swap3A_46, %swap3A_47], %swap3A_50 {strides = array<i32>} : memref<16x512x128xf32, #tpu.memory_space<vmem>>, vector<1x512x128xf32>,
    %dot_general3A_51 = arith.constant dense<0.000000e+00> : vector<512x64xf32>
    %dot_general3A_52 = tpu.matmul %slice3A, %get3A_44, %dot_general3A_51 {dimension_numbers = #tpu.dot_dimension_numbers<[1], [0], [0], [1], [0, 0, 1, 1], [], []>, transpose_lhs_hint = false} : vector<512x64xf32>, vector<64x64xf32>, vector<512x64xf32> -> vector<512x64xf32>
    %reduce_max3A = arith.constant dense<0xFF800000> : vector<512xf32>
    %reduce_max3A_53 = vector.multi_reduction <maximumf>, %dot_general3A_52, %reduce_max3A [1] : vector<512x64xf32> to vector<512xf32>
    %broadcast_in_dim3A_54 = vector.shape_cast %reduce_max3A_53 : vector<512xf32> to vector<512x1xf32>
    %reduce_min3A = arith.constant dense<0x7F800000> : vector<512xf32>
    %reduce_min3A_55 = vector.multi_reduction <minimumf>, %dot_general3A_52, %reduce_min3A [1] : vector<512x64xf32> to vector<512xf32>
    %broadcast_in_dim3A_56 = vector.shape_cast %reduce_min3A_55 : vector<512xf32> to vector<512x1xf32>
    %eq3A = vector.broadcast %broadcast_in_dim3A_54 : vector<512x1xf32> to vector<512x64xf32>
    %eq3A_57 = arith.cmpf oeq, %dot_general3A_52, %eq3A : vector<512x64xf32>
    %jit3A = arith.constant 128 : i32
    %broadcast_in_dim3A_58 = vector.broadcast %jit3A : i32 to vector<512x64xi32>
    %select_n3A = arith.select %eq3A_57, %iota3A, %broadcast_in_dim3A_58 : vector<512x64xi1>, vector<512x64xi32>
    %reduce_min3A_59 = arith.constant dense<2147483647> : vector<512xi32>
    %reduce_min3A_60 = vector.multi_reduction <minsi>, %select_n3A, %reduce_min3A_59 [1] : vector<512x64xi32> to vector<512xi32>
    %broadcast_in_dim3A_61 = vector.shape_cast %reduce_min3A_60 : vector<512xi32> to vector<512x1xi32>
    %eq3A_62 = vector.broadcast %broadcast_in_dim3A_56 : vector<512x1xf32> to vector<512x64xf32>
    %eq3A_63 = arith.cmpf oeq, %dot_general3A_52, %eq3A_62 : vector<512x64xf32>
    %jit3A_64 = arith.constant 128 : i32
    %broadcast_in_dim3A_65 = vector.broadcast %jit3A_64 : i32 to vector<512x64xi32>
    %select_n3A_66 = arith.select %eq3A_63, %iota3A, %broadcast_in_dim3A_65 : vector<512x64xi1>, vector<512x64xi32>
    %reduce_min3A_67 = arith.constant dense<2147483647> : vector<512xi32>
    %reduce_min3A_68 = vector.multi_reduction <minsi>, %select_n3A_66, %reduce_min3A_67 [1] : vector<512x64xi32> to vector<512xi32>
    %broadcast_in_dim3A_69 = vector.shape_cast %reduce_min3A_68 : vector<512xi32> to vector<512x1xi32>
    %neg3A = arith.constant 0.000000e+00 : f32
    %neg3A_70 = vector.broadcast %neg3A : f32 to vector<512x1xf32>
    %neg3A_71 = arith.subf %neg3A_70, %broadcast_in_dim3A_56 : vector<512x1xf32>
    %ge3A = arith.cmpf oge, %broadcast_in_dim3A_54, %neg3A_71 : vector<512x1xf32>
    %add3A_72 = arith.constant 64 : i32
    %add3A_73 = vector.broadcast %add3A_72 : i32 to vector<512x1xi32>
    %add3A_74 = arith.addi %add3A_73, %broadcast_in_dim3A_69 : vector<512x1xi32>
    %select_n3A_75 = arith.select %ge3A, %broadcast_in_dim3A_61, %add3A_74 : vector<512x1xi1>, vector<512x1xi32>
    %slice3A_76 = vector.extract_strided_slice %dot_general3A_36 {offsets = [0, 64], sizes = [512, 64], strides = [1, 1]} : vector<512x1024xf32> to vector<512x64xf32>
    %slice3A_77 = vector.extract_strided_slice %dot_general3A_41 {offsets = [0, 64], sizes = [512, 64], strides = [1, 1]} : vector<512x1024xf32> to vector<512x64xf32>
    %concatenate3A_78 = tpu.concatenate %slice3A_76, %slice3A_77 in 1 : vector<512x64xf32>, vector<512x64xf32> -> vector<512x128xf32>
    %swap3A_79 = arith.constant 1 : index
    %swap3A_80 = arith.constant 0 : index
    %swap3A_81 = arith.constant 0 : index
    %swap3A_82 = vector.load %arg8[%swap3A_79, %swap3A_80, %swap3A_81] : memref<16x512x128xf32, #tpu.memory_space<vmem>>, vector<1x512x128xf32>
    %swap3A_83 = vector.shape_cast %swap3A_82 : vector<1x512x128xf32> to vector<512x128xf32>
    %swap3A_84 = vector.shape_cast %concatenate3A_78 : vector<512x128xf32> to vector<1x512x128xf32>
    tpu.vector_store %arg8[%swap3A_79, %swap3A_80, %swap3A_81], %swap3A_84 {strides = array<i32>} : memref<16x512x128xf32, #tpu.memory_space<vmem>>, vector<1x512x128xf32>,
    %dot_general3A_85 = arith.constant dense<0.000000e+00> : vector<512x64xf32>
    %dot_general3A_86 = tpu.matmul %slice3A_76, %get3A_44, %dot_general3A_85 {dimension_numbers = #tpu.dot_dimension_numbers<[1], [0], [0], [1], [0, 0, 1, 1], [], []>, transpose_lhs_hint = false} : vector<512x64xf32>, vector<64x64xf32>, vector<512x64xf32> -> vector<512x64xf32>
    %reduce_max3A_87 = arith.constant dense<0xFF800000> : vector<512xf32>
    %reduce_max3A_88 = vector.multi_reduction <maximumf>, %dot_general3A_86, %reduce_max3A_87 [1] : vector<512x64xf32> to vector<512xf32>
    %broadcast_in_dim3A_89 = vector.shape_cast %reduce_max3A_88 : vector<512xf32> to vector<512x1xf32>
    %reduce_min3A_90 = arith.constant dense<0x7F800000> : vector<512xf32>
    %reduce_min3A_91 = vector.multi_reduction <minimumf>, %dot_general3A_86, %reduce_min3A_90 [1] : vector<512x64xf32> to vector<512xf32>
    %broadcast_in_dim3A_92 = vector.shape_cast %reduce_min3A_91 : vector<512xf32> to vector<512x1xf32>
    %eq3A_93 = vector.broadcast %broadcast_in_dim3A_89 : vector<512x1xf32> to vector<512x64xf32>
    %eq3A_94 = arith.cmpf oeq, %dot_general3A_86, %eq3A_93 : vector<512x64xf32>
    %jit3A_95 = arith.constant 128 : i32
    %broadcast_in_dim3A_96 = vector.broadcast %jit3A_95 : i32 to vector<512x64xi32>
    %select_n3A_97 = arith.select %eq3A_94, %iota3A, %broadcast_in_dim3A_96 : vector<512x64xi1>, vector<512x64xi32>
    %reduce_min3A_98 = arith.constant dense<2147483647> : vector<512xi32>
    %reduce_min3A_99 = vector.multi_reduction <minsi>, %select_n3A_97, %reduce_min3A_98 [1] : vector<512x64xi32> to vector<512xi32>
    %broadcast_in_dim3A_100 = vector.shape_cast %reduce_min3A_99 : vector<512xi32> to vector<512x1xi32>
    %eq3A_101 = vector.broadcast %broadcast_in_dim3A_92 : vector<512x1xf32> to vector<512x64xf32>
    %eq3A_102 = arith.cmpf oeq, %dot_general3A_86, %eq3A_101 : vector<512x64xf32>
    %jit3A_103 = arith.constant 128 : i32
    %broadcast_in_dim3A_104 = vector.broadcast %jit3A_103 : i32 to vector<512x64xi32>
    %select_n3A_105 = arith.select %eq3A_102, %iota3A, %broadcast_in_dim3A_104 : vector<512x64xi1>, vector<512x64xi32>
    %reduce_min3A_106 = arith.constant dense<2147483647> : vector<512xi32>
    %reduce_min3A_107 = vector.multi_reduction <minsi>, %select_n3A_105, %reduce_min3A_106 [1] : vector<512x64xi32> to vector<512xi32>
    %broadcast_in_dim3A_108 = vector.shape_cast %reduce_min3A_107 : vector<512xi32> to vector<512x1xi32>
    %neg3A_109 = arith.constant 0.000000e+00 : f32
    %neg3A_110 = vector.broadcast %neg3A_109 : f32 to vector<512x1xf32>
    %neg3A_111 = arith.subf %neg3A_110, %broadcast_in_dim3A_92 : vector<512x1xf32>
    %ge3A_112 = arith.cmpf oge, %broadcast_in_dim3A_89, %neg3A_111 : vector<512x1xf32>
    %add3A_113 = arith.constant 64 : i32
    %add3A_114 = vector.broadcast %add3A_113 : i32 to vector<512x1xi32>
    %add3A_115 = arith.addi %add3A_114, %broadcast_in_dim3A_108 : vector<512x1xi32>
    %select_n3A_116 = arith.select %ge3A_112, %broadcast_in_dim3A_100, %add3A_115 : vector<512x1xi1>, vector<512x1xi32>
    %slice3A_117 = vector.extract_strided_slice %dot_general3A_36 {offsets = [0, 128], sizes = [512, 64], strides = [1, 1]} : vector<512x1024xf32> to vector<512x64xf32>
    %slice3A_118 = vector.extract_strided_slice %dot_general3A_41 {offsets = [0, 128], sizes = [512, 64], strides = [1, 1]} : vector<512x1024xf32> to vector<512x64xf32>
    %concatenate3A_119 = tpu.concatenate %slice3A_117, %slice3A_118 in 1 : vector<512x64xf32>, vector<512x64xf32> -> vector<512x128xf32>
    %swap3A_120 = arith.constant 2 : index
    %swap3A_121 = arith.constant 0 : index
    %swap3A_122 = arith.constant 0 : index
    %swap3A_123 = vector.load %arg8[%swap3A_120, %swap3A_121, %swap3A_122] : memref<16x512x128xf32, #tpu.memory_space<vmem>>, vector<1x512x128xf32>
    %swap3A_124 = vector.shape_cast %swap3A_123 : vector<1x512x128xf32> to vector<512x128xf32>
    %swap3A_125 = vector.shape_cast %concatenate3A_119 : vector<512x128xf32> to vector<1x512x128xf32>
    tpu.vector_store %arg8[%swap3A_120, %swap3A_121, %swap3A_122], %swap3A_125 {strides = array<i32>} : memref<16x512x128xf32, #tpu.memory_space<vmem>>, vector<1x512x128xf32>,
    %dot_general3A_126 = arith.constant dense<0.000000e+00> : vector<512x64xf32>
    %dot_general3A_127 = tpu.matmul %slice3A_117, %get3A_44, %dot_general3A_126 {dimension_numbers = #tpu.dot_dimension_numbers<[1], [0], [0], [1], [0, 0, 1, 1], [], []>, transpose_lhs_hint = false} : vector<512x64xf32>, vector<64x64xf32>, vector<512x64xf32> -> vector<512x64xf32>
    %reduce_max3A_128 = arith.constant dense<0xFF800000> : vector<512xf32>
    %reduce_max3A_129 = vector.multi_reduction <maximumf>, %dot_general3A_127, %reduce_max3A_128 [1] : vector<512x64xf32> to vector<512xf32>
    %broadcast_in_dim3A_130 = vector.shape_cast %reduce_max3A_129 : vector<512xf32> to vector<512x1xf32>
    %reduce_min3A_131 = arith.constant dense<0x7F800000> : vector<512xf32>
    %reduce_min3A_132 = vector.multi_reduction <minimumf>, %dot_general3A_127, %reduce_min3A_131 [1] : vector<512x64xf32> to vector<512xf32>
    %broadcast_in_dim3A_133 = vector.shape_cast %reduce_min3A_132 : vector<512xf32> to vector<512x1xf32>
    %eq3A_134 = vector.broadcast %broadcast_in_dim3A_130 : vector<512x1xf32> to vector<512x64xf32>
    %eq3A_135 = arith.cmpf oeq, %dot_general3A_127, %eq3A_134 : vector<512x64xf32>
    %jit3A_136 = arith.constant 128 : i32
    %broadcast_in_dim3A_137 = vector.broadcast %jit3A_136 : i32 to vector<512x64xi32>
    %select_n3A_138 = arith.select %eq3A_135, %iota3A, %broadcast_in_dim3A_137 : vector<512x64xi1>, vector<512x64xi32>
    %reduce_min3A_139 = arith.constant dense<2147483647> : vector<512xi32>
    %reduce_min3A_140 = vector.multi_reduction <minsi>, %select_n3A_138, %reduce_min3A_139 [1] : vector<512x64xi32> to vector<512xi32>
    %broadcast_in_dim3A_141 = vector.shape_cast %reduce_min3A_140 : vector<512xi32> to vector<512x1xi32>
    %eq3A_142 = vector.broadcast %broadcast_in_dim3A_133 : vector<512x1xf32> to vector<512x64xf32>
    %eq3A_143 = arith.cmpf oeq, %dot_general3A_127, %eq3A_142 : vector<512x64xf32>
    %jit3A_144 = arith.constant 128 : i32
    %broadcast_in_dim3A_145 = vector.broadcast %jit3A_144 : i32 to vector<512x64xi32>
    %select_n3A_146 = arith.select %eq3A_143, %iota3A, %broadcast_in_dim3A_145 : vector<512x64xi1>, vector<512x64xi32>
    %reduce_min3A_147 = arith.constant dense<2147483647> : vector<512xi32>
    %reduce_min3A_148 = vector.multi_reduction <minsi>, %select_n3A_146, %reduce_min3A_147 [1] : vector<512x64xi32> to vector<512xi32>
    %broadcast_in_dim3A_149 = vector.shape_cast %reduce_min3A_148 : vector<512xi32> to vector<512x1xi32>
    %neg3A_150 = arith.constant 0.000000e+00 : f32
    %neg3A_151 = vector.broadcast %neg3A_150 : f32 to vector<512x1xf32>
    %neg3A_152 = arith.subf %neg3A_151, %broadcast_in_dim3A_133 : vector<512x1xf32>
    %ge3A_153 = arith.cmpf oge, %broadcast_in_dim3A_130, %neg3A_152 : vector<512x1xf32>
    %add3A_154 = arith.constant 64 : i32
    %add3A_155 = vector.broadcast %add3A_154 : i32 to vector<512x1xi32>
    %add3A_156 = arith.addi %add3A_155, %broadcast_in_dim3A_149 : vector<512x1xi32>
    %select_n3A_157 = arith.select %ge3A_153, %broadcast_in_dim3A_141, %add3A_156 : vector<512x1xi1>, vector<512x1xi32>
    %slice3A_158 = vector.extract_strided_slice %dot_general3A_36 {offsets = [0, 192], sizes = [512, 64], strides = [1, 1]} : vector<512x1024xf32> to vector<512x64xf32>
    %slice3A_159 = vector.extract_strided_slice %dot_general3A_41 {offsets = [0, 192], sizes = [512, 64], strides = [1, 1]} : vector<512x1024xf32> to vector<512x64xf32>
    %concatenate3A_160 = tpu.concatenate %slice3A_158, %slice3A_159 in 1 : vector<512x64xf32>, vector<512x64xf32> -> vector<512x128xf32>
    %swap3A_161 = arith.constant 3 : index
    %swap3A_162 = arith.constant 0 : index
    %swap3A_163 = arith.constant 0 : index
    %swap3A_164 = vector.load %arg8[%swap3A_161, %swap3A_162, %swap3A_163] : memref<16x512x128xf32, #tpu.memory_space<vmem>>, vector<1x512x128xf32>
    %swap3A_165 = vector.shape_cast %swap3A_164 : vector<1x512x128xf32> to vector<512x128xf32>
    %swap3A_166 = vector.shape_cast %concatenate3A_160 : vector<512x128xf32> to vector<1x512x128xf32>
    tpu.vector_store %arg8[%swap3A_161, %swap3A_162, %swap3A_163], %swap3A_166 {strides = array<i32>} : memref<16x512x128xf32, #tpu.memory_space<vmem>>, vector<1x512x128xf32>,
    %dot_general3A_167 = arith.constant dense<0.000000e+00> : vector<512x64xf32>
    %dot_general3A_168 = tpu.matmul %slice3A_158, %get3A_44, %dot_general3A_167 {dimension_numbers = #tpu.dot_dimension_numbers<[1], [0], [0], [1], [0, 0, 1, 1], [], []>, transpose_lhs_hint = false} : vector<512x64xf32>, vector<64x64xf32>, vector<512x64xf32> -> vector<512x64xf32>
    %reduce_max3A_169 = arith.constant dense<0xFF800000> : vector<512xf32>
    %reduce_max3A_170 = vector.multi_reduction <maximumf>, %dot_general3A_168, %reduce_max3A_169 [1] : vector<512x64xf32> to vector<512xf32>
    %broadcast_in_dim3A_171 = vector.shape_cast %reduce_max3A_170 : vector<512xf32> to vector<512x1xf32>
    %reduce_min3A_172 = arith.constant dense<0x7F800000> : vector<512xf32>
    %reduce_min3A_173 = vector.multi_reduction <minimumf>, %dot_general3A_168, %reduce_min3A_172 [1] : vector<512x64xf32> to vector<512xf32>
    %broadcast_in_dim3A_174 = vector.shape_cast %reduce_min3A_173 : vector<512xf32> to vector<512x1xf32>
    %eq3A_175 = vector.broadcast %broadcast_in_dim3A_171 : vector<512x1xf32> to vector<512x64xf32>
    %eq3A_176 = arith.cmpf oeq, %dot_general3A_168, %eq3A_175 : vector<512x64xf32>
    %jit3A_177 = arith.constant 128 : i32
    %broadcast_in_dim3A_178 = vector.broadcast %jit3A_177 : i32 to vector<512x64xi32>
    %select_n3A_179 = arith.select %eq3A_176, %iota3A, %broadcast_in_dim3A_178 : vector<512x64xi1>, vector<512x64xi32>
    %reduce_min3A_180 = arith.constant dense<2147483647> : vector<512xi32>
    %reduce_min3A_181 = vector.multi_reduction <minsi>, %select_n3A_179, %reduce_min3A_180 [1] : vector<512x64xi32> to vector<512xi32>
    %broadcast_in_dim3A_182 = vector.shape_cast %reduce_min3A_181 : vector<512xi32> to vector<512x1xi32>
    %eq3A_183 = vector.broadcast %broadcast_in_dim3A_174 : vector<512x1xf32> to vector<512x64xf32>
    %eq3A_184 = arith.cmpf oeq, %dot_general3A_168, %eq3A_183 : vector<512x64xf32>
    %jit3A_185 = arith.constant 128 : i32
    %broadcast_in_dim3A_186 = vector.broadcast %jit3A_185 : i32 to vector<512x64xi32>
    %select_n3A_187 = arith.select %eq3A_184, %iota3A, %broadcast_in_dim3A_186 : vector<512x64xi1>, vector<512x64xi32>
    %reduce_min3A_188 = arith.constant dense<2147483647> : vector<512xi32>
    %reduce_min3A_189 = vector.multi_reduction <minsi>, %select_n3A_187, %reduce_min3A_188 [1] : vector<512x64xi32> to vector<512xi32>
    %broadcast_in_dim3A_190 = vector.shape_cast %reduce_min3A_189 : vector<512xi32> to vector<512x1xi32>
    %neg3A_191 = arith.constant 0.000000e+00 : f32
    %neg3A_192 = vector.broadcast %neg3A_191 : f32 to vector<512x1xf32>
    %neg3A_193 = arith.subf %neg3A_192, %broadcast_in_dim3A_174 : vector<512x1xf32>
    %ge3A_194 = arith.cmpf oge, %broadcast_in_dim3A_171, %neg3A_193 : vector<512x1xf32>
    %add3A_195 = arith.constant 64 : i32
    %add3A_196 = vector.broadcast %add3A_195 : i32 to vector<512x1xi32>
    %add3A_197 = arith.addi %add3A_196, %broadcast_in_dim3A_190 : vector<512x1xi32>
    %select_n3A_198 = arith.select %ge3A_194, %broadcast_in_dim3A_182, %add3A_197 : vector<512x1xi1>, vector<512x1xi32>
    %slice3A_199 = vector.extract_strided_slice %dot_general3A_36 {offsets = [0, 256], sizes = [512, 64], strides = [1, 1]} : vector<512x1024xf32> to vector<512x64xf32>
    %slice3A_200 = vector.extract_strided_slice %dot_general3A_41 {offsets = [0, 256], sizes = [512, 64], strides = [1, 1]} : vector<512x1024xf32> to vector<512x64xf32>
    %concatenate3A_201 = tpu.concatenate %slice3A_199, %slice3A_200 in 1 : vector<512x64xf32>, vector<512x64xf32> -> vector<512x128xf32>
    %swap3A_202 = arith.constant 4 : index
    %swap3A_203 = arith.constant 0 : index
    %swap3A_204 = arith.constant 0 : index
    %swap3A_205 = vector.load %arg8[%swap3A_202, %swap3A_203, %swap3A_204] : memref<16x512x128xf32, #tpu.memory_space<vmem>>, vector<1x512x128xf32>
    %swap3A_206 = vector.shape_cast %swap3A_205 : vector<1x512x128xf32> to vector<512x128xf32>
    %swap3A_207 = vector.shape_cast %concatenate3A_201 : vector<512x128xf32> to vector<1x512x128xf32>
    tpu.vector_store %arg8[%swap3A_202, %swap3A_203, %swap3A_204], %swap3A_207 {strides = array<i32>} : memref<16x512x128xf32, #tpu.memory_space<vmem>>, vector<1x512x128xf32>,
    %dot_general3A_208 = arith.constant dense<0.000000e+00> : vector<512x64xf32>
    %dot_general3A_209 = tpu.matmul %slice3A_199, %get3A_44, %dot_general3A_208 {dimension_numbers = #tpu.dot_dimension_numbers<[1], [0], [0], [1], [0, 0, 1, 1], [], []>, transpose_lhs_hint = false} : vector<512x64xf32>, vector<64x64xf32>, vector<512x64xf32> -> vector<512x64xf32>
    %reduce_max3A_210 = arith.constant dense<0xFF800000> : vector<512xf32>
    %reduce_max3A_211 = vector.multi_reduction <maximumf>, %dot_general3A_209, %reduce_max3A_210 [1] : vector<512x64xf32> to vector<512xf32>
    %broadcast_in_dim3A_212 = vector.shape_cast %reduce_max3A_211 : vector<512xf32> to vector<512x1xf32>
    %reduce_min3A_213 = arith.constant dense<0x7F800000> : vector<512xf32>
    %reduce_min3A_214 = vector.multi_reduction <minimumf>, %dot_general3A_209, %reduce_min3A_213 [1] : vector<512x64xf32> to vector<512xf32>
    %broadcast_in_dim3A_215 = vector.shape_cast %reduce_min3A_214 : vector<512xf32> to vector<512x1xf32>
    %eq3A_216 = vector.broadcast %broadcast_in_dim3A_212 : vector<512x1xf32> to vector<512x64xf32>
    %eq3A_217 = arith.cmpf oeq, %dot_general3A_209, %eq3A_216 : vector<512x64xf32>
    %jit3A_218 = arith.constant 128 : i32
    %broadcast_in_dim3A_219 = vector.broadcast %jit3A_218 : i32 to vector<512x64xi32>
    %select_n3A_220 = arith.select %eq3A_217, %iota3A, %broadcast_in_dim3A_219 : vector<512x64xi1>, vector<512x64xi32>
    %reduce_min3A_221 = arith.constant dense<2147483647> : vector<512xi32>
    %reduce_min3A_222 = vector.multi_reduction <minsi>, %select_n3A_220, %reduce_min3A_221 [1] : vector<512x64xi32> to vector<512xi32>
    %broadcast_in_dim3A_223 = vector.shape_cast %reduce_min3A_222 : vector<512xi32> to vector<512x1xi32>
    %eq3A_224 = vector.broadcast %broadcast_in_dim3A_215 : vector<512x1xf32> to vector<512x64xf32>
    %eq3A_225 = arith.cmpf oeq, %dot_general3A_209, %eq3A_224 : vector<512x64xf32>
    %jit3A_226 = arith.constant 128 : i32
    %broadcast_in_dim3A_227 = vector.broadcast %jit3A_226 : i32 to vector<512x64xi32>
    %select_n3A_228 = arith.select %eq3A_225, %iota3A, %broadcast_in_dim3A_227 : vector<512x64xi1>, vector<512x64xi32>
    %reduce_min3A_229 = arith.constant dense<2147483647> : vector<512xi32>
    %reduce_min3A_230 = vector.multi_reduction <minsi>, %select_n3A_228, %reduce_min3A_229 [1] : vector<512x64xi32> to vector<512xi32>
    %broadcast_in_dim3A_231 = vector.shape_cast %reduce_min3A_230 : vector<512xi32> to vector<512x1xi32>
    %neg3A_232 = arith.constant 0.000000e+00 : f32
    %neg3A_233 = vector.broadcast %neg3A_232 : f32 to vector<512x1xf32>
    %neg3A_234 = arith.subf %neg3A_233, %broadcast_in_dim3A_215 : vector<512x1xf32>
    %ge3A_235 = arith.cmpf oge, %broadcast_in_dim3A_212, %neg3A_234 : vector<512x1xf32>
    %add3A_236 = arith.constant 64 : i32
    %add3A_237 = vector.broadcast %add3A_236 : i32 to vector<512x1xi32>
    %add3A_238 = arith.addi %add3A_237, %broadcast_in_dim3A_231 : vector<512x1xi32>
    %select_n3A_239 = arith.select %ge3A_235, %broadcast_in_dim3A_223, %add3A_238 : vector<512x1xi1>, vector<512x1xi32>
    %slice3A_240 = vector.extract_strided_slice %dot_general3A_36 {offsets = [0, 320], sizes = [512, 64], strides = [1, 1]} : vector<512x1024xf32> to vector<512x64xf32>
    %slice3A_241 = vector.extract_strided_slice %dot_general3A_41 {offsets = [0, 320], sizes = [512, 64], strides = [1, 1]} : vector<512x1024xf32> to vector<512x64xf32>
    %concatenate3A_242 = tpu.concatenate %slice3A_240, %slice3A_241 in 1 : vector<512x64xf32>, vector<512x64xf32> -> vector<512x128xf32>
    %swap3A_243 = arith.constant 5 : index
    %swap3A_244 = arith.constant 0 : index
    %swap3A_245 = arith.constant 0 : index
    %swap3A_246 = vector.load %arg8[%swap3A_243, %swap3A_244, %swap3A_245] : memref<16x512x128xf32, #tpu.memory_space<vmem>>, vector<1x512x128xf32>
    %swap3A_247 = vector.shape_cast %swap3A_246 : vector<1x512x128xf32> to vector<512x128xf32>
    %swap3A_248 = vector.shape_cast %concatenate3A_242 : vector<512x128xf32> to vector<1x512x128xf32>
    tpu.vector_store %arg8[%swap3A_243, %swap3A_244, %swap3A_245], %swap3A_248 {strides = array<i32>} : memref<16x512x128xf32, #tpu.memory_space<vmem>>, vector<1x512x128xf32>,
    %dot_general3A_249 = arith.constant dense<0.000000e+00> : vector<512x64xf32>
    %dot_general3A_250 = tpu.matmul %slice3A_240, %get3A_44, %dot_general3A_249 {dimension_numbers = #tpu.dot_dimension_numbers<[1], [0], [0], [1], [0, 0, 1, 1], [], []>, transpose_lhs_hint = false} : vector<512x64xf32>, vector<64x64xf32>, vector<512x64xf32> -> vector<512x64xf32>
    %reduce_max3A_251 = arith.constant dense<0xFF800000> : vector<512xf32>
    %reduce_max3A_252 = vector.multi_reduction <maximumf>, %dot_general3A_250, %reduce_max3A_251 [1] : vector<512x64xf32> to vector<512xf32>
    %broadcast_in_dim3A_253 = vector.shape_cast %reduce_max3A_252 : vector<512xf32> to vector<512x1xf32>
    %reduce_min3A_254 = arith.constant dense<0x7F800000> : vector<512xf32>
    %reduce_min3A_255 = vector.multi_reduction <minimumf>, %dot_general3A_250, %reduce_min3A_254 [1] : vector<512x64xf32> to vector<512xf32>
    %broadcast_in_dim3A_256 = vector.shape_cast %reduce_min3A_255 : vector<512xf32> to vector<512x1xf32>
    %eq3A_257 = vector.broadcast %broadcast_in_dim3A_253 : vector<512x1xf32> to vector<512x64xf32>
    %eq3A_258 = arith.cmpf oeq, %dot_general3A_250, %eq3A_257 : vector<512x64xf32>
    %jit3A_259 = arith.constant 128 : i32
    %broadcast_in_dim3A_260 = vector.broadcast %jit3A_259 : i32 to vector<512x64xi32>
    %select_n3A_261 = arith.select %eq3A_258, %iota3A, %broadcast_in_dim3A_260 : vector<512x64xi1>, vector<512x64xi32>
    %reduce_min3A_262 = arith.constant dense<2147483647> : vector<512xi32>
    %reduce_min3A_263 = vector.multi_reduction <minsi>, %select_n3A_261, %reduce_min3A_262 [1] : vector<512x64xi32> to vector<512xi32>
    %broadcast_in_dim3A_264 = vector.shape_cast %reduce_min3A_263 : vector<512xi32> to vector<512x1xi32>
    %eq3A_265 = vector.broadcast %broadcast_in_dim3A_256 : vector<512x1xf32> to vector<512x64xf32>
    %eq3A_266 = arith.cmpf oeq, %dot_general3A_250, %eq3A_265 : vector<512x64xf32>
    %jit3A_267 = arith.constant 128 : i32
    %broadcast_in_dim3A_268 = vector.broadcast %jit3A_267 : i32 to vector<512x64xi32>
    %select_n3A_269 = arith.select %eq3A_266, %iota3A, %broadcast_in_dim3A_268 : vector<512x64xi1>, vector<512x64xi32>
    %reduce_min3A_270 = arith.constant dense<2147483647> : vector<512xi32>
    %reduce_min3A_271 = vector.multi_reduction <minsi>, %select_n3A_269, %reduce_min3A_270 [1] : vector<512x64xi32> to vector<512xi32>
    %broadcast_in_dim3A_272 = vector.shape_cast %reduce_min3A_271 : vector<512xi32> to vector<512x1xi32>
    %neg3A_273 = arith.constant 0.000000e+00 : f32
    %neg3A_274 = vector.broadcast %neg3A_273 : f32 to vector<512x1xf32>
    %neg3A_275 = arith.subf %neg3A_274, %broadcast_in_dim3A_256 : vector<512x1xf32>
    %ge3A_276 = arith.cmpf oge, %broadcast_in_dim3A_253, %neg3A_275 : vector<512x1xf32>
    %add3A_277 = arith.constant 64 : i32
    %add3A_278 = vector.broadcast %add3A_277 : i32 to vector<512x1xi32>
    %add3A_279 = arith.addi %add3A_278, %broadcast_in_dim3A_272 : vector<512x1xi32>
    %select_n3A_280 = arith.select %ge3A_276, %broadcast_in_dim3A_264, %add3A_279 : vector<512x1xi1>, vector<512x1xi32>
    %slice3A_281 = vector.extract_strided_slice %dot_general3A_36 {offsets = [0, 384], sizes = [512, 64], strides = [1, 1]} : vector<512x1024xf32> to vector<512x64xf32>
    %slice3A_282 = vector.extract_strided_slice %dot_general3A_41 {offsets = [0, 384], sizes = [512, 64], strides = [1, 1]} : vector<512x1024xf32> to vector<512x64xf32>
    %concatenate3A_283 = tpu.concatenate %slice3A_281, %slice3A_282 in 1 : vector<512x64xf32>, vector<512x64xf32> -> vector<512x128xf32>
    %swap3A_284 = arith.constant 6 : index
    %swap3A_285 = arith.constant 0 : index
    %swap3A_286 = arith.constant 0 : index
    %swap3A_287 = vector.load %arg8[%swap3A_284, %swap3A_285, %swap3A_286] : memref<16x512x128xf32, #tpu.memory_space<vmem>>, vector<1x512x128xf32>
    %swap3A_288 = vector.shape_cast %swap3A_287 : vector<1x512x128xf32> to vector<512x128xf32>
    %swap3A_289 = vector.shape_cast %concatenate3A_283 : vector<512x128xf32> to vector<1x512x128xf32>
    tpu.vector_store %arg8[%swap3A_284, %swap3A_285, %swap3A_286], %swap3A_289 {strides = array<i32>} : memref<16x512x128xf32, #tpu.memory_space<vmem>>, vector<1x512x128xf32>,
    %dot_general3A_290 = arith.constant dense<0.000000e+00> : vector<512x64xf32>
    %dot_general3A_291 = tpu.matmul %slice3A_281, %get3A_44, %dot_general3A_290 {dimension_numbers = #tpu.dot_dimension_numbers<[1], [0], [0], [1], [0, 0, 1, 1], [], []>, transpose_lhs_hint = false} : vector<512x64xf32>, vector<64x64xf32>, vector<512x64xf32> -> vector<512x64xf32>
    %reduce_max3A_292 = arith.constant dense<0xFF800000> : vector<512xf32>
    %reduce_max3A_293 = vector.multi_reduction <maximumf>, %dot_general3A_291, %reduce_max3A_292 [1] : vector<512x64xf32> to vector<512xf32>
    %broadcast_in_dim3A_294 = vector.shape_cast %reduce_max3A_293 : vector<512xf32> to vector<512x1xf32>
    %reduce_min3A_295 = arith.constant dense<0x7F800000> : vector<512xf32>
    %reduce_min3A_296 = vector.multi_reduction <minimumf>, %dot_general3A_291, %reduce_min3A_295 [1] : vector<512x64xf32> to vector<512xf32>
    %broadcast_in_dim3A_297 = vector.shape_cast %reduce_min3A_296 : vector<512xf32> to vector<512x1xf32>
    %eq3A_298 = vector.broadcast %broadcast_in_dim3A_294 : vector<512x1xf32> to vector<512x64xf32>
    %eq3A_299 = arith.cmpf oeq, %dot_general3A_291, %eq3A_298 : vector<512x64xf32>
    %jit3A_300 = arith.constant 128 : i32
    %broadcast_in_dim3A_301 = vector.broadcast %jit3A_300 : i32 to vector<512x64xi32>
    %select_n3A_302 = arith.select %eq3A_299, %iota3A, %broadcast_in_dim3A_301 : vector<512x64xi1>, vector<512x64xi32>
    %reduce_min3A_303 = arith.constant dense<2147483647> : vector<512xi32>
    %reduce_min3A_304 = vector.multi_reduction <minsi>, %select_n3A_302, %reduce_min3A_303 [1] : vector<512x64xi32> to vector<512xi32>
    %broadcast_in_dim3A_305 = vector.shape_cast %reduce_min3A_304 : vector<512xi32> to vector<512x1xi32>
    %eq3A_306 = vector.broadcast %broadcast_in_dim3A_297 : vector<512x1xf32> to vector<512x64xf32>
    %eq3A_307 = arith.cmpf oeq, %dot_general3A_291, %eq3A_306 : vector<512x64xf32>
    %jit3A_308 = arith.constant 128 : i32
    %broadcast_in_dim3A_309 = vector.broadcast %jit3A_308 : i32 to vector<512x64xi32>
    %select_n3A_310 = arith.select %eq3A_307, %iota3A, %broadcast_in_dim3A_309 : vector<512x64xi1>, vector<512x64xi32>
    %reduce_min3A_311 = arith.constant dense<2147483647> : vector<512xi32>
    %reduce_min3A_312 = vector.multi_reduction <minsi>, %select_n3A_310, %reduce_min3A_311 [1] : vector<512x64xi32> to vector<512xi32>
    %broadcast_in_dim3A_313 = vector.shape_cast %reduce_min3A_312 : vector<512xi32> to vector<512x1xi32>
    %neg3A_314 = arith.constant 0.000000e+00 : f32
    %neg3A_315 = vector.broadcast %neg3A_314 : f32 to vector<512x1xf32>
    %neg3A_316 = arith.subf %neg3A_315, %broadcast_in_dim3A_297 : vector<512x1xf32>
    %ge3A_317 = arith.cmpf oge, %broadcast_in_dim3A_294, %neg3A_316 : vector<512x1xf32>
    %add3A_318 = arith.constant 64 : i32
    %add3A_319 = vector.broadcast %add3A_318 : i32 to vector<512x1xi32>
    %add3A_320 = arith.addi %add3A_319, %broadcast_in_dim3A_313 : vector<512x1xi32>
    %select_n3A_321 = arith.select %ge3A_317, %broadcast_in_dim3A_305, %add3A_320 : vector<512x1xi1>, vector<512x1xi32>
    %slice3A_322 = vector.extract_strided_slice %dot_general3A_36 {offsets = [0, 448], sizes = [512, 64], strides = [1, 1]} : vector<512x1024xf32> to vector<512x64xf32>
    %slice3A_323 = vector.extract_strided_slice %dot_general3A_41 {offsets = [0, 448], sizes = [512, 64], strides = [1, 1]} : vector<512x1024xf32> to vector<512x64xf32>
    %concatenate3A_324 = tpu.concatenate %slice3A_322, %slice3A_323 in 1 : vector<512x64xf32>, vector<512x64xf32> -> vector<512x128xf32>
    %swap3A_325 = arith.constant 7 : index
    %swap3A_326 = arith.constant 0 : index
    %swap3A_327 = arith.constant 0 : index
    %swap3A_328 = vector.load %arg8[%swap3A_325, %swap3A_326, %swap3A_327] : memref<16x512x128xf32, #tpu.memory_space<vmem>>, vector<1x512x128xf32>
    %swap3A_329 = vector.shape_cast %swap3A_328 : vector<1x512x128xf32> to vector<512x128xf32>
    %swap3A_330 = vector.shape_cast %concatenate3A_324 : vector<512x128xf32> to vector<1x512x128xf32>
    tpu.vector_store %arg8[%swap3A_325, %swap3A_326, %swap3A_327], %swap3A_330 {strides = array<i32>} : memref<16x512x128xf32, #tpu.memory_space<vmem>>, vector<1x512x128xf32>,
    %dot_general3A_331 = arith.constant dense<0.000000e+00> : vector<512x64xf32>
    %dot_general3A_332 = tpu.matmul %slice3A_322, %get3A_44, %dot_general3A_331 {dimension_numbers = #tpu.dot_dimension_numbers<[1], [0], [0], [1], [0, 0, 1, 1], [], []>, transpose_lhs_hint = false} : vector<512x64xf32>, vector<64x64xf32>, vector<512x64xf32> -> vector<512x64xf32>
    %reduce_max3A_333 = arith.constant dense<0xFF800000> : vector<512xf32>
    %reduce_max3A_334 = vector.multi_reduction <maximumf>, %dot_general3A_332, %reduce_max3A_333 [1] : vector<512x64xf32> to vector<512xf32>
    %broadcast_in_dim3A_335 = vector.shape_cast %reduce_max3A_334 : vector<512xf32> to vector<512x1xf32>
    %reduce_min3A_336 = arith.constant dense<0x7F800000> : vector<512xf32>
    %reduce_min3A_337 = vector.multi_reduction <minimumf>, %dot_general3A_332, %reduce_min3A_336 [1] : vector<512x64xf32> to vector<512xf32>
    %broadcast_in_dim3A_338 = vector.shape_cast %reduce_min3A_337 : vector<512xf32> to vector<512x1xf32>
    %eq3A_339 = vector.broadcast %broadcast_in_dim3A_335 : vector<512x1xf32> to vector<512x64xf32>
    %eq3A_340 = arith.cmpf oeq, %dot_general3A_332, %eq3A_339 : vector<512x64xf32>
    %jit3A_341 = arith.constant 128 : i32
    %broadcast_in_dim3A_342 = vector.broadcast %jit3A_341 : i32 to vector<512x64xi32>
    %select_n3A_343 = arith.select %eq3A_340, %iota3A, %broadcast_in_dim3A_342 : vector<512x64xi1>, vector<512x64xi32>
    %reduce_min3A_344 = arith.constant dense<2147483647> : vector<512xi32>
    %reduce_min3A_345 = vector.multi_reduction <minsi>, %select_n3A_343, %reduce_min3A_344 [1] : vector<512x64xi32> to vector<512xi32>
    %broadcast_in_dim3A_346 = vector.shape_cast %reduce_min3A_345 : vector<512xi32> to vector<512x1xi32>
    %eq3A_347 = vector.broadcast %broadcast_in_dim3A_338 : vector<512x1xf32> to vector<512x64xf32>
    %eq3A_348 = arith.cmpf oeq, %dot_general3A_332, %eq3A_347 : vector<512x64xf32>
    %jit3A_349 = arith.constant 128 : i32
    %broadcast_in_dim3A_350 = vector.broadcast %jit3A_349 : i32 to vector<512x64xi32>
    %select_n3A_351 = arith.select %eq3A_348, %iota3A, %broadcast_in_dim3A_350 : vector<512x64xi1>, vector<512x64xi32>
    %reduce_min3A_352 = arith.constant dense<2147483647> : vector<512xi32>
    %reduce_min3A_353 = vector.multi_reduction <minsi>, %select_n3A_351, %reduce_min3A_352 [1] : vector<512x64xi32> to vector<512xi32>
    %broadcast_in_dim3A_354 = vector.shape_cast %reduce_min3A_353 : vector<512xi32> to vector<512x1xi32>
    %neg3A_355 = arith.constant 0.000000e+00 : f32
    %neg3A_356 = vector.broadcast %neg3A_355 : f32 to vector<512x1xf32>
    %neg3A_357 = arith.subf %neg3A_356, %broadcast_in_dim3A_338 : vector<512x1xf32>
    %ge3A_358 = arith.cmpf oge, %broadcast_in_dim3A_335, %neg3A_357 : vector<512x1xf32>
    %add3A_359 = arith.constant 64 : i32
    %add3A_360 = vector.broadcast %add3A_359 : i32 to vector<512x1xi32>
    %add3A_361 = arith.addi %add3A_360, %broadcast_in_dim3A_354 : vector<512x1xi32>
    %select_n3A_362 = arith.select %ge3A_358, %broadcast_in_dim3A_346, %add3A_361 : vector<512x1xi1>, vector<512x1xi32>
    %slice3A_363 = vector.extract_strided_slice %dot_general3A_36 {offsets = [0, 512], sizes = [512, 64], strides = [1, 1]} : vector<512x1024xf32> to vector<512x64xf32>
    %slice3A_364 = vector.extract_strided_slice %dot_general3A_41 {offsets = [0, 512], sizes = [512, 64], strides = [1, 1]} : vector<512x1024xf32> to vector<512x64xf32>
    %concatenate3A_365 = tpu.concatenate %slice3A_363, %slice3A_364 in 1 : vector<512x64xf32>, vector<512x64xf32> -> vector<512x128xf32>
    %swap3A_366 = arith.constant 8 : index
    %swap3A_367 = arith.constant 0 : index
    %swap3A_368 = arith.constant 0 : index
    %swap3A_369 = vector.load %arg8[%swap3A_366, %swap3A_367, %swap3A_368] : memref<16x512x128xf32, #tpu.memory_space<vmem>>, vector<1x512x128xf32>
    %swap3A_370 = vector.shape_cast %swap3A_369 : vector<1x512x128xf32> to vector<512x128xf32>
    %swap3A_371 = vector.shape_cast %concatenate3A_365 : vector<512x128xf32> to vector<1x512x128xf32>
    tpu.vector_store %arg8[%swap3A_366, %swap3A_367, %swap3A_368], %swap3A_371 {strides = array<i32>} : memref<16x512x128xf32, #tpu.memory_space<vmem>>, vector<1x512x128xf32>,
    %dot_general3A_372 = arith.constant dense<0.000000e+00> : vector<512x64xf32>
    %dot_general3A_373 = tpu.matmul %slice3A_363, %get3A_44, %dot_general3A_372 {dimension_numbers = #tpu.dot_dimension_numbers<[1], [0], [0], [1], [0, 0, 1, 1], [], []>, transpose_lhs_hint = false} : vector<512x64xf32>, vector<64x64xf32>, vector<512x64xf32> -> vector<512x64xf32>
    %reduce_max3A_374 = arith.constant dense<0xFF800000> : vector<512xf32>
    %reduce_max3A_375 = vector.multi_reduction <maximumf>, %dot_general3A_373, %reduce_max3A_374 [1] : vector<512x64xf32> to vector<512xf32>
    %broadcast_in_dim3A_376 = vector.shape_cast %reduce_max3A_375 : vector<512xf32> to vector<512x1xf32>
    %reduce_min3A_377 = arith.constant dense<0x7F800000> : vector<512xf32>
    %reduce_min3A_378 = vector.multi_reduction <minimumf>, %dot_general3A_373, %reduce_min3A_377 [1] : vector<512x64xf32> to vector<512xf32>
    %broadcast_in_dim3A_379 = vector.shape_cast %reduce_min3A_378 : vector<512xf32> to vector<512x1xf32>
    %eq3A_380 = vector.broadcast %broadcast_in_dim3A_376 : vector<512x1xf32> to vector<512x64xf32>
    %eq3A_381 = arith.cmpf oeq, %dot_general3A_373, %eq3A_380 : vector<512x64xf32>
    %jit3A_382 = arith.constant 128 : i32
    %broadcast_in_dim3A_383 = vector.broadcast %jit3A_382 : i32 to vector<512x64xi32>
    %select_n3A_384 = arith.select %eq3A_381, %iota3A, %broadcast_in_dim3A_383 : vector<512x64xi1>, vector<512x64xi32>
    %reduce_min3A_385 = arith.constant dense<2147483647> : vector<512xi32>
    %reduce_min3A_386 = vector.multi_reduction <minsi>, %select_n3A_384, %reduce_min3A_385 [1] : vector<512x64xi32> to vector<512xi32>
    %broadcast_in_dim3A_387 = vector.shape_cast %reduce_min3A_386 : vector<512xi32> to vector<512x1xi32>
    %eq3A_388 = vector.broadcast %broadcast_in_dim3A_379 : vector<512x1xf32> to vector<512x64xf32>
    %eq3A_389 = arith.cmpf oeq, %dot_general3A_373, %eq3A_388 : vector<512x64xf32>
    %jit3A_390 = arith.constant 128 : i32
    %broadcast_in_dim3A_391 = vector.broadcast %jit3A_390 : i32 to vector<512x64xi32>
    %select_n3A_392 = arith.select %eq3A_389, %iota3A, %broadcast_in_dim3A_391 : vector<512x64xi1>, vector<512x64xi32>
    %reduce_min3A_393 = arith.constant dense<2147483647> : vector<512xi32>
    %reduce_min3A_394 = vector.multi_reduction <minsi>, %select_n3A_392, %reduce_min3A_393 [1] : vector<512x64xi32> to vector<512xi32>
    %broadcast_in_dim3A_395 = vector.shape_cast %reduce_min3A_394 : vector<512xi32> to vector<512x1xi32>
    %neg3A_396 = arith.constant 0.000000e+00 : f32
    %neg3A_397 = vector.broadcast %neg3A_396 : f32 to vector<512x1xf32>
    %neg3A_398 = arith.subf %neg3A_397, %broadcast_in_dim3A_379 : vector<512x1xf32>
    %ge3A_399 = arith.cmpf oge, %broadcast_in_dim3A_376, %neg3A_398 : vector<512x1xf32>
    %add3A_400 = arith.constant 64 : i32
    %add3A_401 = vector.broadcast %add3A_400 : i32 to vector<512x1xi32>
    %add3A_402 = arith.addi %add3A_401, %broadcast_in_dim3A_395 : vector<512x1xi32>
    %select_n3A_403 = arith.select %ge3A_399, %broadcast_in_dim3A_387, %add3A_402 : vector<512x1xi1>, vector<512x1xi32>
    %slice3A_404 = vector.extract_strided_slice %dot_general3A_36 {offsets = [0, 576], sizes = [512, 64], strides = [1, 1]} : vector<512x1024xf32> to vector<512x64xf32>
    %slice3A_405 = vector.extract_strided_slice %dot_general3A_41 {offsets = [0, 576], sizes = [512, 64], strides = [1, 1]} : vector<512x1024xf32> to vector<512x64xf32>
    %concatenate3A_406 = tpu.concatenate %slice3A_404, %slice3A_405 in 1 : vector<512x64xf32>, vector<512x64xf32> -> vector<512x128xf32>
    %swap3A_407 = arith.constant 9 : index
    %swap3A_408 = arith.constant 0 : index
    %swap3A_409 = arith.constant 0 : index
    %swap3A_410 = vector.load %arg8[%swap3A_407, %swap3A_408, %swap3A_409] : memref<16x512x128xf32, #tpu.memory_space<vmem>>, vector<1x512x128xf32>
    %swap3A_411 = vector.shape_cast %swap3A_410 : vector<1x512x128xf32> to vector<512x128xf32>
    %swap3A_412 = vector.shape_cast %concatenate3A_406 : vector<512x128xf32> to vector<1x512x128xf32>
    tpu.vector_store %arg8[%swap3A_407, %swap3A_408, %swap3A_409], %swap3A_412 {strides = array<i32>} : memref<16x512x128xf32, #tpu.memory_space<vmem>>, vector<1x512x128xf32>,
    %dot_general3A_413 = arith.constant dense<0.000000e+00> : vector<512x64xf32>
    %dot_general3A_414 = tpu.matmul %slice3A_404, %get3A_44, %dot_general3A_413 {dimension_numbers = #tpu.dot_dimension_numbers<[1], [0], [0], [1], [0, 0, 1, 1], [], []>, transpose_lhs_hint = false} : vector<512x64xf32>, vector<64x64xf32>, vector<512x64xf32> -> vector<512x64xf32>
    %reduce_max3A_415 = arith.constant dense<0xFF800000> : vector<512xf32>
    %reduce_max3A_416 = vector.multi_reduction <maximumf>, %dot_general3A_414, %reduce_max3A_415 [1] : vector<512x64xf32> to vector<512xf32>
    %broadcast_in_dim3A_417 = vector.shape_cast %reduce_max3A_416 : vector<512xf32> to vector<512x1xf32>
    %reduce_min3A_418 = arith.constant dense<0x7F800000> : vector<512xf32>
    %reduce_min3A_419 = vector.multi_reduction <minimumf>, %dot_general3A_414, %reduce_min3A_418 [1] : vector<512x64xf32> to vector<512xf32>
    %broadcast_in_dim3A_420 = vector.shape_cast %reduce_min3A_419 : vector<512xf32> to vector<512x1xf32>
    %eq3A_421 = vector.broadcast %broadcast_in_dim3A_417 : vector<512x1xf32> to vector<512x64xf32>
    %eq3A_422 = arith.cmpf oeq, %dot_general3A_414, %eq3A_421 : vector<512x64xf32>
    %jit3A_423 = arith.constant 128 : i32
    %broadcast_in_dim3A_424 = vector.broadcast %jit3A_423 : i32 to vector<512x64xi32>
    %select_n3A_425 = arith.select %eq3A_422, %iota3A, %broadcast_in_dim3A_424 : vector<512x64xi1>, vector<512x64xi32>
    %reduce_min3A_426 = arith.constant dense<2147483647> : vector<512xi32>
    %reduce_min3A_427 = vector.multi_reduction <minsi>, %select_n3A_425, %reduce_min3A_426 [1] : vector<512x64xi32> to vector<512xi32>
    %broadcast_in_dim3A_428 = vector.shape_cast %reduce_min3A_427 : vector<512xi32> to vector<512x1xi32>
    %eq3A_429 = vector.broadcast %broadcast_in_dim3A_420 : vector<512x1xf32> to vector<512x64xf32>
    %eq3A_430 = arith.cmpf oeq, %dot_general3A_414, %eq3A_429 : vector<512x64xf32>
    %jit3A_431 = arith.constant 128 : i32
    %broadcast_in_dim3A_432 = vector.broadcast %jit3A_431 : i32 to vector<512x64xi32>
    %select_n3A_433 = arith.select %eq3A_430, %iota3A, %broadcast_in_dim3A_432 : vector<512x64xi1>, vector<512x64xi32>
    %reduce_min3A_434 = arith.constant dense<2147483647> : vector<512xi32>
    %reduce_min3A_435 = vector.multi_reduction <minsi>, %select_n3A_433, %reduce_min3A_434 [1] : vector<512x64xi32> to vector<512xi32>
    %broadcast_in_dim3A_436 = vector.shape_cast %reduce_min3A_435 : vector<512xi32> to vector<512x1xi32>
    %neg3A_437 = arith.constant 0.000000e+00 : f32
    %neg3A_438 = vector.broadcast %neg3A_437 : f32 to vector<512x1xf32>
    %neg3A_439 = arith.subf %neg3A_438, %broadcast_in_dim3A_420 : vector<512x1xf32>
    %ge3A_440 = arith.cmpf oge, %broadcast_in_dim3A_417, %neg3A_439 : vector<512x1xf32>
    %add3A_441 = arith.constant 64 : i32
    %add3A_442 = vector.broadcast %add3A_441 : i32 to vector<512x1xi32>
    %add3A_443 = arith.addi %add3A_442, %broadcast_in_dim3A_436 : vector<512x1xi32>
    %select_n3A_444 = arith.select %ge3A_440, %broadcast_in_dim3A_428, %add3A_443 : vector<512x1xi1>, vector<512x1xi32>
    %slice3A_445 = vector.extract_strided_slice %dot_general3A_36 {offsets = [0, 640], sizes = [512, 64], strides = [1, 1]} : vector<512x1024xf32> to vector<512x64xf32>
    %slice3A_446 = vector.extract_strided_slice %dot_general3A_41 {offsets = [0, 640], sizes = [512, 64], strides = [1, 1]} : vector<512x1024xf32> to vector<512x64xf32>
    %concatenate3A_447 = tpu.concatenate %slice3A_445, %slice3A_446 in 1 : vector<512x64xf32>, vector<512x64xf32> -> vector<512x128xf32>
    %swap3A_448 = arith.constant 10 : index
    %swap3A_449 = arith.constant 0 : index
    %swap3A_450 = arith.constant 0 : index
    %swap3A_451 = vector.load %arg8[%swap3A_448, %swap3A_449, %swap3A_450] : memref<16x512x128xf32, #tpu.memory_space<vmem>>, vector<1x512x128xf32>
    %swap3A_452 = vector.shape_cast %swap3A_451 : vector<1x512x128xf32> to vector<512x128xf32>
    %swap3A_453 = vector.shape_cast %concatenate3A_447 : vector<512x128xf32> to vector<1x512x128xf32>
    tpu.vector_store %arg8[%swap3A_448, %swap3A_449, %swap3A_450], %swap3A_453 {strides = array<i32>} : memref<16x512x128xf32, #tpu.memory_space<vmem>>, vector<1x512x128xf32>,
    %dot_general3A_454 = arith.constant dense<0.000000e+00> : vector<512x64xf32>
    %dot_general3A_455 = tpu.matmul %slice3A_445, %get3A_44, %dot_general3A_454 {dimension_numbers = #tpu.dot_dimension_numbers<[1], [0], [0], [1], [0, 0, 1, 1], [], []>, transpose_lhs_hint = false} : vector<512x64xf32>, vector<64x64xf32>, vector<512x64xf32> -> vector<512x64xf32>
    %reduce_max3A_456 = arith.constant dense<0xFF800000> : vector<512xf32>
    %reduce_max3A_457 = vector.multi_reduction <maximumf>, %dot_general3A_455, %reduce_max3A_456 [1] : vector<512x64xf32> to vector<512xf32>
    %broadcast_in_dim3A_458 = vector.shape_cast %reduce_max3A_457 : vector<512xf32> to vector<512x1xf32>
    %reduce_min3A_459 = arith.constant dense<0x7F800000> : vector<512xf32>
    %reduce_min3A_460 = vector.multi_reduction <minimumf>, %dot_general3A_455, %reduce_min3A_459 [1] : vector<512x64xf32> to vector<512xf32>
    %broadcast_in_dim3A_461 = vector.shape_cast %reduce_min3A_460 : vector<512xf32> to vector<512x1xf32>
    %eq3A_462 = vector.broadcast %broadcast_in_dim3A_458 : vector<512x1xf32> to vector<512x64xf32>
    %eq3A_463 = arith.cmpf oeq, %dot_general3A_455, %eq3A_462 : vector<512x64xf32>
    %jit3A_464 = arith.constant 128 : i32
    %broadcast_in_dim3A_465 = vector.broadcast %jit3A_464 : i32 to vector<512x64xi32>
    %select_n3A_466 = arith.select %eq3A_463, %iota3A, %broadcast_in_dim3A_465 : vector<512x64xi1>, vector<512x64xi32>
    %reduce_min3A_467 = arith.constant dense<2147483647> : vector<512xi32>
    %reduce_min3A_468 = vector.multi_reduction <minsi>, %select_n3A_466, %reduce_min3A_467 [1] : vector<512x64xi32> to vector<512xi32>
    %broadcast_in_dim3A_469 = vector.shape_cast %reduce_min3A_468 : vector<512xi32> to vector<512x1xi32>
    %eq3A_470 = vector.broadcast %broadcast_in_dim3A_461 : vector<512x1xf32> to vector<512x64xf32>
    %eq3A_471 = arith.cmpf oeq, %dot_general3A_455, %eq3A_470 : vector<512x64xf32>
    %jit3A_472 = arith.constant 128 : i32
    %broadcast_in_dim3A_473 = vector.broadcast %jit3A_472 : i32 to vector<512x64xi32>
    %select_n3A_474 = arith.select %eq3A_471, %iota3A, %broadcast_in_dim3A_473 : vector<512x64xi1>, vector<512x64xi32>
    %reduce_min3A_475 = arith.constant dense<2147483647> : vector<512xi32>
    %reduce_min3A_476 = vector.multi_reduction <minsi>, %select_n3A_474, %reduce_min3A_475 [1] : vector<512x64xi32> to vector<512xi32>
    %broadcast_in_dim3A_477 = vector.shape_cast %reduce_min3A_476 : vector<512xi32> to vector<512x1xi32>
    %neg3A_478 = arith.constant 0.000000e+00 : f32
    %neg3A_479 = vector.broadcast %neg3A_478 : f32 to vector<512x1xf32>
    %neg3A_480 = arith.subf %neg3A_479, %broadcast_in_dim3A_461 : vector<512x1xf32>
    %ge3A_481 = arith.cmpf oge, %broadcast_in_dim3A_458, %neg3A_480 : vector<512x1xf32>
    %add3A_482 = arith.constant 64 : i32
    %add3A_483 = vector.broadcast %add3A_482 : i32 to vector<512x1xi32>
    %add3A_484 = arith.addi %add3A_483, %broadcast_in_dim3A_477 : vector<512x1xi32>
    %select_n3A_485 = arith.select %ge3A_481, %broadcast_in_dim3A_469, %add3A_484 : vector<512x1xi1>, vector<512x1xi32>
    %slice3A_486 = vector.extract_strided_slice %dot_general3A_36 {offsets = [0, 704], sizes = [512, 64], strides = [1, 1]} : vector<512x1024xf32> to vector<512x64xf32>
    %slice3A_487 = vector.extract_strided_slice %dot_general3A_41 {offsets = [0, 704], sizes = [512, 64], strides = [1, 1]} : vector<512x1024xf32> to vector<512x64xf32>
    %concatenate3A_488 = tpu.concatenate %slice3A_486, %slice3A_487 in 1 : vector<512x64xf32>, vector<512x64xf32> -> vector<512x128xf32>
    %swap3A_489 = arith.constant 11 : index
    %swap3A_490 = arith.constant 0 : index
    %swap3A_491 = arith.constant 0 : index
    %swap3A_492 = vector.load %arg8[%swap3A_489, %swap3A_490, %swap3A_491] : memref<16x512x128xf32, #tpu.memory_space<vmem>>, vector<1x512x128xf32>
    %swap3A_493 = vector.shape_cast %swap3A_492 : vector<1x512x128xf32> to vector<512x128xf32>
    %swap3A_494 = vector.shape_cast %concatenate3A_488 : vector<512x128xf32> to vector<1x512x128xf32>
    tpu.vector_store %arg8[%swap3A_489, %swap3A_490, %swap3A_491], %swap3A_494 {strides = array<i32>} : memref<16x512x128xf32, #tpu.memory_space<vmem>>, vector<1x512x128xf32>,
    %dot_general3A_495 = arith.constant dense<0.000000e+00> : vector<512x64xf32>
    %dot_general3A_496 = tpu.matmul %slice3A_486, %get3A_44, %dot_general3A_495 {dimension_numbers = #tpu.dot_dimension_numbers<[1], [0], [0], [1], [0, 0, 1, 1], [], []>, transpose_lhs_hint = false} : vector<512x64xf32>, vector<64x64xf32>, vector<512x64xf32> -> vector<512x64xf32>
    %reduce_max3A_497 = arith.constant dense<0xFF800000> : vector<512xf32>
    %reduce_max3A_498 = vector.multi_reduction <maximumf>, %dot_general3A_496, %reduce_max3A_497 [1] : vector<512x64xf32> to vector<512xf32>
    %broadcast_in_dim3A_499 = vector.shape_cast %reduce_max3A_498 : vector<512xf32> to vector<512x1xf32>
    %reduce_min3A_500 = arith.constant dense<0x7F800000> : vector<512xf32>
    %reduce_min3A_501 = vector.multi_reduction <minimumf>, %dot_general3A_496, %reduce_min3A_500 [1] : vector<512x64xf32> to vector<512xf32>
    %broadcast_in_dim3A_502 = vector.shape_cast %reduce_min3A_501 : vector<512xf32> to vector<512x1xf32>
    %eq3A_503 = vector.broadcast %broadcast_in_dim3A_499 : vector<512x1xf32> to vector<512x64xf32>
    %eq3A_504 = arith.cmpf oeq, %dot_general3A_496, %eq3A_503 : vector<512x64xf32>
    %jit3A_505 = arith.constant 128 : i32
    %broadcast_in_dim3A_506 = vector.broadcast %jit3A_505 : i32 to vector<512x64xi32>
    %select_n3A_507 = arith.select %eq3A_504, %iota3A, %broadcast_in_dim3A_506 : vector<512x64xi1>, vector<512x64xi32>
    %reduce_min3A_508 = arith.constant dense<2147483647> : vector<512xi32>
    %reduce_min3A_509 = vector.multi_reduction <minsi>, %select_n3A_507, %reduce_min3A_508 [1] : vector<512x64xi32> to vector<512xi32>
    %broadcast_in_dim3A_510 = vector.shape_cast %reduce_min3A_509 : vector<512xi32> to vector<512x1xi32>
    %eq3A_511 = vector.broadcast %broadcast_in_dim3A_502 : vector<512x1xf32> to vector<512x64xf32>
    %eq3A_512 = arith.cmpf oeq, %dot_general3A_496, %eq3A_511 : vector<512x64xf32>
    %jit3A_513 = arith.constant 128 : i32
    %broadcast_in_dim3A_514 = vector.broadcast %jit3A_513 : i32 to vector<512x64xi32>
    %select_n3A_515 = arith.select %eq3A_512, %iota3A, %broadcast_in_dim3A_514 : vector<512x64xi1>, vector<512x64xi32>
    %reduce_min3A_516 = arith.constant dense<2147483647> : vector<512xi32>
    %reduce_min3A_517 = vector.multi_reduction <minsi>, %select_n3A_515, %reduce_min3A_516 [1] : vector<512x64xi32> to vector<512xi32>
    %broadcast_in_dim3A_518 = vector.shape_cast %reduce_min3A_517 : vector<512xi32> to vector<512x1xi32>
    %neg3A_519 = arith.constant 0.000000e+00 : f32
    %neg3A_520 = vector.broadcast %neg3A_519 : f32 to vector<512x1xf32>
    %neg3A_521 = arith.subf %neg3A_520, %broadcast_in_dim3A_502 : vector<512x1xf32>
    %ge3A_522 = arith.cmpf oge, %broadcast_in_dim3A_499, %neg3A_521 : vector<512x1xf32>
    %add3A_523 = arith.constant 64 : i32
    %add3A_524 = vector.broadcast %add3A_523 : i32 to vector<512x1xi32>
    %add3A_525 = arith.addi %add3A_524, %broadcast_in_dim3A_518 : vector<512x1xi32>
    %select_n3A_526 = arith.select %ge3A_522, %broadcast_in_dim3A_510, %add3A_525 : vector<512x1xi1>, vector<512x1xi32>
    %slice3A_527 = vector.extract_strided_slice %dot_general3A_36 {offsets = [0, 768], sizes = [512, 64], strides = [1, 1]} : vector<512x1024xf32> to vector<512x64xf32>
    %slice3A_528 = vector.extract_strided_slice %dot_general3A_41 {offsets = [0, 768], sizes = [512, 64], strides = [1, 1]} : vector<512x1024xf32> to vector<512x64xf32>
    %concatenate3A_529 = tpu.concatenate %slice3A_527, %slice3A_528 in 1 : vector<512x64xf32>, vector<512x64xf32> -> vector<512x128xf32>
    %swap3A_530 = arith.constant 12 : index
    %swap3A_531 = arith.constant 0 : index
    %swap3A_532 = arith.constant 0 : index
    %swap3A_533 = vector.load %arg8[%swap3A_530, %swap3A_531, %swap3A_532] : memref<16x512x128xf32, #tpu.memory_space<vmem>>, vector<1x512x128xf32>
    %swap3A_534 = vector.shape_cast %swap3A_533 : vector<1x512x128xf32> to vector<512x128xf32>
    %swap3A_535 = vector.shape_cast %concatenate3A_529 : vector<512x128xf32> to vector<1x512x128xf32>
    tpu.vector_store %arg8[%swap3A_530, %swap3A_531, %swap3A_532], %swap3A_535 {strides = array<i32>} : memref<16x512x128xf32, #tpu.memory_space<vmem>>, vector<1x512x128xf32>,
    %dot_general3A_536 = arith.constant dense<0.000000e+00> : vector<512x64xf32>
    %dot_general3A_537 = tpu.matmul %slice3A_527, %get3A_44, %dot_general3A_536 {dimension_numbers = #tpu.dot_dimension_numbers<[1], [0], [0], [1], [0, 0, 1, 1], [], []>, transpose_lhs_hint = false} : vector<512x64xf32>, vector<64x64xf32>, vector<512x64xf32> -> vector<512x64xf32>
    %reduce_max3A_538 = arith.constant dense<0xFF800000> : vector<512xf32>
    %reduce_max3A_539 = vector.multi_reduction <maximumf>, %dot_general3A_537, %reduce_max3A_538 [1] : vector<512x64xf32> to vector<512xf32>
    %broadcast_in_dim3A_540 = vector.shape_cast %reduce_max3A_539 : vector<512xf32> to vector<512x1xf32>
    %reduce_min3A_541 = arith.constant dense<0x7F800000> : vector<512xf32>
    %reduce_min3A_542 = vector.multi_reduction <minimumf>, %dot_general3A_537, %reduce_min3A_541 [1] : vector<512x64xf32> to vector<512xf32>
    %broadcast_in_dim3A_543 = vector.shape_cast %reduce_min3A_542 : vector<512xf32> to vector<512x1xf32>
    %eq3A_544 = vector.broadcast %broadcast_in_dim3A_540 : vector<512x1xf32> to vector<512x64xf32>
    %eq3A_545 = arith.cmpf oeq, %dot_general3A_537, %eq3A_544 : vector<512x64xf32>
    %jit3A_546 = arith.constant 128 : i32
    %broadcast_in_dim3A_547 = vector.broadcast %jit3A_546 : i32 to vector<512x64xi32>
    %select_n3A_548 = arith.select %eq3A_545, %iota3A, %broadcast_in_dim3A_547 : vector<512x64xi1>, vector<512x64xi32>
    %reduce_min3A_549 = arith.constant dense<2147483647> : vector<512xi32>
    %reduce_min3A_550 = vector.multi_reduction <minsi>, %select_n3A_548, %reduce_min3A_549 [1] : vector<512x64xi32> to vector<512xi32>
    %broadcast_in_dim3A_551 = vector.shape_cast %reduce_min3A_550 : vector<512xi32> to vector<512x1xi32>
    %eq3A_552 = vector.broadcast %broadcast_in_dim3A_543 : vector<512x1xf32> to vector<512x64xf32>
    %eq3A_553 = arith.cmpf oeq, %dot_general3A_537, %eq3A_552 : vector<512x64xf32>
    %jit3A_554 = arith.constant 128 : i32
    %broadcast_in_dim3A_555 = vector.broadcast %jit3A_554 : i32 to vector<512x64xi32>
    %select_n3A_556 = arith.select %eq3A_553, %iota3A, %broadcast_in_dim3A_555 : vector<512x64xi1>, vector<512x64xi32>
    %reduce_min3A_557 = arith.constant dense<2147483647> : vector<512xi32>
    %reduce_min3A_558 = vector.multi_reduction <minsi>, %select_n3A_556, %reduce_min3A_557 [1] : vector<512x64xi32> to vector<512xi32>
    %broadcast_in_dim3A_559 = vector.shape_cast %reduce_min3A_558 : vector<512xi32> to vector<512x1xi32>
    %neg3A_560 = arith.constant 0.000000e+00 : f32
    %neg3A_561 = vector.broadcast %neg3A_560 : f32 to vector<512x1xf32>
    %neg3A_562 = arith.subf %neg3A_561, %broadcast_in_dim3A_543 : vector<512x1xf32>
    %ge3A_563 = arith.cmpf oge, %broadcast_in_dim3A_540, %neg3A_562 : vector<512x1xf32>
    %add3A_564 = arith.constant 64 : i32
    %add3A_565 = vector.broadcast %add3A_564 : i32 to vector<512x1xi32>
    %add3A_566 = arith.addi %add3A_565, %broadcast_in_dim3A_559 : vector<512x1xi32>
    %select_n3A_567 = arith.select %ge3A_563, %broadcast_in_dim3A_551, %add3A_566 : vector<512x1xi1>, vector<512x1xi32>
    %slice3A_568 = vector.extract_strided_slice %dot_general3A_36 {offsets = [0, 832], sizes = [512, 64], strides = [1, 1]} : vector<512x1024xf32> to vector<512x64xf32>
    %slice3A_569 = vector.extract_strided_slice %dot_general3A_41 {offsets = [0, 832], sizes = [512, 64], strides = [1, 1]} : vector<512x1024xf32> to vector<512x64xf32>
    %concatenate3A_570 = tpu.concatenate %slice3A_568, %slice3A_569 in 1 : vector<512x64xf32>, vector<512x64xf32> -> vector<512x128xf32>
    %swap3A_571 = arith.constant 13 : index
    %swap3A_572 = arith.constant 0 : index
    %swap3A_573 = arith.constant 0 : index
    %swap3A_574 = vector.load %arg8[%swap3A_571, %swap3A_572, %swap3A_573] : memref<16x512x128xf32, #tpu.memory_space<vmem>>, vector<1x512x128xf32>
    %swap3A_575 = vector.shape_cast %swap3A_574 : vector<1x512x128xf32> to vector<512x128xf32>
    %swap3A_576 = vector.shape_cast %concatenate3A_570 : vector<512x128xf32> to vector<1x512x128xf32>
    tpu.vector_store %arg8[%swap3A_571, %swap3A_572, %swap3A_573], %swap3A_576 {strides = array<i32>} : memref<16x512x128xf32, #tpu.memory_space<vmem>>, vector<1x512x128xf32>,
    %dot_general3A_577 = arith.constant dense<0.000000e+00> : vector<512x64xf32>
    %dot_general3A_578 = tpu.matmul %slice3A_568, %get3A_44, %dot_general3A_577 {dimension_numbers = #tpu.dot_dimension_numbers<[1], [0], [0], [1], [0, 0, 1, 1], [], []>, transpose_lhs_hint = false} : vector<512x64xf32>, vector<64x64xf32>, vector<512x64xf32> -> vector<512x64xf32>
    %reduce_max3A_579 = arith.constant dense<0xFF800000> : vector<512xf32>
    %reduce_max3A_580 = vector.multi_reduction <maximumf>, %dot_general3A_578, %reduce_max3A_579 [1] : vector<512x64xf32> to vector<512xf32>
    %broadcast_in_dim3A_581 = vector.shape_cast %reduce_max3A_580 : vector<512xf32> to vector<512x1xf32>
    %reduce_min3A_582 = arith.constant dense<0x7F800000> : vector<512xf32>
    %reduce_min3A_583 = vector.multi_reduction <minimumf>, %dot_general3A_578, %reduce_min3A_582 [1] : vector<512x64xf32> to vector<512xf32>
    %broadcast_in_dim3A_584 = vector.shape_cast %reduce_min3A_583 : vector<512xf32> to vector<512x1xf32>
    %eq3A_585 = vector.broadcast %broadcast_in_dim3A_581 : vector<512x1xf32> to vector<512x64xf32>
    %eq3A_586 = arith.cmpf oeq, %dot_general3A_578, %eq3A_585 : vector<512x64xf32>
    %jit3A_587 = arith.constant 128 : i32
    %broadcast_in_dim3A_588 = vector.broadcast %jit3A_587 : i32 to vector<512x64xi32>
    %select_n3A_589 = arith.select %eq3A_586, %iota3A, %broadcast_in_dim3A_588 : vector<512x64xi1>, vector<512x64xi32>
    %reduce_min3A_590 = arith.constant dense<2147483647> : vector<512xi32>
    %reduce_min3A_591 = vector.multi_reduction <minsi>, %select_n3A_589, %reduce_min3A_590 [1] : vector<512x64xi32> to vector<512xi32>
    %broadcast_in_dim3A_592 = vector.shape_cast %reduce_min3A_591 : vector<512xi32> to vector<512x1xi32>
    %eq3A_593 = vector.broadcast %broadcast_in_dim3A_584 : vector<512x1xf32> to vector<512x64xf32>
    %eq3A_594 = arith.cmpf oeq, %dot_general3A_578, %eq3A_593 : vector<512x64xf32>
    %jit3A_595 = arith.constant 128 : i32
    %broadcast_in_dim3A_596 = vector.broadcast %jit3A_595 : i32 to vector<512x64xi32>
    %select_n3A_597 = arith.select %eq3A_594, %iota3A, %broadcast_in_dim3A_596 : vector<512x64xi1>, vector<512x64xi32>
    %reduce_min3A_598 = arith.constant dense<2147483647> : vector<512xi32>
    %reduce_min3A_599 = vector.multi_reduction <minsi>, %select_n3A_597, %reduce_min3A_598 [1] : vector<512x64xi32> to vector<512xi32>
    %broadcast_in_dim3A_600 = vector.shape_cast %reduce_min3A_599 : vector<512xi32> to vector<512x1xi32>
    %neg3A_601 = arith.constant 0.000000e+00 : f32
    %neg3A_602 = vector.broadcast %neg3A_601 : f32 to vector<512x1xf32>
    %neg3A_603 = arith.subf %neg3A_602, %broadcast_in_dim3A_584 : vector<512x1xf32>
    %ge3A_604 = arith.cmpf oge, %broadcast_in_dim3A_581, %neg3A_603 : vector<512x1xf32>
    %add3A_605 = arith.constant 64 : i32
    %add3A_606 = vector.broadcast %add3A_605 : i32 to vector<512x1xi32>
    %add3A_607 = arith.addi %add3A_606, %broadcast_in_dim3A_600 : vector<512x1xi32>
    %select_n3A_608 = arith.select %ge3A_604, %broadcast_in_dim3A_592, %add3A_607 : vector<512x1xi1>, vector<512x1xi32>
    %slice3A_609 = vector.extract_strided_slice %dot_general3A_36 {offsets = [0, 896], sizes = [512, 64], strides = [1, 1]} : vector<512x1024xf32> to vector<512x64xf32>
    %slice3A_610 = vector.extract_strided_slice %dot_general3A_41 {offsets = [0, 896], sizes = [512, 64], strides = [1, 1]} : vector<512x1024xf32> to vector<512x64xf32>
    %concatenate3A_611 = tpu.concatenate %slice3A_609, %slice3A_610 in 1 : vector<512x64xf32>, vector<512x64xf32> -> vector<512x128xf32>
    %swap3A_612 = arith.constant 14 : index
    %swap3A_613 = arith.constant 0 : index
    %swap3A_614 = arith.constant 0 : index
    %swap3A_615 = vector.load %arg8[%swap3A_612, %swap3A_613, %swap3A_614] : memref<16x512x128xf32, #tpu.memory_space<vmem>>, vector<1x512x128xf32>
    %swap3A_616 = vector.shape_cast %swap3A_615 : vector<1x512x128xf32> to vector<512x128xf32>
    %swap3A_617 = vector.shape_cast %concatenate3A_611 : vector<512x128xf32> to vector<1x512x128xf32>
    tpu.vector_store %arg8[%swap3A_612, %swap3A_613, %swap3A_614], %swap3A_617 {strides = array<i32>} : memref<16x512x128xf32, #tpu.memory_space<vmem>>, vector<1x512x128xf32>,
    %dot_general3A_618 = arith.constant dense<0.000000e+00> : vector<512x64xf32>
    %dot_general3A_619 = tpu.matmul %slice3A_609, %get3A_44, %dot_general3A_618 {dimension_numbers = #tpu.dot_dimension_numbers<[1], [0], [0], [1], [0, 0, 1, 1], [], []>, transpose_lhs_hint = false} : vector<512x64xf32>, vector<64x64xf32>, vector<512x64xf32> -> vector<512x64xf32>
    %reduce_max3A_620 = arith.constant dense<0xFF800000> : vector<512xf32>
    %reduce_max3A_621 = vector.multi_reduction <maximumf>, %dot_general3A_619, %reduce_max3A_620 [1] : vector<512x64xf32> to vector<512xf32>
    %broadcast_in_dim3A_622 = vector.shape_cast %reduce_max3A_621 : vector<512xf32> to vector<512x1xf32>
    %reduce_min3A_623 = arith.constant dense<0x7F800000> : vector<512xf32>
    %reduce_min3A_624 = vector.multi_reduction <minimumf>, %dot_general3A_619, %reduce_min3A_623 [1] : vector<512x64xf32> to vector<512xf32>
    %broadcast_in_dim3A_625 = vector.shape_cast %reduce_min3A_624 : vector<512xf32> to vector<512x1xf32>
    %eq3A_626 = vector.broadcast %broadcast_in_dim3A_622 : vector<512x1xf32> to vector<512x64xf32>
    %eq3A_627 = arith.cmpf oeq, %dot_general3A_619, %eq3A_626 : vector<512x64xf32>
    %jit3A_628 = arith.constant 128 : i32
    %broadcast_in_dim3A_629 = vector.broadcast %jit3A_628 : i32 to vector<512x64xi32>
    %select_n3A_630 = arith.select %eq3A_627, %iota3A, %broadcast_in_dim3A_629 : vector<512x64xi1>, vector<512x64xi32>
    %reduce_min3A_631 = arith.constant dense<2147483647> : vector<512xi32>
    %reduce_min3A_632 = vector.multi_reduction <minsi>, %select_n3A_630, %reduce_min3A_631 [1] : vector<512x64xi32> to vector<512xi32>
    %broadcast_in_dim3A_633 = vector.shape_cast %reduce_min3A_632 : vector<512xi32> to vector<512x1xi32>
    %eq3A_634 = vector.broadcast %broadcast_in_dim3A_625 : vector<512x1xf32> to vector<512x64xf32>
    %eq3A_635 = arith.cmpf oeq, %dot_general3A_619, %eq3A_634 : vector<512x64xf32>
    %jit3A_636 = arith.constant 128 : i32
    %broadcast_in_dim3A_637 = vector.broadcast %jit3A_636 : i32 to vector<512x64xi32>
    %select_n3A_638 = arith.select %eq3A_635, %iota3A, %broadcast_in_dim3A_637 : vector<512x64xi1>, vector<512x64xi32>
    %reduce_min3A_639 = arith.constant dense<2147483647> : vector<512xi32>
    %reduce_min3A_640 = vector.multi_reduction <minsi>, %select_n3A_638, %reduce_min3A_639 [1] : vector<512x64xi32> to vector<512xi32>
    %broadcast_in_dim3A_641 = vector.shape_cast %reduce_min3A_640 : vector<512xi32> to vector<512x1xi32>
    %neg3A_642 = arith.constant 0.000000e+00 : f32
    %neg3A_643 = vector.broadcast %neg3A_642 : f32 to vector<512x1xf32>
    %neg3A_644 = arith.subf %neg3A_643, %broadcast_in_dim3A_625 : vector<512x1xf32>
    %ge3A_645 = arith.cmpf oge, %broadcast_in_dim3A_622, %neg3A_644 : vector<512x1xf32>
    %add3A_646 = arith.constant 64 : i32
    %add3A_647 = vector.broadcast %add3A_646 : i32 to vector<512x1xi32>
    %add3A_648 = arith.addi %add3A_647, %broadcast_in_dim3A_641 : vector<512x1xi32>
    %select_n3A_649 = arith.select %ge3A_645, %broadcast_in_dim3A_633, %add3A_648 : vector<512x1xi1>, vector<512x1xi32>
    %slice3A_650 = vector.extract_strided_slice %dot_general3A_36 {offsets = [0, 960], sizes = [512, 64], strides = [1, 1]} : vector<512x1024xf32> to vector<512x64xf32>
    %slice3A_651 = vector.extract_strided_slice %dot_general3A_41 {offsets = [0, 960], sizes = [512, 64], strides = [1, 1]} : vector<512x1024xf32> to vector<512x64xf32>
    %concatenate3A_652 = tpu.concatenate %slice3A_650, %slice3A_651 in 1 : vector<512x64xf32>, vector<512x64xf32> -> vector<512x128xf32>
    %swap3A_653 = arith.constant 15 : index
    %swap3A_654 = arith.constant 0 : index
    %swap3A_655 = arith.constant 0 : index
    %swap3A_656 = vector.load %arg8[%swap3A_653, %swap3A_654, %swap3A_655] : memref<16x512x128xf32, #tpu.memory_space<vmem>>, vector<1x512x128xf32>
    %swap3A_657 = vector.shape_cast %swap3A_656 : vector<1x512x128xf32> to vector<512x128xf32>
    %swap3A_658 = vector.shape_cast %concatenate3A_652 : vector<512x128xf32> to vector<1x512x128xf32>
    tpu.vector_store %arg8[%swap3A_653, %swap3A_654, %swap3A_655], %swap3A_658 {strides = array<i32>} : memref<16x512x128xf32, #tpu.memory_space<vmem>>, vector<1x512x128xf32>,
    %dot_general3A_659 = arith.constant dense<0.000000e+00> : vector<512x64xf32>
    %dot_general3A_660 = tpu.matmul %slice3A_650, %get3A_44, %dot_general3A_659 {dimension_numbers = #tpu.dot_dimension_numbers<[1], [0], [0], [1], [0, 0, 1, 1], [], []>, transpose_lhs_hint = false} : vector<512x64xf32>, vector<64x64xf32>, vector<512x64xf32> -> vector<512x64xf32>
    %reduce_max3A_661 = arith.constant dense<0xFF800000> : vector<512xf32>
    %reduce_max3A_662 = vector.multi_reduction <maximumf>, %dot_general3A_660, %reduce_max3A_661 [1] : vector<512x64xf32> to vector<512xf32>
    %broadcast_in_dim3A_663 = vector.shape_cast %reduce_max3A_662 : vector<512xf32> to vector<512x1xf32>
    %reduce_min3A_664 = arith.constant dense<0x7F800000> : vector<512xf32>
    %reduce_min3A_665 = vector.multi_reduction <minimumf>, %dot_general3A_660, %reduce_min3A_664 [1] : vector<512x64xf32> to vector<512xf32>
    %broadcast_in_dim3A_666 = vector.shape_cast %reduce_min3A_665 : vector<512xf32> to vector<512x1xf32>
    %eq3A_667 = vector.broadcast %broadcast_in_dim3A_663 : vector<512x1xf32> to vector<512x64xf32>
    %eq3A_668 = arith.cmpf oeq, %dot_general3A_660, %eq3A_667 : vector<512x64xf32>
    %jit3A_669 = arith.constant 128 : i32
    %broadcast_in_dim3A_670 = vector.broadcast %jit3A_669 : i32 to vector<512x64xi32>
    %select_n3A_671 = arith.select %eq3A_668, %iota3A, %broadcast_in_dim3A_670 : vector<512x64xi1>, vector<512x64xi32>
    %reduce_min3A_672 = arith.constant dense<2147483647> : vector<512xi32>
    %reduce_min3A_673 = vector.multi_reduction <minsi>, %select_n3A_671, %reduce_min3A_672 [1] : vector<512x64xi32> to vector<512xi32>
    %broadcast_in_dim3A_674 = vector.shape_cast %reduce_min3A_673 : vector<512xi32> to vector<512x1xi32>
    %eq3A_675 = vector.broadcast %broadcast_in_dim3A_666 : vector<512x1xf32> to vector<512x64xf32>
    %eq3A_676 = arith.cmpf oeq, %dot_general3A_660, %eq3A_675 : vector<512x64xf32>
    %jit3A_677 = arith.constant 128 : i32
    %broadcast_in_dim3A_678 = vector.broadcast %jit3A_677 : i32 to vector<512x64xi32>
    %select_n3A_679 = arith.select %eq3A_676, %iota3A, %broadcast_in_dim3A_678 : vector<512x64xi1>, vector<512x64xi32>
    %reduce_min3A_680 = arith.constant dense<2147483647> : vector<512xi32>
    %reduce_min3A_681 = vector.multi_reduction <minsi>, %select_n3A_679, %reduce_min3A_680 [1] : vector<512x64xi32> to vector<512xi32>
    %broadcast_in_dim3A_682 = vector.shape_cast %reduce_min3A_681 : vector<512xi32> to vector<512x1xi32>
    %neg3A_683 = arith.constant 0.000000e+00 : f32
    %neg3A_684 = vector.broadcast %neg3A_683 : f32 to vector<512x1xf32>
    %neg3A_685 = arith.subf %neg3A_684, %broadcast_in_dim3A_666 : vector<512x1xf32>
    %ge3A_686 = arith.cmpf oge, %broadcast_in_dim3A_663, %neg3A_685 : vector<512x1xf32>
    %add3A_687 = arith.constant 64 : i32
    %add3A_688 = vector.broadcast %add3A_687 : i32 to vector<512x1xi32>
    %add3A_689 = arith.addi %add3A_688, %broadcast_in_dim3A_682 : vector<512x1xi32>
    %select_n3A_690 = arith.select %ge3A_686, %broadcast_in_dim3A_674, %add3A_689 : vector<512x1xi1>, vector<512x1xi32>
    %concatenate3A_691 = tpu.concatenate %select_n3A_75, %select_n3A_116, %select_n3A_157, %select_n3A_198, %select_n3A_239, %select_n3A_280, %select_n3A_321, %select_n3A_362, %select_n3A_403, %select_n3A_444, %select_n3A_485, %select_n3A_526, %select_n3A_567, %select_n3A_608, %select_n3A_649, %select_n3A_690 in 1 : vector<512x1xi32>, vector<512x1xi32>, vector<512x1xi32>, vector<512x1xi32>, vector<512x1xi32>, vector<512x1xi32>, vector<512x1xi32>, vector<512x1xi32>, vector<512x1xi32>, vector<512x1xi32>, vector<512x1xi32>, vector<512x1xi32>, vector<512x1xi32>, vector<512x1xi32>, vector<512x1xi32>, vector<512x1xi32> -> vector<512x16xi32>
    %swap3A_692 = arith.constant 0 : index
    %swap3A_693 = arith.constant 0 : index
    %swap3A_694 = arith.constant 0 : index
    %swap3A_695 = vector.load %arg9[%swap3A_692, %swap3A_693, %swap3A_694] : memref<1x512x16xi32, #tpu.memory_space<vmem>>, vector<1x512x16xi32>
    %swap3A_696 = vector.shape_cast %swap3A_695 : vector<1x512x16xi32> to vector<512x16xi32>
    %swap3A_697 = vector.shape_cast %concatenate3A_691 : vector<512x16xi32> to vector<1x512x16xi32>
    tpu.vector_store %arg9[%swap3A_692, %swap3A_693, %swap3A_694], %swap3A_697 {strides = array<i32>} : memref<1x512x16xi32, #tpu.memory_space<vmem>>, vector<1x512x16xi32>,
    return
  }
  func.func @transform_0(%arg0: i32, %arg1: i32) -> (i32, i32, i32) {
    %c0_i32 = arith.constant 0 : i32
    %c0_i32_0 = arith.constant 0 : i32
    return %arg0, %arg1, %c0_i32 : i32, i32, i32
  }
  func.func @transform_1(%arg0: i32, %arg1: i32) -> (i32, i32) {
    %c0_i32 = arith.constant 0 : i32
    %c0_i32_0 = arith.constant 0 : i32
    %c0_i32_1 = arith.constant 0 : i32
    return %c0_i32, %c0_i32_0 : i32, i32
  }
  func.func @transform_2(%arg0: i32, %arg1: i32) -> (i32, i32) {
    %c0_i32 = arith.constant 0 : i32
    %c0_i32_0 = arith.constant 0 : i32
    %c0_i32_1 = arith.constant 0 : i32
    return %c0_i32, %c0_i32_0 : i32, i32
  }
  func.func @transform_3(%arg0: i32, %arg1: i32) -> (i32, i32) {
    %c0_i32 = arith.constant 0 : i32
    %c0_i32_0 = arith.constant 0 : i32
    %c0_i32_1 = arith.constant 0 : i32
    return %c0_i32, %c0_i32_0 : i32, i32
  }
  func.func @transform_4(%arg0: i32, %arg1: i32) -> (i32, i32) {
    %c0_i32 = arith.constant 0 : i32
    %c0_i32_0 = arith.constant 0 : i32
    %c0_i32_1 = arith.constant 0 : i32
    return %c0_i32, %c0_i32_0 : i32, i32
  }
  func.func @transform_5(%arg0: i32, %arg1: i32) -> (i32, i32) {
    %c0_i32 = arith.constant 0 : i32
    %c0_i32_0 = arith.constant 0 : i32
    %c0_i32_1 = arith.constant 0 : i32
    return %c0_i32, %c0_i32_0 : i32, i32
  }
  func.func @transform_6(%arg0: i32, %arg1: i32) -> (i32, i32, i32) {
    %c0_i32 = arith.constant 0 : i32
    %c0_i32_0 = arith.constant 0 : i32
    return %arg0, %arg1, %c0_i32 : i32, i32, i32
  }
  func.func @transform_7(%arg0: i32, %arg1: i32) -> (i32, i32, i32) {
    %c0_i32 = arith.constant 0 : i32
    %c0_i32_0 = arith.constant 0 : i32
    return %arg0, %arg1, %c0_i32 : i32, i32, i32
  }
}

module attributes {stable_mosaic.version = 14 : i64} {
  func.func @_d_body(%arg0: i32, %arg1: i32, %arg2: memref<1x1024x128xf32, #tpu.memory_space<vmem>>, %arg3: memref<1x64x128xf32, #tpu.memory_space<vmem>>, %arg4: memref<1x1024x128xf32, #tpu.memory_space<vmem>>) attributes {dimension_semantics = [#tpu.dimension_semantics<arbitrary>, #tpu.dimension_semantics<arbitrary>], iteration_bounds = array<i64: 32, 8>, scalar_prefetch = 0 : i64, scratch_operands = 0 : i64, tpu.core_type = #tpu.core_type<tc>, window_params = [{transform_indices = @transform_0, window_bounds = array<i64: 1, 1024, 128>}, {transform_indices = @transform_1, window_bounds = array<i64: 1, 64, 128>}, {transform_indices = @transform_2, window_bounds = array<i64: 1, 1024, 128>}]} {
    %get3A = arith.constant 0 : index
    %get3A_0 = arith.constant 0 : index
    %get3A_1 = arith.constant 0 : index
    %get3A_2 = vector.load %arg2[%get3A, %get3A_0, %get3A_1] : memref<1x1024x128xf32, #tpu.memory_space<vmem>>, vector<1x1024x128xf32>
    %get3A_3 = vector.shape_cast %get3A_2 : vector<1x1024x128xf32> to vector<1024x128xf32>
    %slice3A = vector.extract_strided_slice %get3A_3 {offsets = [0, 0], sizes = [1024, 64], strides = [1, 1]} : vector<1024x128xf32> to vector<1024x64xf32>
    %get3A_4 = arith.constant 0 : index
    %get3A_5 = arith.constant 0 : index
    %get3A_6 = arith.constant 0 : index
    %get3A_7 = vector.load %arg3[%get3A_4, %get3A_5, %get3A_6] : memref<1x64x128xf32, #tpu.memory_space<vmem>>, vector<1x64x128xf32>
    %get3A_8 = vector.shape_cast %get3A_7 : vector<1x64x128xf32> to vector<64x128xf32>
    %slice3A_9 = vector.extract_strided_slice %get3A_8 {offsets = [0, 0], sizes = [64, 64], strides = [1, 1]} : vector<64x128xf32> to vector<64x64xf32>
    %concatenate3A = tpu.concatenate %slice3A_9, %slice3A in 0 : vector<64x64xf32>, vector<1024x64xf32> -> vector<1088x64xf32>
    %mul3A = arith.mulf %concatenate3A, %concatenate3A : vector<1088x64xf32>
    %reduce_sum3A = arith.constant dense<0.000000e+00> : vector<1088xf32>
    %reduce_sum3A_10 = vector.multi_reduction <add>, %mul3A, %reduce_sum3A [1] : vector<1088x64xf32> to vector<1088xf32>
    %broadcast_in_dim3A = vector.shape_cast %reduce_sum3A_10 : vector<1088xf32> to vector<1088x1xf32>
    %sqrt3A = math.sqrt %broadcast_in_dim3A : vector<1088x1xf32>
    %add3A = arith.constant 9.99999997E-7 : f32
    %add3A_11 = vector.broadcast %add3A : f32 to vector<1088x1xf32>
    %add3A_12 = arith.addf %sqrt3A, %add3A_11 : vector<1088x1xf32>
    %div3A = vector.broadcast %add3A_12 : vector<1088x1xf32> to vector<1088x64xf32>
    %div3A_13 = arith.divf %concatenate3A, %div3A : vector<1088x64xf32>
    %get3A_14 = arith.constant 0 : index
    %get3A_15 = arith.constant 0 : index
    %get3A_16 = arith.constant 0 : index
    %get3A_17 = vector.load %arg3[%get3A_14, %get3A_15, %get3A_16] : memref<1x64x128xf32, #tpu.memory_space<vmem>>, vector<1x64x128xf32>
    %get3A_18 = vector.shape_cast %get3A_17 : vector<1x64x128xf32> to vector<64x128xf32>
    %slice3A_19 = vector.extract_strided_slice %get3A_18 {offsets = [0, 64], sizes = [64, 64], strides = [1, 1]} : vector<64x128xf32> to vector<64x64xf32>
    %slice3A_20 = vector.extract_strided_slice %get3A_3 {offsets = [0, 64], sizes = [1024, 64], strides = [1, 1]} : vector<1024x128xf32> to vector<1024x64xf32>
    %concatenate3A_21 = tpu.concatenate %slice3A_19, %slice3A_20 in 0 : vector<64x64xf32>, vector<1024x64xf32> -> vector<1088x64xf32>
    %slice3A_22 = vector.extract_strided_slice %slice3A {offsets = [0, 0], sizes = [64, 64], strides = [1, 1]} : vector<1024x64xf32> to vector<64x64xf32>
    %slice3A_23 = vector.extract_strided_slice %div3A_13 {offsets = [0, 0], sizes = [128, 64], strides = [1, 1]} : vector<1088x64xf32> to vector<128x64xf32>
    %dot_general3A = arith.constant dense<0.000000e+00> : vector<64x128xf32>
    %dot_general3A_24 = tpu.matmul %slice3A_22, %slice3A_23, %dot_general3A {dimension_numbers = #tpu.dot_dimension_numbers<[1], [1], [0], [0], [0, 0, 1, 0], [], []>, transpose_lhs_hint = false} : vector<64x64xf32>, vector<128x64xf32>, vector<64x128xf32> -> vector<64x128xf32>
    %slice3A_25 = vector.extract_strided_slice %slice3A {offsets = [64, 0], sizes = [64, 64], strides = [1, 1]} : vector<1024x64xf32> to vector<64x64xf32>
    %slice3A_26 = vector.extract_strided_slice %div3A_13 {offsets = [64, 0], sizes = [128, 64], strides = [1, 1]} : vector<1088x64xf32> to vector<128x64xf32>
    %dot_general3A_27 = arith.constant dense<0.000000e+00> : vector<64x128xf32>
    %dot_general3A_28 = tpu.matmul %slice3A_25, %slice3A_26, %dot_general3A_27 {dimension_numbers = #tpu.dot_dimension_numbers<[1], [1], [0], [0], [0, 0, 1, 0], [], []>, transpose_lhs_hint = false} : vector<64x64xf32>, vector<128x64xf32>, vector<64x128xf32> -> vector<64x128xf32>
    %slice3A_29 = vector.extract_strided_slice %slice3A {offsets = [128, 0], sizes = [64, 64], strides = [1, 1]} : vector<1024x64xf32> to vector<64x64xf32>
    %slice3A_30 = vector.extract_strided_slice %div3A_13 {offsets = [128, 0], sizes = [128, 64], strides = [1, 1]} : vector<1088x64xf32> to vector<128x64xf32>
    %dot_general3A_31 = arith.constant dense<0.000000e+00> : vector<64x128xf32>
    %dot_general3A_32 = tpu.matmul %slice3A_29, %slice3A_30, %dot_general3A_31 {dimension_numbers = #tpu.dot_dimension_numbers<[1], [1], [0], [0], [0, 0, 1, 0], [], []>, transpose_lhs_hint = false} : vector<64x64xf32>, vector<128x64xf32>, vector<64x128xf32> -> vector<64x128xf32>
    %slice3A_33 = vector.extract_strided_slice %slice3A {offsets = [192, 0], sizes = [64, 64], strides = [1, 1]} : vector<1024x64xf32> to vector<64x64xf32>
    %slice3A_34 = vector.extract_strided_slice %div3A_13 {offsets = [192, 0], sizes = [128, 64], strides = [1, 1]} : vector<1088x64xf32> to vector<128x64xf32>
    %dot_general3A_35 = arith.constant dense<0.000000e+00> : vector<64x128xf32>
    %dot_general3A_36 = tpu.matmul %slice3A_33, %slice3A_34, %dot_general3A_35 {dimension_numbers = #tpu.dot_dimension_numbers<[1], [1], [0], [0], [0, 0, 1, 0], [], []>, transpose_lhs_hint = false} : vector<64x64xf32>, vector<128x64xf32>, vector<64x128xf32> -> vector<64x128xf32>
    %slice3A_37 = vector.extract_strided_slice %slice3A {offsets = [256, 0], sizes = [64, 64], strides = [1, 1]} : vector<1024x64xf32> to vector<64x64xf32>
    %slice3A_38 = vector.extract_strided_slice %div3A_13 {offsets = [256, 0], sizes = [128, 64], strides = [1, 1]} : vector<1088x64xf32> to vector<128x64xf32>
    %dot_general3A_39 = arith.constant dense<0.000000e+00> : vector<64x128xf32>
    %dot_general3A_40 = tpu.matmul %slice3A_37, %slice3A_38, %dot_general3A_39 {dimension_numbers = #tpu.dot_dimension_numbers<[1], [1], [0], [0], [0, 0, 1, 0], [], []>, transpose_lhs_hint = false} : vector<64x64xf32>, vector<128x64xf32>, vector<64x128xf32> -> vector<64x128xf32>
    %slice3A_41 = vector.extract_strided_slice %slice3A {offsets = [320, 0], sizes = [64, 64], strides = [1, 1]} : vector<1024x64xf32> to vector<64x64xf32>
    %slice3A_42 = vector.extract_strided_slice %div3A_13 {offsets = [320, 0], sizes = [128, 64], strides = [1, 1]} : vector<1088x64xf32> to vector<128x64xf32>
    %dot_general3A_43 = arith.constant dense<0.000000e+00> : vector<64x128xf32>
    %dot_general3A_44 = tpu.matmul %slice3A_41, %slice3A_42, %dot_general3A_43 {dimension_numbers = #tpu.dot_dimension_numbers<[1], [1], [0], [0], [0, 0, 1, 0], [], []>, transpose_lhs_hint = false} : vector<64x64xf32>, vector<128x64xf32>, vector<64x128xf32> -> vector<64x128xf32>
    %slice3A_45 = vector.extract_strided_slice %slice3A {offsets = [384, 0], sizes = [64, 64], strides = [1, 1]} : vector<1024x64xf32> to vector<64x64xf32>
    %slice3A_46 = vector.extract_strided_slice %div3A_13 {offsets = [384, 0], sizes = [128, 64], strides = [1, 1]} : vector<1088x64xf32> to vector<128x64xf32>
    %dot_general3A_47 = arith.constant dense<0.000000e+00> : vector<64x128xf32>
    %dot_general3A_48 = tpu.matmul %slice3A_45, %slice3A_46, %dot_general3A_47 {dimension_numbers = #tpu.dot_dimension_numbers<[1], [1], [0], [0], [0, 0, 1, 0], [], []>, transpose_lhs_hint = false} : vector<64x64xf32>, vector<128x64xf32>, vector<64x128xf32> -> vector<64x128xf32>
    %slice3A_49 = vector.extract_strided_slice %slice3A {offsets = [448, 0], sizes = [64, 64], strides = [1, 1]} : vector<1024x64xf32> to vector<64x64xf32>
    %slice3A_50 = vector.extract_strided_slice %div3A_13 {offsets = [448, 0], sizes = [128, 64], strides = [1, 1]} : vector<1088x64xf32> to vector<128x64xf32>
    %dot_general3A_51 = arith.constant dense<0.000000e+00> : vector<64x128xf32>
    %dot_general3A_52 = tpu.matmul %slice3A_49, %slice3A_50, %dot_general3A_51 {dimension_numbers = #tpu.dot_dimension_numbers<[1], [1], [0], [0], [0, 0, 1, 0], [], []>, transpose_lhs_hint = false} : vector<64x64xf32>, vector<128x64xf32>, vector<64x128xf32> -> vector<64x128xf32>
    %slice3A_53 = vector.extract_strided_slice %slice3A {offsets = [512, 0], sizes = [64, 64], strides = [1, 1]} : vector<1024x64xf32> to vector<64x64xf32>
    %slice3A_54 = vector.extract_strided_slice %div3A_13 {offsets = [512, 0], sizes = [128, 64], strides = [1, 1]} : vector<1088x64xf32> to vector<128x64xf32>
    %dot_general3A_55 = arith.constant dense<0.000000e+00> : vector<64x128xf32>
    %dot_general3A_56 = tpu.matmul %slice3A_53, %slice3A_54, %dot_general3A_55 {dimension_numbers = #tpu.dot_dimension_numbers<[1], [1], [0], [0], [0, 0, 1, 0], [], []>, transpose_lhs_hint = false} : vector<64x64xf32>, vector<128x64xf32>, vector<64x128xf32> -> vector<64x128xf32>
    %slice3A_57 = vector.extract_strided_slice %slice3A {offsets = [576, 0], sizes = [64, 64], strides = [1, 1]} : vector<1024x64xf32> to vector<64x64xf32>
    %slice3A_58 = vector.extract_strided_slice %div3A_13 {offsets = [576, 0], sizes = [128, 64], strides = [1, 1]} : vector<1088x64xf32> to vector<128x64xf32>
    %dot_general3A_59 = arith.constant dense<0.000000e+00> : vector<64x128xf32>
    %dot_general3A_60 = tpu.matmul %slice3A_57, %slice3A_58, %dot_general3A_59 {dimension_numbers = #tpu.dot_dimension_numbers<[1], [1], [0], [0], [0, 0, 1, 0], [], []>, transpose_lhs_hint = false} : vector<64x64xf32>, vector<128x64xf32>, vector<64x128xf32> -> vector<64x128xf32>
    %slice3A_61 = vector.extract_strided_slice %slice3A {offsets = [640, 0], sizes = [64, 64], strides = [1, 1]} : vector<1024x64xf32> to vector<64x64xf32>
    %slice3A_62 = vector.extract_strided_slice %div3A_13 {offsets = [640, 0], sizes = [128, 64], strides = [1, 1]} : vector<1088x64xf32> to vector<128x64xf32>
    %dot_general3A_63 = arith.constant dense<0.000000e+00> : vector<64x128xf32>
    %dot_general3A_64 = tpu.matmul %slice3A_61, %slice3A_62, %dot_general3A_63 {dimension_numbers = #tpu.dot_dimension_numbers<[1], [1], [0], [0], [0, 0, 1, 0], [], []>, transpose_lhs_hint = false} : vector<64x64xf32>, vector<128x64xf32>, vector<64x128xf32> -> vector<64x128xf32>
    %slice3A_65 = vector.extract_strided_slice %slice3A {offsets = [704, 0], sizes = [64, 64], strides = [1, 1]} : vector<1024x64xf32> to vector<64x64xf32>
    %slice3A_66 = vector.extract_strided_slice %div3A_13 {offsets = [704, 0], sizes = [128, 64], strides = [1, 1]} : vector<1088x64xf32> to vector<128x64xf32>
    %dot_general3A_67 = arith.constant dense<0.000000e+00> : vector<64x128xf32>
    %dot_general3A_68 = tpu.matmul %slice3A_65, %slice3A_66, %dot_general3A_67 {dimension_numbers = #tpu.dot_dimension_numbers<[1], [1], [0], [0], [0, 0, 1, 0], [], []>, transpose_lhs_hint = false} : vector<64x64xf32>, vector<128x64xf32>, vector<64x128xf32> -> vector<64x128xf32>
    %slice3A_69 = vector.extract_strided_slice %slice3A {offsets = [768, 0], sizes = [64, 64], strides = [1, 1]} : vector<1024x64xf32> to vector<64x64xf32>
    %slice3A_70 = vector.extract_strided_slice %div3A_13 {offsets = [768, 0], sizes = [128, 64], strides = [1, 1]} : vector<1088x64xf32> to vector<128x64xf32>
    %dot_general3A_71 = arith.constant dense<0.000000e+00> : vector<64x128xf32>
    %dot_general3A_72 = tpu.matmul %slice3A_69, %slice3A_70, %dot_general3A_71 {dimension_numbers = #tpu.dot_dimension_numbers<[1], [1], [0], [0], [0, 0, 1, 0], [], []>, transpose_lhs_hint = false} : vector<64x64xf32>, vector<128x64xf32>, vector<64x128xf32> -> vector<64x128xf32>
    %slice3A_73 = vector.extract_strided_slice %slice3A {offsets = [832, 0], sizes = [64, 64], strides = [1, 1]} : vector<1024x64xf32> to vector<64x64xf32>
    %slice3A_74 = vector.extract_strided_slice %div3A_13 {offsets = [832, 0], sizes = [128, 64], strides = [1, 1]} : vector<1088x64xf32> to vector<128x64xf32>
    %dot_general3A_75 = arith.constant dense<0.000000e+00> : vector<64x128xf32>
    %dot_general3A_76 = tpu.matmul %slice3A_73, %slice3A_74, %dot_general3A_75 {dimension_numbers = #tpu.dot_dimension_numbers<[1], [1], [0], [0], [0, 0, 1, 0], [], []>, transpose_lhs_hint = false} : vector<64x64xf32>, vector<128x64xf32>, vector<64x128xf32> -> vector<64x128xf32>
    %slice3A_77 = vector.extract_strided_slice %slice3A {offsets = [896, 0], sizes = [64, 64], strides = [1, 1]} : vector<1024x64xf32> to vector<64x64xf32>
    %slice3A_78 = vector.extract_strided_slice %div3A_13 {offsets = [896, 0], sizes = [128, 64], strides = [1, 1]} : vector<1088x64xf32> to vector<128x64xf32>
    %dot_general3A_79 = arith.constant dense<0.000000e+00> : vector<64x128xf32>
    %dot_general3A_80 = tpu.matmul %slice3A_77, %slice3A_78, %dot_general3A_79 {dimension_numbers = #tpu.dot_dimension_numbers<[1], [1], [0], [0], [0, 0, 1, 0], [], []>, transpose_lhs_hint = false} : vector<64x64xf32>, vector<128x64xf32>, vector<64x128xf32> -> vector<64x128xf32>
    %slice3A_81 = vector.extract_strided_slice %slice3A {offsets = [960, 0], sizes = [64, 64], strides = [1, 1]} : vector<1024x64xf32> to vector<64x64xf32>
    %slice3A_82 = vector.extract_strided_slice %div3A_13 {offsets = [960, 0], sizes = [128, 64], strides = [1, 1]} : vector<1088x64xf32> to vector<128x64xf32>
    %dot_general3A_83 = arith.constant dense<0.000000e+00> : vector<64x128xf32>
    %dot_general3A_84 = tpu.matmul %slice3A_81, %slice3A_82, %dot_general3A_83 {dimension_numbers = #tpu.dot_dimension_numbers<[1], [1], [0], [0], [0, 0, 1, 0], [], []>, transpose_lhs_hint = false} : vector<64x64xf32>, vector<128x64xf32>, vector<64x128xf32> -> vector<64x128xf32>
    %concatenate3A_85 = tpu.concatenate %dot_general3A_24, %dot_general3A_28, %dot_general3A_32, %dot_general3A_36, %dot_general3A_40, %dot_general3A_44, %dot_general3A_48, %dot_general3A_52, %dot_general3A_56, %dot_general3A_60, %dot_general3A_64, %dot_general3A_68, %dot_general3A_72, %dot_general3A_76, %dot_general3A_80, %dot_general3A_84 in 0 : vector<64x128xf32>, vector<64x128xf32>, vector<64x128xf32>, vector<64x128xf32>, vector<64x128xf32>, vector<64x128xf32>, vector<64x128xf32>, vector<64x128xf32>, vector<64x128xf32>, vector<64x128xf32>, vector<64x128xf32>, vector<64x128xf32>, vector<64x128xf32>, vector<64x128xf32>, vector<64x128xf32>, vector<64x128xf32> -> vector<1024x128xf32>
    %mul3A_86 = arith.constant 1.250000e-01 : f32
    %mul3A_87 = vector.broadcast %mul3A_86 : f32 to vector<1024x128xf32>
    %mul3A_88 = arith.mulf %concatenate3A_85, %mul3A_87 : vector<1024x128xf32>
    %iota3A = tpu.iota {dimensions = array<i32: 1>} : vector<1024x128xi32>
    %iota3A_89 = tpu.iota {dimensions = array<i32: 0>} : vector<1024x128xi32>
    %and3A = arith.constant 63 : i32
    %and3A_90 = vector.broadcast %and3A : i32 to vector<1024x128xi32>
    %and3A_91 = arith.andi %iota3A_89, %and3A_90 : vector<1024x128xi32>
    %sub3A = arith.subi %iota3A, %and3A_91 : vector<1024x128xi32>
    %eq3A = arith.constant 64 : i32
    %eq3A_92 = vector.broadcast %eq3A : i32 to vector<1024x128xi32>
    %eq3A_93 = arith.cmpi eq, %sub3A, %eq3A_92 : vector<1024x128xi32>
    %jit3A = arith.constant -1.000000e+05 : f32
    %broadcast_in_dim3A_94 = vector.broadcast %jit3A : f32 to vector<1024x128xf32>
    %select_n3A = arith.select %eq3A_93, %broadcast_in_dim3A_94, %mul3A_88 : vector<1024x128xi1>, vector<1024x128xf32>
    %reduce_max3A = arith.constant dense<0xFF800000> : vector<1024xf32>
    %reduce_max3A_95 = vector.multi_reduction <maximumf>, %select_n3A, %reduce_max3A [1] : vector<1024x128xf32> to vector<1024xf32>
    %broadcast_in_dim3A_96 = vector.shape_cast %reduce_max3A_95 : vector<1024xf32> to vector<1024x1xf32>
    %sub3A_97 = vector.broadcast %broadcast_in_dim3A_96 : vector<1024x1xf32> to vector<1024x128xf32>
    %sub3A_98 = arith.subf %select_n3A, %sub3A_97 : vector<1024x128xf32>
    %exp3A = math.exp %sub3A_98 : vector<1024x128xf32>
    %reduce_sum3A_99 = arith.constant dense<0.000000e+00> : vector<1024xf32>
    %reduce_sum3A_100 = vector.multi_reduction <add>, %exp3A, %reduce_sum3A_99 [1] : vector<1024x128xf32> to vector<1024xf32>
    %broadcast_in_dim3A_101 = vector.shape_cast %reduce_sum3A_100 : vector<1024xf32> to vector<1024x1xf32>
    %div3A_102 = vector.broadcast %broadcast_in_dim3A_101 : vector<1024x1xf32> to vector<1024x128xf32>
    %div3A_103 = arith.divf %exp3A, %div3A_102 : vector<1024x128xf32>
    %broadcast_in_dim3A_104 = arith.constant 0.000000e+00 : f32
    %broadcast_in_dim3A_105 = vector.broadcast %broadcast_in_dim3A_104 : f32 to vector<64x64xf32>
    %slice3A_106 = vector.extract_strided_slice %div3A_103 {offsets = [0, 0], sizes = [64, 128], strides = [1, 1]} : vector<1024x128xf32> to vector<64x128xf32>
    %slice3A_107 = vector.extract_strided_slice %concatenate3A_21 {offsets = [0, 0], sizes = [128, 64], strides = [1, 1]} : vector<1088x64xf32> to vector<128x64xf32>
    %dot_general3A_108 = arith.constant dense<0.000000e+00> : vector<64x64xf32>
    %dot_general3A_109 = tpu.matmul %slice3A_106, %slice3A_107, %dot_general3A_108 {dimension_numbers = #tpu.dot_dimension_numbers<[1], [0], [0], [1], [0, 0, 1, 1], [], []>, transpose_lhs_hint = false} : vector<64x128xf32>, vector<128x64xf32>, vector<64x64xf32> -> vector<64x64xf32>
    %concatenate3A_110 = tpu.concatenate %dot_general3A_109, %broadcast_in_dim3A_105 in 1 : vector<64x64xf32>, vector<64x64xf32> -> vector<64x128xf32>
    %swap3A = arith.constant 0 : index
    %swap3A_111 = arith.constant 0 : index
    %swap3A_112 = arith.constant 0 : index
    %swap3A_113 = vector.load %arg4[%swap3A, %swap3A_111, %swap3A_112] : memref<1x1024x128xf32, #tpu.memory_space<vmem>>, vector<1x64x128xf32>
    %swap3A_114 = vector.shape_cast %swap3A_113 : vector<1x64x128xf32> to vector<64x128xf32>
    %swap3A_115 = vector.shape_cast %concatenate3A_110 : vector<64x128xf32> to vector<1x64x128xf32>
    tpu.vector_store %arg4[%swap3A, %swap3A_111, %swap3A_112], %swap3A_115 {strides = array<i32>} : memref<1x1024x128xf32, #tpu.memory_space<vmem>>, vector<1x64x128xf32>,
    %slice3A_116 = vector.extract_strided_slice %div3A_103 {offsets = [64, 0], sizes = [64, 128], strides = [1, 1]} : vector<1024x128xf32> to vector<64x128xf32>
    %slice3A_117 = vector.extract_strided_slice %concatenate3A_21 {offsets = [64, 0], sizes = [128, 64], strides = [1, 1]} : vector<1088x64xf32> to vector<128x64xf32>
    %dot_general3A_118 = arith.constant dense<0.000000e+00> : vector<64x64xf32>
    %dot_general3A_119 = tpu.matmul %slice3A_116, %slice3A_117, %dot_general3A_118 {dimension_numbers = #tpu.dot_dimension_numbers<[1], [0], [0], [1], [0, 0, 1, 1], [], []>, transpose_lhs_hint = false} : vector<64x128xf32>, vector<128x64xf32>, vector<64x64xf32> -> vector<64x64xf32>
    %concatenate3A_120 = tpu.concatenate %dot_general3A_119, %broadcast_in_dim3A_105 in 1 : vector<64x64xf32>, vector<64x64xf32> -> vector<64x128xf32>
    %swap3A_121 = arith.constant 0 : index
    %swap3A_122 = arith.constant 64 : index
    %swap3A_123 = arith.constant 0 : index
    %swap3A_124 = vector.load %arg4[%swap3A_121, %swap3A_122, %swap3A_123] : memref<1x1024x128xf32, #tpu.memory_space<vmem>>, vector<1x64x128xf32>
    %swap3A_125 = vector.shape_cast %swap3A_124 : vector<1x64x128xf32> to vector<64x128xf32>
    %swap3A_126 = vector.shape_cast %concatenate3A_120 : vector<64x128xf32> to vector<1x64x128xf32>
    tpu.vector_store %arg4[%swap3A_121, %swap3A_122, %swap3A_123], %swap3A_126 {strides = array<i32>} : memref<1x1024x128xf32, #tpu.memory_space<vmem>>, vector<1x64x128xf32>,
    %slice3A_127 = vector.extract_strided_slice %div3A_103 {offsets = [128, 0], sizes = [64, 128], strides = [1, 1]} : vector<1024x128xf32> to vector<64x128xf32>
    %slice3A_128 = vector.extract_strided_slice %concatenate3A_21 {offsets = [128, 0], sizes = [128, 64], strides = [1, 1]} : vector<1088x64xf32> to vector<128x64xf32>
    %dot_general3A_129 = arith.constant dense<0.000000e+00> : vector<64x64xf32>
    %dot_general3A_130 = tpu.matmul %slice3A_127, %slice3A_128, %dot_general3A_129 {dimension_numbers = #tpu.dot_dimension_numbers<[1], [0], [0], [1], [0, 0, 1, 1], [], []>, transpose_lhs_hint = false} : vector<64x128xf32>, vector<128x64xf32>, vector<64x64xf32> -> vector<64x64xf32>
    %concatenate3A_131 = tpu.concatenate %dot_general3A_130, %broadcast_in_dim3A_105 in 1 : vector<64x64xf32>, vector<64x64xf32> -> vector<64x128xf32>
    %swap3A_132 = arith.constant 0 : index
    %swap3A_133 = arith.constant 128 : index
    %swap3A_134 = arith.constant 0 : index
    %swap3A_135 = vector.load %arg4[%swap3A_132, %swap3A_133, %swap3A_134] : memref<1x1024x128xf32, #tpu.memory_space<vmem>>, vector<1x64x128xf32>
    %swap3A_136 = vector.shape_cast %swap3A_135 : vector<1x64x128xf32> to vector<64x128xf32>
    %swap3A_137 = vector.shape_cast %concatenate3A_131 : vector<64x128xf32> to vector<1x64x128xf32>
    tpu.vector_store %arg4[%swap3A_132, %swap3A_133, %swap3A_134], %swap3A_137 {strides = array<i32>} : memref<1x1024x128xf32, #tpu.memory_space<vmem>>, vector<1x64x128xf32>,
    %slice3A_138 = vector.extract_strided_slice %div3A_103 {offsets = [192, 0], sizes = [64, 128], strides = [1, 1]} : vector<1024x128xf32> to vector<64x128xf32>
    %slice3A_139 = vector.extract_strided_slice %concatenate3A_21 {offsets = [192, 0], sizes = [128, 64], strides = [1, 1]} : vector<1088x64xf32> to vector<128x64xf32>
    %dot_general3A_140 = arith.constant dense<0.000000e+00> : vector<64x64xf32>
    %dot_general3A_141 = tpu.matmul %slice3A_138, %slice3A_139, %dot_general3A_140 {dimension_numbers = #tpu.dot_dimension_numbers<[1], [0], [0], [1], [0, 0, 1, 1], [], []>, transpose_lhs_hint = false} : vector<64x128xf32>, vector<128x64xf32>, vector<64x64xf32> -> vector<64x64xf32>
    %concatenate3A_142 = tpu.concatenate %dot_general3A_141, %broadcast_in_dim3A_105 in 1 : vector<64x64xf32>, vector<64x64xf32> -> vector<64x128xf32>
    %swap3A_143 = arith.constant 0 : index
    %swap3A_144 = arith.constant 192 : index
    %swap3A_145 = arith.constant 0 : index
    %swap3A_146 = vector.load %arg4[%swap3A_143, %swap3A_144, %swap3A_145] : memref<1x1024x128xf32, #tpu.memory_space<vmem>>, vector<1x64x128xf32>
    %swap3A_147 = vector.shape_cast %swap3A_146 : vector<1x64x128xf32> to vector<64x128xf32>
    %swap3A_148 = vector.shape_cast %concatenate3A_142 : vector<64x128xf32> to vector<1x64x128xf32>
    tpu.vector_store %arg4[%swap3A_143, %swap3A_144, %swap3A_145], %swap3A_148 {strides = array<i32>} : memref<1x1024x128xf32, #tpu.memory_space<vmem>>, vector<1x64x128xf32>,
    %slice3A_149 = vector.extract_strided_slice %div3A_103 {offsets = [256, 0], sizes = [64, 128], strides = [1, 1]} : vector<1024x128xf32> to vector<64x128xf32>
    %slice3A_150 = vector.extract_strided_slice %concatenate3A_21 {offsets = [256, 0], sizes = [128, 64], strides = [1, 1]} : vector<1088x64xf32> to vector<128x64xf32>
    %dot_general3A_151 = arith.constant dense<0.000000e+00> : vector<64x64xf32>
    %dot_general3A_152 = tpu.matmul %slice3A_149, %slice3A_150, %dot_general3A_151 {dimension_numbers = #tpu.dot_dimension_numbers<[1], [0], [0], [1], [0, 0, 1, 1], [], []>, transpose_lhs_hint = false} : vector<64x128xf32>, vector<128x64xf32>, vector<64x64xf32> -> vector<64x64xf32>
    %concatenate3A_153 = tpu.concatenate %dot_general3A_152, %broadcast_in_dim3A_105 in 1 : vector<64x64xf32>, vector<64x64xf32> -> vector<64x128xf32>
    %swap3A_154 = arith.constant 0 : index
    %swap3A_155 = arith.constant 256 : index
    %swap3A_156 = arith.constant 0 : index
    %swap3A_157 = vector.load %arg4[%swap3A_154, %swap3A_155, %swap3A_156] : memref<1x1024x128xf32, #tpu.memory_space<vmem>>, vector<1x64x128xf32>
    %swap3A_158 = vector.shape_cast %swap3A_157 : vector<1x64x128xf32> to vector<64x128xf32>
    %swap3A_159 = vector.shape_cast %concatenate3A_153 : vector<64x128xf32> to vector<1x64x128xf32>
    tpu.vector_store %arg4[%swap3A_154, %swap3A_155, %swap3A_156], %swap3A_159 {strides = array<i32>} : memref<1x1024x128xf32, #tpu.memory_space<vmem>>, vector<1x64x128xf32>,
    %slice3A_160 = vector.extract_strided_slice %div3A_103 {offsets = [320, 0], sizes = [64, 128], strides = [1, 1]} : vector<1024x128xf32> to vector<64x128xf32>
    %slice3A_161 = vector.extract_strided_slice %concatenate3A_21 {offsets = [320, 0], sizes = [128, 64], strides = [1, 1]} : vector<1088x64xf32> to vector<128x64xf32>
    %dot_general3A_162 = arith.constant dense<0.000000e+00> : vector<64x64xf32>
    %dot_general3A_163 = tpu.matmul %slice3A_160, %slice3A_161, %dot_general3A_162 {dimension_numbers = #tpu.dot_dimension_numbers<[1], [0], [0], [1], [0, 0, 1, 1], [], []>, transpose_lhs_hint = false} : vector<64x128xf32>, vector<128x64xf32>, vector<64x64xf32> -> vector<64x64xf32>
    %concatenate3A_164 = tpu.concatenate %dot_general3A_163, %broadcast_in_dim3A_105 in 1 : vector<64x64xf32>, vector<64x64xf32> -> vector<64x128xf32>
    %swap3A_165 = arith.constant 0 : index
    %swap3A_166 = arith.constant 320 : index
    %swap3A_167 = arith.constant 0 : index
    %swap3A_168 = vector.load %arg4[%swap3A_165, %swap3A_166, %swap3A_167] : memref<1x1024x128xf32, #tpu.memory_space<vmem>>, vector<1x64x128xf32>
    %swap3A_169 = vector.shape_cast %swap3A_168 : vector<1x64x128xf32> to vector<64x128xf32>
    %swap3A_170 = vector.shape_cast %concatenate3A_164 : vector<64x128xf32> to vector<1x64x128xf32>
    tpu.vector_store %arg4[%swap3A_165, %swap3A_166, %swap3A_167], %swap3A_170 {strides = array<i32>} : memref<1x1024x128xf32, #tpu.memory_space<vmem>>, vector<1x64x128xf32>,
    %slice3A_171 = vector.extract_strided_slice %div3A_103 {offsets = [384, 0], sizes = [64, 128], strides = [1, 1]} : vector<1024x128xf32> to vector<64x128xf32>
    %slice3A_172 = vector.extract_strided_slice %concatenate3A_21 {offsets = [384, 0], sizes = [128, 64], strides = [1, 1]} : vector<1088x64xf32> to vector<128x64xf32>
    %dot_general3A_173 = arith.constant dense<0.000000e+00> : vector<64x64xf32>
    %dot_general3A_174 = tpu.matmul %slice3A_171, %slice3A_172, %dot_general3A_173 {dimension_numbers = #tpu.dot_dimension_numbers<[1], [0], [0], [1], [0, 0, 1, 1], [], []>, transpose_lhs_hint = false} : vector<64x128xf32>, vector<128x64xf32>, vector<64x64xf32> -> vector<64x64xf32>
    %concatenate3A_175 = tpu.concatenate %dot_general3A_174, %broadcast_in_dim3A_105 in 1 : vector<64x64xf32>, vector<64x64xf32> -> vector<64x128xf32>
    %swap3A_176 = arith.constant 0 : index
    %swap3A_177 = arith.constant 384 : index
    %swap3A_178 = arith.constant 0 : index
    %swap3A_179 = vector.load %arg4[%swap3A_176, %swap3A_177, %swap3A_178] : memref<1x1024x128xf32, #tpu.memory_space<vmem>>, vector<1x64x128xf32>
    %swap3A_180 = vector.shape_cast %swap3A_179 : vector<1x64x128xf32> to vector<64x128xf32>
    %swap3A_181 = vector.shape_cast %concatenate3A_175 : vector<64x128xf32> to vector<1x64x128xf32>
    tpu.vector_store %arg4[%swap3A_176, %swap3A_177, %swap3A_178], %swap3A_181 {strides = array<i32>} : memref<1x1024x128xf32, #tpu.memory_space<vmem>>, vector<1x64x128xf32>,
    %slice3A_182 = vector.extract_strided_slice %div3A_103 {offsets = [448, 0], sizes = [64, 128], strides = [1, 1]} : vector<1024x128xf32> to vector<64x128xf32>
    %slice3A_183 = vector.extract_strided_slice %concatenate3A_21 {offsets = [448, 0], sizes = [128, 64], strides = [1, 1]} : vector<1088x64xf32> to vector<128x64xf32>
    %dot_general3A_184 = arith.constant dense<0.000000e+00> : vector<64x64xf32>
    %dot_general3A_185 = tpu.matmul %slice3A_182, %slice3A_183, %dot_general3A_184 {dimension_numbers = #tpu.dot_dimension_numbers<[1], [0], [0], [1], [0, 0, 1, 1], [], []>, transpose_lhs_hint = false} : vector<64x128xf32>, vector<128x64xf32>, vector<64x64xf32> -> vector<64x64xf32>
    %concatenate3A_186 = tpu.concatenate %dot_general3A_185, %broadcast_in_dim3A_105 in 1 : vector<64x64xf32>, vector<64x64xf32> -> vector<64x128xf32>
    %swap3A_187 = arith.constant 0 : index
    %swap3A_188 = arith.constant 448 : index
    %swap3A_189 = arith.constant 0 : index
    %swap3A_190 = vector.load %arg4[%swap3A_187, %swap3A_188, %swap3A_189] : memref<1x1024x128xf32, #tpu.memory_space<vmem>>, vector<1x64x128xf32>
    %swap3A_191 = vector.shape_cast %swap3A_190 : vector<1x64x128xf32> to vector<64x128xf32>
    %swap3A_192 = vector.shape_cast %concatenate3A_186 : vector<64x128xf32> to vector<1x64x128xf32>
    tpu.vector_store %arg4[%swap3A_187, %swap3A_188, %swap3A_189], %swap3A_192 {strides = array<i32>} : memref<1x1024x128xf32, #tpu.memory_space<vmem>>, vector<1x64x128xf32>,
    %slice3A_193 = vector.extract_strided_slice %div3A_103 {offsets = [512, 0], sizes = [64, 128], strides = [1, 1]} : vector<1024x128xf32> to vector<64x128xf32>
    %slice3A_194 = vector.extract_strided_slice %concatenate3A_21 {offsets = [512, 0], sizes = [128, 64], strides = [1, 1]} : vector<1088x64xf32> to vector<128x64xf32>
    %dot_general3A_195 = arith.constant dense<0.000000e+00> : vector<64x64xf32>
    %dot_general3A_196 = tpu.matmul %slice3A_193, %slice3A_194, %dot_general3A_195 {dimension_numbers = #tpu.dot_dimension_numbers<[1], [0], [0], [1], [0, 0, 1, 1], [], []>, transpose_lhs_hint = false} : vector<64x128xf32>, vector<128x64xf32>, vector<64x64xf32> -> vector<64x64xf32>
    %concatenate3A_197 = tpu.concatenate %dot_general3A_196, %broadcast_in_dim3A_105 in 1 : vector<64x64xf32>, vector<64x64xf32> -> vector<64x128xf32>
    %swap3A_198 = arith.constant 0 : index
    %swap3A_199 = arith.constant 512 : index
    %swap3A_200 = arith.constant 0 : index
    %swap3A_201 = vector.load %arg4[%swap3A_198, %swap3A_199, %swap3A_200] : memref<1x1024x128xf32, #tpu.memory_space<vmem>>, vector<1x64x128xf32>
    %swap3A_202 = vector.shape_cast %swap3A_201 : vector<1x64x128xf32> to vector<64x128xf32>
    %swap3A_203 = vector.shape_cast %concatenate3A_197 : vector<64x128xf32> to vector<1x64x128xf32>
    tpu.vector_store %arg4[%swap3A_198, %swap3A_199, %swap3A_200], %swap3A_203 {strides = array<i32>} : memref<1x1024x128xf32, #tpu.memory_space<vmem>>, vector<1x64x128xf32>,
    %slice3A_204 = vector.extract_strided_slice %div3A_103 {offsets = [576, 0], sizes = [64, 128], strides = [1, 1]} : vector<1024x128xf32> to vector<64x128xf32>
    %slice3A_205 = vector.extract_strided_slice %concatenate3A_21 {offsets = [576, 0], sizes = [128, 64], strides = [1, 1]} : vector<1088x64xf32> to vector<128x64xf32>
    %dot_general3A_206 = arith.constant dense<0.000000e+00> : vector<64x64xf32>
    %dot_general3A_207 = tpu.matmul %slice3A_204, %slice3A_205, %dot_general3A_206 {dimension_numbers = #tpu.dot_dimension_numbers<[1], [0], [0], [1], [0, 0, 1, 1], [], []>, transpose_lhs_hint = false} : vector<64x128xf32>, vector<128x64xf32>, vector<64x64xf32> -> vector<64x64xf32>
    %concatenate3A_208 = tpu.concatenate %dot_general3A_207, %broadcast_in_dim3A_105 in 1 : vector<64x64xf32>, vector<64x64xf32> -> vector<64x128xf32>
    %swap3A_209 = arith.constant 0 : index
    %swap3A_210 = arith.constant 576 : index
    %swap3A_211 = arith.constant 0 : index
    %swap3A_212 = vector.load %arg4[%swap3A_209, %swap3A_210, %swap3A_211] : memref<1x1024x128xf32, #tpu.memory_space<vmem>>, vector<1x64x128xf32>
    %swap3A_213 = vector.shape_cast %swap3A_212 : vector<1x64x128xf32> to vector<64x128xf32>
    %swap3A_214 = vector.shape_cast %concatenate3A_208 : vector<64x128xf32> to vector<1x64x128xf32>
    tpu.vector_store %arg4[%swap3A_209, %swap3A_210, %swap3A_211], %swap3A_214 {strides = array<i32>} : memref<1x1024x128xf32, #tpu.memory_space<vmem>>, vector<1x64x128xf32>,
    %slice3A_215 = vector.extract_strided_slice %div3A_103 {offsets = [640, 0], sizes = [64, 128], strides = [1, 1]} : vector<1024x128xf32> to vector<64x128xf32>
    %slice3A_216 = vector.extract_strided_slice %concatenate3A_21 {offsets = [640, 0], sizes = [128, 64], strides = [1, 1]} : vector<1088x64xf32> to vector<128x64xf32>
    %dot_general3A_217 = arith.constant dense<0.000000e+00> : vector<64x64xf32>
    %dot_general3A_218 = tpu.matmul %slice3A_215, %slice3A_216, %dot_general3A_217 {dimension_numbers = #tpu.dot_dimension_numbers<[1], [0], [0], [1], [0, 0, 1, 1], [], []>, transpose_lhs_hint = false} : vector<64x128xf32>, vector<128x64xf32>, vector<64x64xf32> -> vector<64x64xf32>
    %concatenate3A_219 = tpu.concatenate %dot_general3A_218, %broadcast_in_dim3A_105 in 1 : vector<64x64xf32>, vector<64x64xf32> -> vector<64x128xf32>
    %swap3A_220 = arith.constant 0 : index
    %swap3A_221 = arith.constant 640 : index
    %swap3A_222 = arith.constant 0 : index
    %swap3A_223 = vector.load %arg4[%swap3A_220, %swap3A_221, %swap3A_222] : memref<1x1024x128xf32, #tpu.memory_space<vmem>>, vector<1x64x128xf32>
    %swap3A_224 = vector.shape_cast %swap3A_223 : vector<1x64x128xf32> to vector<64x128xf32>
    %swap3A_225 = vector.shape_cast %concatenate3A_219 : vector<64x128xf32> to vector<1x64x128xf32>
    tpu.vector_store %arg4[%swap3A_220, %swap3A_221, %swap3A_222], %swap3A_225 {strides = array<i32>} : memref<1x1024x128xf32, #tpu.memory_space<vmem>>, vector<1x64x128xf32>,
    %slice3A_226 = vector.extract_strided_slice %div3A_103 {offsets = [704, 0], sizes = [64, 128], strides = [1, 1]} : vector<1024x128xf32> to vector<64x128xf32>
    %slice3A_227 = vector.extract_strided_slice %concatenate3A_21 {offsets = [704, 0], sizes = [128, 64], strides = [1, 1]} : vector<1088x64xf32> to vector<128x64xf32>
    %dot_general3A_228 = arith.constant dense<0.000000e+00> : vector<64x64xf32>
    %dot_general3A_229 = tpu.matmul %slice3A_226, %slice3A_227, %dot_general3A_228 {dimension_numbers = #tpu.dot_dimension_numbers<[1], [0], [0], [1], [0, 0, 1, 1], [], []>, transpose_lhs_hint = false} : vector<64x128xf32>, vector<128x64xf32>, vector<64x64xf32> -> vector<64x64xf32>
    %concatenate3A_230 = tpu.concatenate %dot_general3A_229, %broadcast_in_dim3A_105 in 1 : vector<64x64xf32>, vector<64x64xf32> -> vector<64x128xf32>
    %swap3A_231 = arith.constant 0 : index
    %swap3A_232 = arith.constant 704 : index
    %swap3A_233 = arith.constant 0 : index
    %swap3A_234 = vector.load %arg4[%swap3A_231, %swap3A_232, %swap3A_233] : memref<1x1024x128xf32, #tpu.memory_space<vmem>>, vector<1x64x128xf32>
    %swap3A_235 = vector.shape_cast %swap3A_234 : vector<1x64x128xf32> to vector<64x128xf32>
    %swap3A_236 = vector.shape_cast %concatenate3A_230 : vector<64x128xf32> to vector<1x64x128xf32>
    tpu.vector_store %arg4[%swap3A_231, %swap3A_232, %swap3A_233], %swap3A_236 {strides = array<i32>} : memref<1x1024x128xf32, #tpu.memory_space<vmem>>, vector<1x64x128xf32>,
    %slice3A_237 = vector.extract_strided_slice %div3A_103 {offsets = [768, 0], sizes = [64, 128], strides = [1, 1]} : vector<1024x128xf32> to vector<64x128xf32>
    %slice3A_238 = vector.extract_strided_slice %concatenate3A_21 {offsets = [768, 0], sizes = [128, 64], strides = [1, 1]} : vector<1088x64xf32> to vector<128x64xf32>
    %dot_general3A_239 = arith.constant dense<0.000000e+00> : vector<64x64xf32>
    %dot_general3A_240 = tpu.matmul %slice3A_237, %slice3A_238, %dot_general3A_239 {dimension_numbers = #tpu.dot_dimension_numbers<[1], [0], [0], [1], [0, 0, 1, 1], [], []>, transpose_lhs_hint = false} : vector<64x128xf32>, vector<128x64xf32>, vector<64x64xf32> -> vector<64x64xf32>
    %concatenate3A_241 = tpu.concatenate %dot_general3A_240, %broadcast_in_dim3A_105 in 1 : vector<64x64xf32>, vector<64x64xf32> -> vector<64x128xf32>
    %swap3A_242 = arith.constant 0 : index
    %swap3A_243 = arith.constant 768 : index
    %swap3A_244 = arith.constant 0 : index
    %swap3A_245 = vector.load %arg4[%swap3A_242, %swap3A_243, %swap3A_244] : memref<1x1024x128xf32, #tpu.memory_space<vmem>>, vector<1x64x128xf32>
    %swap3A_246 = vector.shape_cast %swap3A_245 : vector<1x64x128xf32> to vector<64x128xf32>
    %swap3A_247 = vector.shape_cast %concatenate3A_241 : vector<64x128xf32> to vector<1x64x128xf32>
    tpu.vector_store %arg4[%swap3A_242, %swap3A_243, %swap3A_244], %swap3A_247 {strides = array<i32>} : memref<1x1024x128xf32, #tpu.memory_space<vmem>>, vector<1x64x128xf32>,
    %slice3A_248 = vector.extract_strided_slice %div3A_103 {offsets = [832, 0], sizes = [64, 128], strides = [1, 1]} : vector<1024x128xf32> to vector<64x128xf32>
    %slice3A_249 = vector.extract_strided_slice %concatenate3A_21 {offsets = [832, 0], sizes = [128, 64], strides = [1, 1]} : vector<1088x64xf32> to vector<128x64xf32>
    %dot_general3A_250 = arith.constant dense<0.000000e+00> : vector<64x64xf32>
    %dot_general3A_251 = tpu.matmul %slice3A_248, %slice3A_249, %dot_general3A_250 {dimension_numbers = #tpu.dot_dimension_numbers<[1], [0], [0], [1], [0, 0, 1, 1], [], []>, transpose_lhs_hint = false} : vector<64x128xf32>, vector<128x64xf32>, vector<64x64xf32> -> vector<64x64xf32>
    %concatenate3A_252 = tpu.concatenate %dot_general3A_251, %broadcast_in_dim3A_105 in 1 : vector<64x64xf32>, vector<64x64xf32> -> vector<64x128xf32>
    %swap3A_253 = arith.constant 0 : index
    %swap3A_254 = arith.constant 832 : index
    %swap3A_255 = arith.constant 0 : index
    %swap3A_256 = vector.load %arg4[%swap3A_253, %swap3A_254, %swap3A_255] : memref<1x1024x128xf32, #tpu.memory_space<vmem>>, vector<1x64x128xf32>
    %swap3A_257 = vector.shape_cast %swap3A_256 : vector<1x64x128xf32> to vector<64x128xf32>
    %swap3A_258 = vector.shape_cast %concatenate3A_252 : vector<64x128xf32> to vector<1x64x128xf32>
    tpu.vector_store %arg4[%swap3A_253, %swap3A_254, %swap3A_255], %swap3A_258 {strides = array<i32>} : memref<1x1024x128xf32, #tpu.memory_space<vmem>>, vector<1x64x128xf32>,
    %slice3A_259 = vector.extract_strided_slice %div3A_103 {offsets = [896, 0], sizes = [64, 128], strides = [1, 1]} : vector<1024x128xf32> to vector<64x128xf32>
    %slice3A_260 = vector.extract_strided_slice %concatenate3A_21 {offsets = [896, 0], sizes = [128, 64], strides = [1, 1]} : vector<1088x64xf32> to vector<128x64xf32>
    %dot_general3A_261 = arith.constant dense<0.000000e+00> : vector<64x64xf32>
    %dot_general3A_262 = tpu.matmul %slice3A_259, %slice3A_260, %dot_general3A_261 {dimension_numbers = #tpu.dot_dimension_numbers<[1], [0], [0], [1], [0, 0, 1, 1], [], []>, transpose_lhs_hint = false} : vector<64x128xf32>, vector<128x64xf32>, vector<64x64xf32> -> vector<64x64xf32>
    %concatenate3A_263 = tpu.concatenate %dot_general3A_262, %broadcast_in_dim3A_105 in 1 : vector<64x64xf32>, vector<64x64xf32> -> vector<64x128xf32>
    %swap3A_264 = arith.constant 0 : index
    %swap3A_265 = arith.constant 896 : index
    %swap3A_266 = arith.constant 0 : index
    %swap3A_267 = vector.load %arg4[%swap3A_264, %swap3A_265, %swap3A_266] : memref<1x1024x128xf32, #tpu.memory_space<vmem>>, vector<1x64x128xf32>
    %swap3A_268 = vector.shape_cast %swap3A_267 : vector<1x64x128xf32> to vector<64x128xf32>
    %swap3A_269 = vector.shape_cast %concatenate3A_263 : vector<64x128xf32> to vector<1x64x128xf32>
    tpu.vector_store %arg4[%swap3A_264, %swap3A_265, %swap3A_266], %swap3A_269 {strides = array<i32>} : memref<1x1024x128xf32, #tpu.memory_space<vmem>>, vector<1x64x128xf32>,
    %slice3A_270 = vector.extract_strided_slice %div3A_103 {offsets = [960, 0], sizes = [64, 128], strides = [1, 1]} : vector<1024x128xf32> to vector<64x128xf32>
    %slice3A_271 = vector.extract_strided_slice %concatenate3A_21 {offsets = [960, 0], sizes = [128, 64], strides = [1, 1]} : vector<1088x64xf32> to vector<128x64xf32>
    %dot_general3A_272 = arith.constant dense<0.000000e+00> : vector<64x64xf32>
    %dot_general3A_273 = tpu.matmul %slice3A_270, %slice3A_271, %dot_general3A_272 {dimension_numbers = #tpu.dot_dimension_numbers<[1], [0], [0], [1], [0, 0, 1, 1], [], []>, transpose_lhs_hint = false} : vector<64x128xf32>, vector<128x64xf32>, vector<64x64xf32> -> vector<64x64xf32>
    %concatenate3A_274 = tpu.concatenate %dot_general3A_273, %broadcast_in_dim3A_105 in 1 : vector<64x64xf32>, vector<64x64xf32> -> vector<64x128xf32>
    %swap3A_275 = arith.constant 0 : index
    %swap3A_276 = arith.constant 960 : index
    %swap3A_277 = arith.constant 0 : index
    %swap3A_278 = vector.load %arg4[%swap3A_275, %swap3A_276, %swap3A_277] : memref<1x1024x128xf32, #tpu.memory_space<vmem>>, vector<1x64x128xf32>
    %swap3A_279 = vector.shape_cast %swap3A_278 : vector<1x64x128xf32> to vector<64x128xf32>
    %swap3A_280 = vector.shape_cast %concatenate3A_274 : vector<64x128xf32> to vector<1x64x128xf32>
    tpu.vector_store %arg4[%swap3A_275, %swap3A_276, %swap3A_277], %swap3A_280 {strides = array<i32>} : memref<1x1024x128xf32, #tpu.memory_space<vmem>>, vector<1x64x128xf32>,
    return
  }
  func.func @transform_0(%arg0: i32, %arg1: i32) -> (i32, i32, i32) {
    %c0_i32 = arith.constant 0 : i32
    %c0_i32_0 = arith.constant 0 : i32
    return %arg0, %arg1, %c0_i32 : i32, i32, i32
  }
  func.func @transform_1(%arg0: i32, %arg1: i32) -> (i32, i32, i32) {
    %mul3A = arith.constant 16 : i32
    %mul3A_0 = arith.muli %arg1, %mul3A : i32
    %sub3A = arith.constant 1 : i32
    %sub3A_1 = arith.subi %mul3A_0, %sub3A : i32
    %jit3A = arith.constant 128 : i32
    %eq3A = arith.constant 0 : i32
    %eq3A_2 = arith.cmpi eq, %jit3A, %eq3A : i32
    %jit3A_3 = arith.constant 1 : i32
    %select_n3A = arith.select %eq3A_2, %jit3A_3, %jit3A : i32
    %rem3A = arith.remsi %sub3A_1, %select_n3A : i32
    %ne3A = arith.constant 0 : i32
    %ne3A_4 = arith.cmpi ne, %rem3A, %ne3A : i32
    %lt3A = arith.constant 0 : i32
    %lt3A_5 = arith.cmpi slt, %rem3A, %lt3A : i32
    %lt3A_6 = arith.constant 0 : i32
    %lt3A_7 = arith.cmpi slt, %select_n3A, %lt3A_6 : i32
    %ne3A_8 = arith.xori %lt3A_5, %lt3A_7 : i1
    %and3A = arith.andi %ne3A_8, %ne3A_4 : i1
    %add3A = arith.addi %rem3A, %select_n3A : i32
    %select_n3A_9 = arith.select %and3A, %add3A, %rem3A : i32
    %c0_i32 = arith.constant 0 : i32
    %c0_i32_10 = arith.constant 0 : i32
    return %arg0, %select_n3A_9, %c0_i32 : i32, i32, i32
  }
  func.func @transform_2(%arg0: i32, %arg1: i32) -> (i32, i32, i32) {
    %c0_i32 = arith.constant 0 : i32
    %c0_i32_0 = arith.constant 0 : i32
    return %arg0, %arg1, %c0_i32 : i32, i32, i32
  }
}

module attributes {stable_mosaic.version = 14 : i64} {
  func.func @_f_body(%arg0: i32, %arg1: i32, %arg2: memref<1x16x256x128xf32, #tpu.memory_space<vmem>>, %arg3: memref<1x256x1024xf32, #tpu.memory_space<vmem>>, %arg4: memref<16x64x1024xf32, #tpu.memory_space<vmem>>, %arg5: memref<1x1024xf32, #tpu.memory_space<vmem>>, %arg6: memref<1x1024xf32, #tpu.memory_space<vmem>>, %arg7: memref<1024x4096xf32, #tpu.memory_space<vmem>>, %arg8: memref<1x4096xf32, #tpu.memory_space<vmem>>, %arg9: memref<4096x1024xf32, #tpu.memory_space<vmem>>, %arg10: memref<1x1024xf32, #tpu.memory_space<vmem>>, %arg11: memref<1x256x1024xf32, #tpu.memory_space<vmem>>) attributes {dimension_semantics = [#tpu.dimension_semantics<arbitrary>, #tpu.dimension_semantics<arbitrary>], iteration_bounds = array<i64: 2, 32>, scalar_prefetch = 0 : i64, scratch_operands = 0 : i64, tpu.core_type = #tpu.core_type<tc>, window_params = [{transform_indices = @transform_0, window_bounds = array<i64: 1, 16, 256, 128>}, {transform_indices = @transform_1, window_bounds = array<i64: 1, 256, 1024>}, {pipeline_mode = #tpu.pipeline_mode<synchronous>, transform_indices = @transform_2, window_bounds = array<i64: 16, 64, 1024>}, {pipeline_mode = #tpu.pipeline_mode<synchronous>, transform_indices = @transform_3, window_bounds = array<i64: 1, 1024>}, {pipeline_mode = #tpu.pipeline_mode<synchronous>, transform_indices = @transform_4, window_bounds = array<i64: 1, 1024>}, {pipeline_mode = #tpu.pipeline_mode<synchronous>, transform_indices = @transform_5, window_bounds = array<i64: 1024, 4096>}, {pipeline_mode = #tpu.pipeline_mode<synchronous>, transform_indices = @transform_6, window_bounds = array<i64: 1, 4096>}, {pipeline_mode = #tpu.pipeline_mode<synchronous>, transform_indices = @transform_7, window_bounds = array<i64: 4096, 1024>}, {pipeline_mode = #tpu.pipeline_mode<synchronous>, transform_indices = @transform_8, window_bounds = array<i64: 1, 1024>}, {transform_indices = @transform_9, window_bounds = array<i64: 1, 256, 1024>}]} {
    %broadcast_in_dim3A = arith.constant 0.000000e+00 : f32
    %broadcast_in_dim3A_0 = vector.broadcast %broadcast_in_dim3A : f32 to vector<256x1024xf32>
    %get3A = arith.constant 0 : index
    %get3A_1 = arith.constant 0 : index
    %get3A_2 = arith.constant 0 : index
    %get3A_3 = arith.constant 0 : index
    %get3A_4 = vector.load %arg2[%get3A, %get3A_1, %get3A_2, %get3A_3] : memref<1x16x256x128xf32, #tpu.memory_space<vmem>>, vector<1x1x256x128xf32>
    %get3A_5 = vector.shape_cast %get3A_4 : vector<1x1x256x128xf32> to vector<256x128xf32>
    %slice3A = vector.extract_strided_slice %get3A_5 {offsets = [0, 0], sizes = [256, 64], strides = [1, 1]} : vector<256x128xf32> to vector<256x64xf32>
    %get3A_6 = arith.constant 0 : index
    %get3A_7 = arith.constant 0 : index
    %get3A_8 = arith.constant 0 : index
    %get3A_9 = vector.load %arg4[%get3A_6, %get3A_7, %get3A_8] : memref<16x64x1024xf32, #tpu.memory_space<vmem>>, vector<1x64x1024xf32>
    %get3A_10 = vector.shape_cast %get3A_9 : vector<1x64x1024xf32> to vector<64x1024xf32>
    %dot_general3A = arith.constant dense<0.000000e+00> : vector<256x1024xf32>
    %dot_general3A_11 = tpu.matmul %slice3A, %get3A_10, %dot_general3A {dimension_numbers = #tpu.dot_dimension_numbers<[1], [0], [0], [1], [0, 0, 1, 1], [], []>, transpose_lhs_hint = false} : vector<256x64xf32>, vector<64x1024xf32>, vector<256x1024xf32> -> vector<256x1024xf32>
    %add3A = arith.addf %broadcast_in_dim3A_0, %dot_general3A_11 : vector<256x1024xf32>
    %get3A_12 = arith.constant 0 : index
    %get3A_13 = arith.constant 1 : index
    %get3A_14 = arith.constant 0 : index
    %get3A_15 = arith.constant 0 : index
    %get3A_16 = vector.load %arg2[%get3A_12, %get3A_13, %get3A_14, %get3A_15] : memref<1x16x256x128xf32, #tpu.memory_space<vmem>>, vector<1x1x256x128xf32>
    %get3A_17 = vector.shape_cast %get3A_16 : vector<1x1x256x128xf32> to vector<256x128xf32>
    %slice3A_18 = vector.extract_strided_slice %get3A_17 {offsets = [0, 0], sizes = [256, 64], strides = [1, 1]} : vector<256x128xf32> to vector<256x64xf32>
    %get3A_19 = arith.constant 1 : index
    %get3A_20 = arith.constant 0 : index
    %get3A_21 = arith.constant 0 : index
    %get3A_22 = vector.load %arg4[%get3A_19, %get3A_20, %get3A_21] : memref<16x64x1024xf32, #tpu.memory_space<vmem>>, vector<1x64x1024xf32>
    %get3A_23 = vector.shape_cast %get3A_22 : vector<1x64x1024xf32> to vector<64x1024xf32>
    %dot_general3A_24 = arith.constant dense<0.000000e+00> : vector<256x1024xf32>
    %dot_general3A_25 = tpu.matmul %slice3A_18, %get3A_23, %dot_general3A_24 {dimension_numbers = #tpu.dot_dimension_numbers<[1], [0], [0], [1], [0, 0, 1, 1], [], []>, transpose_lhs_hint = false} : vector<256x64xf32>, vector<64x1024xf32>, vector<256x1024xf32> -> vector<256x1024xf32>
    %add3A_26 = arith.addf %add3A, %dot_general3A_25 : vector<256x1024xf32>
    %get3A_27 = arith.constant 0 : index
    %get3A_28 = arith.constant 2 : index
    %get3A_29 = arith.constant 0 : index
    %get3A_30 = arith.constant 0 : index
    %get3A_31 = vector.load %arg2[%get3A_27, %get3A_28, %get3A_29, %get3A_30] : memref<1x16x256x128xf32, #tpu.memory_space<vmem>>, vector<1x1x256x128xf32>
    %get3A_32 = vector.shape_cast %get3A_31 : vector<1x1x256x128xf32> to vector<256x128xf32>
    %slice3A_33 = vector.extract_strided_slice %get3A_32 {offsets = [0, 0], sizes = [256, 64], strides = [1, 1]} : vector<256x128xf32> to vector<256x64xf32>
    %get3A_34 = arith.constant 2 : index
    %get3A_35 = arith.constant 0 : index
    %get3A_36 = arith.constant 0 : index
    %get3A_37 = vector.load %arg4[%get3A_34, %get3A_35, %get3A_36] : memref<16x64x1024xf32, #tpu.memory_space<vmem>>, vector<1x64x1024xf32>
    %get3A_38 = vector.shape_cast %get3A_37 : vector<1x64x1024xf32> to vector<64x1024xf32>
    %dot_general3A_39 = arith.constant dense<0.000000e+00> : vector<256x1024xf32>
    %dot_general3A_40 = tpu.matmul %slice3A_33, %get3A_38, %dot_general3A_39 {dimension_numbers = #tpu.dot_dimension_numbers<[1], [0], [0], [1], [0, 0, 1, 1], [], []>, transpose_lhs_hint = false} : vector<256x64xf32>, vector<64x1024xf32>, vector<256x1024xf32> -> vector<256x1024xf32>
    %add3A_41 = arith.addf %add3A_26, %dot_general3A_40 : vector<256x1024xf32>
    %get3A_42 = arith.constant 0 : index
    %get3A_43 = arith.constant 3 : index
    %get3A_44 = arith.constant 0 : index
    %get3A_45 = arith.constant 0 : index
    %get3A_46 = vector.load %arg2[%get3A_42, %get3A_43, %get3A_44, %get3A_45] : memref<1x16x256x128xf32, #tpu.memory_space<vmem>>, vector<1x1x256x128xf32>
    %get3A_47 = vector.shape_cast %get3A_46 : vector<1x1x256x128xf32> to vector<256x128xf32>
    %slice3A_48 = vector.extract_strided_slice %get3A_47 {offsets = [0, 0], sizes = [256, 64], strides = [1, 1]} : vector<256x128xf32> to vector<256x64xf32>
    %get3A_49 = arith.constant 3 : index
    %get3A_50 = arith.constant 0 : index
    %get3A_51 = arith.constant 0 : index
    %get3A_52 = vector.load %arg4[%get3A_49, %get3A_50, %get3A_51] : memref<16x64x1024xf32, #tpu.memory_space<vmem>>, vector<1x64x1024xf32>
    %get3A_53 = vector.shape_cast %get3A_52 : vector<1x64x1024xf32> to vector<64x1024xf32>
    %dot_general3A_54 = arith.constant dense<0.000000e+00> : vector<256x1024xf32>
    %dot_general3A_55 = tpu.matmul %slice3A_48, %get3A_53, %dot_general3A_54 {dimension_numbers = #tpu.dot_dimension_numbers<[1], [0], [0], [1], [0, 0, 1, 1], [], []>, transpose_lhs_hint = false} : vector<256x64xf32>, vector<64x1024xf32>, vector<256x1024xf32> -> vector<256x1024xf32>
    %add3A_56 = arith.addf %add3A_41, %dot_general3A_55 : vector<256x1024xf32>
    %get3A_57 = arith.constant 0 : index
    %get3A_58 = arith.constant 4 : index
    %get3A_59 = arith.constant 0 : index
    %get3A_60 = arith.constant 0 : index
    %get3A_61 = vector.load %arg2[%get3A_57, %get3A_58, %get3A_59, %get3A_60] : memref<1x16x256x128xf32, #tpu.memory_space<vmem>>, vector<1x1x256x128xf32>
    %get3A_62 = vector.shape_cast %get3A_61 : vector<1x1x256x128xf32> to vector<256x128xf32>
    %slice3A_63 = vector.extract_strided_slice %get3A_62 {offsets = [0, 0], sizes = [256, 64], strides = [1, 1]} : vector<256x128xf32> to vector<256x64xf32>
    %get3A_64 = arith.constant 4 : index
    %get3A_65 = arith.constant 0 : index
    %get3A_66 = arith.constant 0 : index
    %get3A_67 = vector.load %arg4[%get3A_64, %get3A_65, %get3A_66] : memref<16x64x1024xf32, #tpu.memory_space<vmem>>, vector<1x64x1024xf32>
    %get3A_68 = vector.shape_cast %get3A_67 : vector<1x64x1024xf32> to vector<64x1024xf32>
    %dot_general3A_69 = arith.constant dense<0.000000e+00> : vector<256x1024xf32>
    %dot_general3A_70 = tpu.matmul %slice3A_63, %get3A_68, %dot_general3A_69 {dimension_numbers = #tpu.dot_dimension_numbers<[1], [0], [0], [1], [0, 0, 1, 1], [], []>, transpose_lhs_hint = false} : vector<256x64xf32>, vector<64x1024xf32>, vector<256x1024xf32> -> vector<256x1024xf32>
    %add3A_71 = arith.addf %add3A_56, %dot_general3A_70 : vector<256x1024xf32>
    %get3A_72 = arith.constant 0 : index
    %get3A_73 = arith.constant 5 : index
    %get3A_74 = arith.constant 0 : index
    %get3A_75 = arith.constant 0 : index
    %get3A_76 = vector.load %arg2[%get3A_72, %get3A_73, %get3A_74, %get3A_75] : memref<1x16x256x128xf32, #tpu.memory_space<vmem>>, vector<1x1x256x128xf32>
    %get3A_77 = vector.shape_cast %get3A_76 : vector<1x1x256x128xf32> to vector<256x128xf32>
    %slice3A_78 = vector.extract_strided_slice %get3A_77 {offsets = [0, 0], sizes = [256, 64], strides = [1, 1]} : vector<256x128xf32> to vector<256x64xf32>
    %get3A_79 = arith.constant 5 : index
    %get3A_80 = arith.constant 0 : index
    %get3A_81 = arith.constant 0 : index
    %get3A_82 = vector.load %arg4[%get3A_79, %get3A_80, %get3A_81] : memref<16x64x1024xf32, #tpu.memory_space<vmem>>, vector<1x64x1024xf32>
    %get3A_83 = vector.shape_cast %get3A_82 : vector<1x64x1024xf32> to vector<64x1024xf32>
    %dot_general3A_84 = arith.constant dense<0.000000e+00> : vector<256x1024xf32>
    %dot_general3A_85 = tpu.matmul %slice3A_78, %get3A_83, %dot_general3A_84 {dimension_numbers = #tpu.dot_dimension_numbers<[1], [0], [0], [1], [0, 0, 1, 1], [], []>, transpose_lhs_hint = false} : vector<256x64xf32>, vector<64x1024xf32>, vector<256x1024xf32> -> vector<256x1024xf32>
    %add3A_86 = arith.addf %add3A_71, %dot_general3A_85 : vector<256x1024xf32>
    %get3A_87 = arith.constant 0 : index
    %get3A_88 = arith.constant 6 : index
    %get3A_89 = arith.constant 0 : index
    %get3A_90 = arith.constant 0 : index
    %get3A_91 = vector.load %arg2[%get3A_87, %get3A_88, %get3A_89, %get3A_90] : memref<1x16x256x128xf32, #tpu.memory_space<vmem>>, vector<1x1x256x128xf32>
    %get3A_92 = vector.shape_cast %get3A_91 : vector<1x1x256x128xf32> to vector<256x128xf32>
    %slice3A_93 = vector.extract_strided_slice %get3A_92 {offsets = [0, 0], sizes = [256, 64], strides = [1, 1]} : vector<256x128xf32> to vector<256x64xf32>
    %get3A_94 = arith.constant 6 : index
    %get3A_95 = arith.constant 0 : index
    %get3A_96 = arith.constant 0 : index
    %get3A_97 = vector.load %arg4[%get3A_94, %get3A_95, %get3A_96] : memref<16x64x1024xf32, #tpu.memory_space<vmem>>, vector<1x64x1024xf32>
    %get3A_98 = vector.shape_cast %get3A_97 : vector<1x64x1024xf32> to vector<64x1024xf32>
    %dot_general3A_99 = arith.constant dense<0.000000e+00> : vector<256x1024xf32>
    %dot_general3A_100 = tpu.matmul %slice3A_93, %get3A_98, %dot_general3A_99 {dimension_numbers = #tpu.dot_dimension_numbers<[1], [0], [0], [1], [0, 0, 1, 1], [], []>, transpose_lhs_hint = false} : vector<256x64xf32>, vector<64x1024xf32>, vector<256x1024xf32> -> vector<256x1024xf32>
    %add3A_101 = arith.addf %add3A_86, %dot_general3A_100 : vector<256x1024xf32>
    %get3A_102 = arith.constant 0 : index
    %get3A_103 = arith.constant 7 : index
    %get3A_104 = arith.constant 0 : index
    %get3A_105 = arith.constant 0 : index
    %get3A_106 = vector.load %arg2[%get3A_102, %get3A_103, %get3A_104, %get3A_105] : memref<1x16x256x128xf32, #tpu.memory_space<vmem>>, vector<1x1x256x128xf32>
    %get3A_107 = vector.shape_cast %get3A_106 : vector<1x1x256x128xf32> to vector<256x128xf32>
    %slice3A_108 = vector.extract_strided_slice %get3A_107 {offsets = [0, 0], sizes = [256, 64], strides = [1, 1]} : vector<256x128xf32> to vector<256x64xf32>
    %get3A_109 = arith.constant 7 : index
    %get3A_110 = arith.constant 0 : index
    %get3A_111 = arith.constant 0 : index
    %get3A_112 = vector.load %arg4[%get3A_109, %get3A_110, %get3A_111] : memref<16x64x1024xf32, #tpu.memory_space<vmem>>, vector<1x64x1024xf32>
    %get3A_113 = vector.shape_cast %get3A_112 : vector<1x64x1024xf32> to vector<64x1024xf32>
    %dot_general3A_114 = arith.constant dense<0.000000e+00> : vector<256x1024xf32>
    %dot_general3A_115 = tpu.matmul %slice3A_108, %get3A_113, %dot_general3A_114 {dimension_numbers = #tpu.dot_dimension_numbers<[1], [0], [0], [1], [0, 0, 1, 1], [], []>, transpose_lhs_hint = false} : vector<256x64xf32>, vector<64x1024xf32>, vector<256x1024xf32> -> vector<256x1024xf32>
    %add3A_116 = arith.addf %add3A_101, %dot_general3A_115 : vector<256x1024xf32>
    %get3A_117 = arith.constant 0 : index
    %get3A_118 = arith.constant 8 : index
    %get3A_119 = arith.constant 0 : index
    %get3A_120 = arith.constant 0 : index
    %get3A_121 = vector.load %arg2[%get3A_117, %get3A_118, %get3A_119, %get3A_120] : memref<1x16x256x128xf32, #tpu.memory_space<vmem>>, vector<1x1x256x128xf32>
    %get3A_122 = vector.shape_cast %get3A_121 : vector<1x1x256x128xf32> to vector<256x128xf32>
    %slice3A_123 = vector.extract_strided_slice %get3A_122 {offsets = [0, 0], sizes = [256, 64], strides = [1, 1]} : vector<256x128xf32> to vector<256x64xf32>
    %get3A_124 = arith.constant 8 : index
    %get3A_125 = arith.constant 0 : index
    %get3A_126 = arith.constant 0 : index
    %get3A_127 = vector.load %arg4[%get3A_124, %get3A_125, %get3A_126] : memref<16x64x1024xf32, #tpu.memory_space<vmem>>, vector<1x64x1024xf32>
    %get3A_128 = vector.shape_cast %get3A_127 : vector<1x64x1024xf32> to vector<64x1024xf32>
    %dot_general3A_129 = arith.constant dense<0.000000e+00> : vector<256x1024xf32>
    %dot_general3A_130 = tpu.matmul %slice3A_123, %get3A_128, %dot_general3A_129 {dimension_numbers = #tpu.dot_dimension_numbers<[1], [0], [0], [1], [0, 0, 1, 1], [], []>, transpose_lhs_hint = false} : vector<256x64xf32>, vector<64x1024xf32>, vector<256x1024xf32> -> vector<256x1024xf32>
    %add3A_131 = arith.addf %add3A_116, %dot_general3A_130 : vector<256x1024xf32>
    %get3A_132 = arith.constant 0 : index
    %get3A_133 = arith.constant 9 : index
    %get3A_134 = arith.constant 0 : index
    %get3A_135 = arith.constant 0 : index
    %get3A_136 = vector.load %arg2[%get3A_132, %get3A_133, %get3A_134, %get3A_135] : memref<1x16x256x128xf32, #tpu.memory_space<vmem>>, vector<1x1x256x128xf32>
    %get3A_137 = vector.shape_cast %get3A_136 : vector<1x1x256x128xf32> to vector<256x128xf32>
    %slice3A_138 = vector.extract_strided_slice %get3A_137 {offsets = [0, 0], sizes = [256, 64], strides = [1, 1]} : vector<256x128xf32> to vector<256x64xf32>
    %get3A_139 = arith.constant 9 : index
    %get3A_140 = arith.constant 0 : index
    %get3A_141 = arith.constant 0 : index
    %get3A_142 = vector.load %arg4[%get3A_139, %get3A_140, %get3A_141] : memref<16x64x1024xf32, #tpu.memory_space<vmem>>, vector<1x64x1024xf32>
    %get3A_143 = vector.shape_cast %get3A_142 : vector<1x64x1024xf32> to vector<64x1024xf32>
    %dot_general3A_144 = arith.constant dense<0.000000e+00> : vector<256x1024xf32>
    %dot_general3A_145 = tpu.matmul %slice3A_138, %get3A_143, %dot_general3A_144 {dimension_numbers = #tpu.dot_dimension_numbers<[1], [0], [0], [1], [0, 0, 1, 1], [], []>, transpose_lhs_hint = false} : vector<256x64xf32>, vector<64x1024xf32>, vector<256x1024xf32> -> vector<256x1024xf32>
    %add3A_146 = arith.addf %add3A_131, %dot_general3A_145 : vector<256x1024xf32>
    %get3A_147 = arith.constant 0 : index
    %get3A_148 = arith.constant 10 : index
    %get3A_149 = arith.constant 0 : index
    %get3A_150 = arith.constant 0 : index
    %get3A_151 = vector.load %arg2[%get3A_147, %get3A_148, %get3A_149, %get3A_150] : memref<1x16x256x128xf32, #tpu.memory_space<vmem>>, vector<1x1x256x128xf32>
    %get3A_152 = vector.shape_cast %get3A_151 : vector<1x1x256x128xf32> to vector<256x128xf32>
    %slice3A_153 = vector.extract_strided_slice %get3A_152 {offsets = [0, 0], sizes = [256, 64], strides = [1, 1]} : vector<256x128xf32> to vector<256x64xf32>
    %get3A_154 = arith.constant 10 : index
    %get3A_155 = arith.constant 0 : index
    %get3A_156 = arith.constant 0 : index
    %get3A_157 = vector.load %arg4[%get3A_154, %get3A_155, %get3A_156] : memref<16x64x1024xf32, #tpu.memory_space<vmem>>, vector<1x64x1024xf32>
    %get3A_158 = vector.shape_cast %get3A_157 : vector<1x64x1024xf32> to vector<64x1024xf32>
    %dot_general3A_159 = arith.constant dense<0.000000e+00> : vector<256x1024xf32>
    %dot_general3A_160 = tpu.matmul %slice3A_153, %get3A_158, %dot_general3A_159 {dimension_numbers = #tpu.dot_dimension_numbers<[1], [0], [0], [1], [0, 0, 1, 1], [], []>, transpose_lhs_hint = false} : vector<256x64xf32>, vector<64x1024xf32>, vector<256x1024xf32> -> vector<256x1024xf32>
    %add3A_161 = arith.addf %add3A_146, %dot_general3A_160 : vector<256x1024xf32>
    %get3A_162 = arith.constant 0 : index
    %get3A_163 = arith.constant 11 : index
    %get3A_164 = arith.constant 0 : index
    %get3A_165 = arith.constant 0 : index
    %get3A_166 = vector.load %arg2[%get3A_162, %get3A_163, %get3A_164, %get3A_165] : memref<1x16x256x128xf32, #tpu.memory_space<vmem>>, vector<1x1x256x128xf32>
    %get3A_167 = vector.shape_cast %get3A_166 : vector<1x1x256x128xf32> to vector<256x128xf32>
    %slice3A_168 = vector.extract_strided_slice %get3A_167 {offsets = [0, 0], sizes = [256, 64], strides = [1, 1]} : vector<256x128xf32> to vector<256x64xf32>
    %get3A_169 = arith.constant 11 : index
    %get3A_170 = arith.constant 0 : index
    %get3A_171 = arith.constant 0 : index
    %get3A_172 = vector.load %arg4[%get3A_169, %get3A_170, %get3A_171] : memref<16x64x1024xf32, #tpu.memory_space<vmem>>, vector<1x64x1024xf32>
    %get3A_173 = vector.shape_cast %get3A_172 : vector<1x64x1024xf32> to vector<64x1024xf32>
    %dot_general3A_174 = arith.constant dense<0.000000e+00> : vector<256x1024xf32>
    %dot_general3A_175 = tpu.matmul %slice3A_168, %get3A_173, %dot_general3A_174 {dimension_numbers = #tpu.dot_dimension_numbers<[1], [0], [0], [1], [0, 0, 1, 1], [], []>, transpose_lhs_hint = false} : vector<256x64xf32>, vector<64x1024xf32>, vector<256x1024xf32> -> vector<256x1024xf32>
    %add3A_176 = arith.addf %add3A_161, %dot_general3A_175 : vector<256x1024xf32>
    %get3A_177 = arith.constant 0 : index
    %get3A_178 = arith.constant 12 : index
    %get3A_179 = arith.constant 0 : index
    %get3A_180 = arith.constant 0 : index
    %get3A_181 = vector.load %arg2[%get3A_177, %get3A_178, %get3A_179, %get3A_180] : memref<1x16x256x128xf32, #tpu.memory_space<vmem>>, vector<1x1x256x128xf32>
    %get3A_182 = vector.shape_cast %get3A_181 : vector<1x1x256x128xf32> to vector<256x128xf32>
    %slice3A_183 = vector.extract_strided_slice %get3A_182 {offsets = [0, 0], sizes = [256, 64], strides = [1, 1]} : vector<256x128xf32> to vector<256x64xf32>
    %get3A_184 = arith.constant 12 : index
    %get3A_185 = arith.constant 0 : index
    %get3A_186 = arith.constant 0 : index
    %get3A_187 = vector.load %arg4[%get3A_184, %get3A_185, %get3A_186] : memref<16x64x1024xf32, #tpu.memory_space<vmem>>, vector<1x64x1024xf32>
    %get3A_188 = vector.shape_cast %get3A_187 : vector<1x64x1024xf32> to vector<64x1024xf32>
    %dot_general3A_189 = arith.constant dense<0.000000e+00> : vector<256x1024xf32>
    %dot_general3A_190 = tpu.matmul %slice3A_183, %get3A_188, %dot_general3A_189 {dimension_numbers = #tpu.dot_dimension_numbers<[1], [0], [0], [1], [0, 0, 1, 1], [], []>, transpose_lhs_hint = false} : vector<256x64xf32>, vector<64x1024xf32>, vector<256x1024xf32> -> vector<256x1024xf32>
    %add3A_191 = arith.addf %add3A_176, %dot_general3A_190 : vector<256x1024xf32>
    %get3A_192 = arith.constant 0 : index
    %get3A_193 = arith.constant 13 : index
    %get3A_194 = arith.constant 0 : index
    %get3A_195 = arith.constant 0 : index
    %get3A_196 = vector.load %arg2[%get3A_192, %get3A_193, %get3A_194, %get3A_195] : memref<1x16x256x128xf32, #tpu.memory_space<vmem>>, vector<1x1x256x128xf32>
    %get3A_197 = vector.shape_cast %get3A_196 : vector<1x1x256x128xf32> to vector<256x128xf32>
    %slice3A_198 = vector.extract_strided_slice %get3A_197 {offsets = [0, 0], sizes = [256, 64], strides = [1, 1]} : vector<256x128xf32> to vector<256x64xf32>
    %get3A_199 = arith.constant 13 : index
    %get3A_200 = arith.constant 0 : index
    %get3A_201 = arith.constant 0 : index
    %get3A_202 = vector.load %arg4[%get3A_199, %get3A_200, %get3A_201] : memref<16x64x1024xf32, #tpu.memory_space<vmem>>, vector<1x64x1024xf32>
    %get3A_203 = vector.shape_cast %get3A_202 : vector<1x64x1024xf32> to vector<64x1024xf32>
    %dot_general3A_204 = arith.constant dense<0.000000e+00> : vector<256x1024xf32>
    %dot_general3A_205 = tpu.matmul %slice3A_198, %get3A_203, %dot_general3A_204 {dimension_numbers = #tpu.dot_dimension_numbers<[1], [0], [0], [1], [0, 0, 1, 1], [], []>, transpose_lhs_hint = false} : vector<256x64xf32>, vector<64x1024xf32>, vector<256x1024xf32> -> vector<256x1024xf32>
    %add3A_206 = arith.addf %add3A_191, %dot_general3A_205 : vector<256x1024xf32>
    %get3A_207 = arith.constant 0 : index
    %get3A_208 = arith.constant 14 : index
    %get3A_209 = arith.constant 0 : index
    %get3A_210 = arith.constant 0 : index
    %get3A_211 = vector.load %arg2[%get3A_207, %get3A_208, %get3A_209, %get3A_210] : memref<1x16x256x128xf32, #tpu.memory_space<vmem>>, vector<1x1x256x128xf32>
    %get3A_212 = vector.shape_cast %get3A_211 : vector<1x1x256x128xf32> to vector<256x128xf32>
    %slice3A_213 = vector.extract_strided_slice %get3A_212 {offsets = [0, 0], sizes = [256, 64], strides = [1, 1]} : vector<256x128xf32> to vector<256x64xf32>
    %get3A_214 = arith.constant 14 : index
    %get3A_215 = arith.constant 0 : index
    %get3A_216 = arith.constant 0 : index
    %get3A_217 = vector.load %arg4[%get3A_214, %get3A_215, %get3A_216] : memref<16x64x1024xf32, #tpu.memory_space<vmem>>, vector<1x64x1024xf32>
    %get3A_218 = vector.shape_cast %get3A_217 : vector<1x64x1024xf32> to vector<64x1024xf32>
    %dot_general3A_219 = arith.constant dense<0.000000e+00> : vector<256x1024xf32>
    %dot_general3A_220 = tpu.matmul %slice3A_213, %get3A_218, %dot_general3A_219 {dimension_numbers = #tpu.dot_dimension_numbers<[1], [0], [0], [1], [0, 0, 1, 1], [], []>, transpose_lhs_hint = false} : vector<256x64xf32>, vector<64x1024xf32>, vector<256x1024xf32> -> vector<256x1024xf32>
    %add3A_221 = arith.addf %add3A_206, %dot_general3A_220 : vector<256x1024xf32>
    %get3A_222 = arith.constant 0 : index
    %get3A_223 = arith.constant 15 : index
    %get3A_224 = arith.constant 0 : index
    %get3A_225 = arith.constant 0 : index
    %get3A_226 = vector.load %arg2[%get3A_222, %get3A_223, %get3A_224, %get3A_225] : memref<1x16x256x128xf32, #tpu.memory_space<vmem>>, vector<1x1x256x128xf32>
    %get3A_227 = vector.shape_cast %get3A_226 : vector<1x1x256x128xf32> to vector<256x128xf32>
    %slice3A_228 = vector.extract_strided_slice %get3A_227 {offsets = [0, 0], sizes = [256, 64], strides = [1, 1]} : vector<256x128xf32> to vector<256x64xf32>
    %get3A_229 = arith.constant 15 : index
    %get3A_230 = arith.constant 0 : index
    %get3A_231 = arith.constant 0 : index
    %get3A_232 = vector.load %arg4[%get3A_229, %get3A_230, %get3A_231] : memref<16x64x1024xf32, #tpu.memory_space<vmem>>, vector<1x64x1024xf32>
    %get3A_233 = vector.shape_cast %get3A_232 : vector<1x64x1024xf32> to vector<64x1024xf32>
    %dot_general3A_234 = arith.constant dense<0.000000e+00> : vector<256x1024xf32>
    %dot_general3A_235 = tpu.matmul %slice3A_228, %get3A_233, %dot_general3A_234 {dimension_numbers = #tpu.dot_dimension_numbers<[1], [0], [0], [1], [0, 0, 1, 1], [], []>, transpose_lhs_hint = false} : vector<256x64xf32>, vector<64x1024xf32>, vector<256x1024xf32> -> vector<256x1024xf32>
    %add3A_236 = arith.addf %add3A_221, %dot_general3A_235 : vector<256x1024xf32>
    %get3A_237 = arith.constant 0 : index
    %get3A_238 = arith.constant 0 : index
    %get3A_239 = arith.constant 0 : index
    %get3A_240 = vector.load %arg3[%get3A_237, %get3A_238, %get3A_239] : memref<1x256x1024xf32, #tpu.memory_space<vmem>>, vector<1x256x1024xf32>
    %get3A_241 = vector.shape_cast %get3A_240 : vector<1x256x1024xf32> to vector<256x1024xf32>
    %add3A_242 = arith.addf %add3A_236, %get3A_241 : vector<256x1024xf32>
    %get3A_243 = arith.constant 0 : index
    %get3A_244 = arith.constant 0 : index
    %get3A_245 = vector.load %arg5[%get3A_243, %get3A_244] : memref<1x1024xf32, #tpu.memory_space<vmem>>, vector<1x1024xf32>
    %get3A_246 = vector.shape_cast %get3A_245 : vector<1x1024xf32> to vector<1024xf32>
    %get3A_247 = arith.constant 0 : index
    %get3A_248 = arith.constant 0 : index
    %get3A_249 = vector.load %arg6[%get3A_247, %get3A_248] : memref<1x1024xf32, #tpu.memory_space<vmem>>, vector<1x1024xf32>
    %get3A_250 = vector.shape_cast %get3A_249 : vector<1x1024xf32> to vector<1024xf32>
    %reduce_sum3A = arith.constant dense<0.000000e+00> : vector<256xf32>
    %reduce_sum3A_251 = vector.multi_reduction <add>, %add3A_242, %reduce_sum3A [1] : vector<256x1024xf32> to vector<256xf32>
    %broadcast_in_dim3A_252 = vector.shape_cast %reduce_sum3A_251 : vector<256xf32> to vector<256x1xf32>
    %div3A = arith.constant 1.024000e+03 : f32
    %div3A_253 = vector.broadcast %div3A : f32 to vector<256x1xf32>
    %div3A_254 = arith.divf %broadcast_in_dim3A_252, %div3A_253 : vector<256x1xf32>
    %sub3A = vector.broadcast %div3A_254 : vector<256x1xf32> to vector<256x1024xf32>
    %sub3A_255 = arith.subf %add3A_242, %sub3A : vector<256x1024xf32>
    %integer_pow3A = arith.mulf %sub3A_255, %sub3A_255 : vector<256x1024xf32>
    %reduce_sum3A_256 = arith.constant dense<0.000000e+00> : vector<256xf32>
    %reduce_sum3A_257 = vector.multi_reduction <add>, %integer_pow3A, %reduce_sum3A_256 [1] : vector<256x1024xf32> to vector<256xf32>
    %broadcast_in_dim3A_258 = vector.shape_cast %reduce_sum3A_257 : vector<256xf32> to vector<256x1xf32>
    %div3A_259 = arith.constant 1.024000e+03 : f32
    %div3A_260 = vector.broadcast %div3A_259 : f32 to vector<256x1xf32>
    %div3A_261 = arith.divf %broadcast_in_dim3A_258, %div3A_260 : vector<256x1xf32>
    %sub3A_262 = vector.broadcast %div3A_254 : vector<256x1xf32> to vector<256x1024xf32>
    %sub3A_263 = arith.subf %add3A_242, %sub3A_262 : vector<256x1024xf32>
    %add3A_264 = arith.constant 9.99999996E-13 : f32
    %add3A_265 = vector.broadcast %add3A_264 : f32 to vector<256x1xf32>
    %add3A_266 = arith.addf %div3A_261, %add3A_265 : vector<256x1xf32>
    %sqrt3A = math.sqrt %add3A_266 : vector<256x1xf32>
    %div3A_267 = vector.broadcast %sqrt3A : vector<256x1xf32> to vector<256x1024xf32>
    %div3A_268 = arith.divf %sub3A_263, %div3A_267 : vector<256x1024xf32>
    %broadcast_in_dim3A_269 = vector.shape_cast %get3A_246 : vector<1024xf32> to vector<1x1024xf32>
    %mul3A = vector.broadcast %broadcast_in_dim3A_269 : vector<1x1024xf32> to vector<256x1024xf32>
    %mul3A_270 = arith.mulf %div3A_268, %mul3A : vector<256x1024xf32>
    %broadcast_in_dim3A_271 = vector.shape_cast %get3A_250 : vector<1024xf32> to vector<1x1024xf32>
    %add3A_272 = vector.broadcast %broadcast_in_dim3A_271 : vector<1x1024xf32> to vector<256x1024xf32>
    %add3A_273 = arith.addf %mul3A_270, %add3A_272 : vector<256x1024xf32>
    %get3A_274 = arith.constant 0 : index
    %get3A_275 = arith.constant 0 : index
    %get3A_276 = vector.load %arg7[%get3A_274, %get3A_275] : memref<1024x4096xf32, #tpu.memory_space<vmem>>, vector<1024x4096xf32>
    %dot_general3A_277 = arith.constant dense<0.000000e+00> : vector<256x4096xf32>
    %dot_general3A_278 = tpu.matmul %add3A_273, %get3A_276, %dot_general3A_277 {dimension_numbers = #tpu.dot_dimension_numbers<[1], [0], [0], [1], [0, 0, 1, 1], [], []>, transpose_lhs_hint = false} : vector<256x1024xf32>, vector<1024x4096xf32>, vector<256x4096xf32> -> vector<256x4096xf32>
    %get3A_279 = arith.constant 0 : index
    %get3A_280 = arith.constant 0 : index
    %get3A_281 = vector.load %arg8[%get3A_279, %get3A_280] : memref<1x4096xf32, #tpu.memory_space<vmem>>, vector<1x4096xf32>
    %get3A_282 = vector.shape_cast %get3A_281 : vector<1x4096xf32> to vector<4096xf32>
    %broadcast_in_dim3A_283 = vector.shape_cast %get3A_282 : vector<4096xf32> to vector<1x4096xf32>
    %add3A_284 = vector.broadcast %broadcast_in_dim3A_283 : vector<1x4096xf32> to vector<256x4096xf32>
    %add3A_285 = arith.addf %dot_general3A_278, %add3A_284 : vector<256x4096xf32>
    %integer_pow3A_286 = arith.mulf %add3A_285, %add3A_285 : vector<256x4096xf32>
    %integer_pow3A_287 = arith.mulf %add3A_285, %integer_pow3A_286 : vector<256x4096xf32>
    %mul3A_288 = arith.constant 4.471500e-02 : f32
    %mul3A_289 = vector.broadcast %mul3A_288 : f32 to vector<256x4096xf32>
    %mul3A_290 = arith.mulf %mul3A_289, %integer_pow3A_287 : vector<256x4096xf32>
    %add3A_291 = arith.addf %add3A_285, %mul3A_290 : vector<256x4096xf32>
    %mul3A_292 = arith.constant 0.797884583 : f32
    %mul3A_293 = vector.broadcast %mul3A_292 : f32 to vector<256x4096xf32>
    %mul3A_294 = arith.mulf %mul3A_293, %add3A_291 : vector<256x4096xf32>
    %tanh3A = math.tanh %mul3A_294 : vector<256x4096xf32>
    %add3A_295 = arith.constant 1.000000e+00 : f32
    %add3A_296 = vector.broadcast %add3A_295 : f32 to vector<256x4096xf32>
    %add3A_297 = arith.addf %add3A_296, %tanh3A : vector<256x4096xf32>
    %mul3A_298 = arith.constant 5.000000e-01 : f32
    %mul3A_299 = vector.broadcast %mul3A_298 : f32 to vector<256x4096xf32>
    %mul3A_300 = arith.mulf %mul3A_299, %add3A_297 : vector<256x4096xf32>
    %mul3A_301 = arith.mulf %add3A_285, %mul3A_300 : vector<256x4096xf32>
    %get3A_302 = arith.constant 0 : index
    %get3A_303 = arith.constant 0 : index
    %get3A_304 = vector.load %arg9[%get3A_302, %get3A_303] : memref<4096x1024xf32, #tpu.memory_space<vmem>>, vector<4096x1024xf32>
    %dot_general3A_305 = arith.constant dense<0.000000e+00> : vector<256x1024xf32>
    %dot_general3A_306 = tpu.matmul %mul3A_301, %get3A_304, %dot_general3A_305 {dimension_numbers = #tpu.dot_dimension_numbers<[1], [0], [0], [1], [0, 0, 1, 1], [], []>, transpose_lhs_hint = false} : vector<256x4096xf32>, vector<4096x1024xf32>, vector<256x1024xf32> -> vector<256x1024xf32>
    %get3A_307 = arith.constant 0 : index
    %get3A_308 = arith.constant 0 : index
    %get3A_309 = vector.load %arg10[%get3A_307, %get3A_308] : memref<1x1024xf32, #tpu.memory_space<vmem>>, vector<1x1024xf32>
    %get3A_310 = vector.shape_cast %get3A_309 : vector<1x1024xf32> to vector<1024xf32>
    %broadcast_in_dim3A_311 = vector.shape_cast %get3A_310 : vector<1024xf32> to vector<1x1024xf32>
    %add3A_312 = vector.broadcast %broadcast_in_dim3A_311 : vector<1x1024xf32> to vector<256x1024xf32>
    %add3A_313 = arith.addf %dot_general3A_306, %add3A_312 : vector<256x1024xf32>
    %add3A_314 = arith.addf %add3A_313, %add3A_242 : vector<256x1024xf32>
    %swap3A = arith.constant 0 : index
    %swap3A_315 = arith.constant 0 : index
    %swap3A_316 = arith.constant 0 : index
    %swap3A_317 = vector.load %arg11[%swap3A, %swap3A_315, %swap3A_316] : memref<1x256x1024xf32, #tpu.memory_space<vmem>>, vector<1x256x1024xf32>
    %swap3A_318 = vector.shape_cast %swap3A_317 : vector<1x256x1024xf32> to vector<256x1024xf32>
    %swap3A_319 = vector.shape_cast %add3A_314 : vector<256x1024xf32> to vector<1x256x1024xf32>
    tpu.vector_store %arg11[%swap3A, %swap3A_315, %swap3A_316], %swap3A_319 {strides = array<i32>} : memref<1x256x1024xf32, #tpu.memory_space<vmem>>, vector<1x256x1024xf32>,
    return
  }
  func.func @transform_0(%arg0: i32, %arg1: i32) -> (i32, i32, i32, i32) {
    %c0_i32 = arith.constant 0 : i32
    %c0_i32_0 = arith.constant 0 : i32
    %c0_i32_1 = arith.constant 0 : i32
    return %arg0, %c0_i32, %arg1, %c0_i32_0 : i32, i32, i32, i32
  }
  func.func @transform_1(%arg0: i32, %arg1: i32) -> (i32, i32, i32) {
    %c0_i32 = arith.constant 0 : i32
    %c0_i32_0 = arith.constant 0 : i32
    return %arg0, %arg1, %c0_i32 : i32, i32, i32
  }
  func.func @transform_2(%arg0: i32, %arg1: i32) -> (i32, i32, i32) {
    %c0_i32 = arith.constant 0 : i32
    %c0_i32_0 = arith.constant 0 : i32
    %c0_i32_1 = arith.constant 0 : i32
    %c0_i32_2 = arith.constant 0 : i32
    return %c0_i32, %c0_i32_0, %c0_i32_1 : i32, i32, i32
  }
  func.func @transform_3(%arg0: i32, %arg1: i32) -> (i32, i32) {
    %c0_i32 = arith.constant 0 : i32
    %c0_i32_0 = arith.constant 0 : i32
    %c0_i32_1 = arith.constant 0 : i32
    return %c0_i32, %c0_i32_0 : i32, i32
  }
  func.func @transform_4(%arg0: i32, %arg1: i32) -> (i32, i32) {
    %c0_i32 = arith.constant 0 : i32
    %c0_i32_0 = arith.constant 0 : i32
    %c0_i32_1 = arith.constant 0 : i32
    return %c0_i32, %c0_i32_0 : i32, i32
  }
  func.func @transform_5(%arg0: i32, %arg1: i32) -> (i32, i32) {
    %c0_i32 = arith.constant 0 : i32
    %c0_i32_0 = arith.constant 0 : i32
    %c0_i32_1 = arith.constant 0 : i32
    return %c0_i32, %c0_i32_0 : i32, i32
  }
  func.func @transform_6(%arg0: i32, %arg1: i32) -> (i32, i32) {
    %c0_i32 = arith.constant 0 : i32
    %c0_i32_0 = arith.constant 0 : i32
    %c0_i32_1 = arith.constant 0 : i32
    return %c0_i32, %c0_i32_0 : i32, i32
  }
  func.func @transform_7(%arg0: i32, %arg1: i32) -> (i32, i32) {
    %c0_i32 = arith.constant 0 : i32
    %c0_i32_0 = arith.constant 0 : i32
    %c0_i32_1 = arith.constant 0 : i32
    return %c0_i32, %c0_i32_0 : i32, i32
  }
  func.func @transform_8(%arg0: i32, %arg1: i32) -> (i32, i32) {
    %c0_i32 = arith.constant 0 : i32
    %c0_i32_0 = arith.constant 0 : i32
    %c0_i32_1 = arith.constant 0 : i32
    return %c0_i32, %c0_i32_0 : i32, i32
  }
  func.func @transform_9(%arg0: i32, %arg1: i32) -> (i32, i32, i32) {
    %c0_i32 = arith.constant 0 : i32
    %c0_i32_0 = arith.constant 0 : i32
    return %arg0, %arg1, %c0_i32 : i32, i32, i32
  }
}

</mosaic_0001>

<sc_bundles>
// kernel: kernel.11.cloned.1.call-start
scs
__scs_entry_jumppad:
0x0: {  	(pc) =	sbr.rel $0x88, $3  }
0x1: {  	(tag) =	ssettag $0x0;
	lr =	simm.s32 $0x1  }
0x2: {  	[smem:$0x3F94] =	sst lr;
	_ =	strace $0xD0000000  }
0x3: {  	_ = 	snop  }
0x4: {  	_ = 	snop  }
0x5: {  	_ = 	snop  }
0x6: {  	_ = 	snop  }
0x7: {  	_ = 	snop  }
__scs_overlays_trampoline_lowered:
0x8: {  	[smem:$0x3FA3] =	sst s0  }
0x9: {  	[smem:$0x3FA4] =	sst s1  }
0xa: {  	[smem:$0x3FA5] =	sst s2  }
0xb: {  	[smem:$0x3FA6] =	sst s3  }
0xc: {  	[smem:$0x3FA7] =	sst s4  }
0xd: {  	[smem:$0x3FA8] =	sst s5  }
0xe: {  	[smem:$0x3FA9] =	sst s6  }
0xf: {  	[smem:$0x3FAA] =	sst s7  }
0x10: {  	[smem:$0x3FAB] =	sst s8  }
0x11: {  	[smem:$0x3FAC] =	sst s9;
	s0 =	simm.s32 @!p0 $0x0  }
0x12: {  	s1 =	sld [smem:$0x3F92];
	s0 =	simm.s32 @p0 $0x1  }
0x13: {  	[smem:$0x3FAD] =	sst s0;
	s0 =	simm.s32 @!p1 $0x0  }
0x14: {  	s2 =	sld [smem:$0x3F91];
	s0 =	simm.s32 @p1 $0x1  }
0x15: {  	[smem:$0x3FAE] =	sst s0;
	s0 =	simm.s32 @!p2 $0x0  }
0x16: {  	s3 =	sld [smem:$0x3FDB];
	s0 =	simm.s32 @p2 $0x1  }
0x17: {  	s4 =	simm.s32 $0x1BF5;
	[smem:$0x3FB0] =	sst s0  }
0x18: {  	s0 =	sld [smem:$0x3F93];
	_ =	swait.ge [sflag:s4], $0x0  }
0x19: {  	s7 =	sld [smem:$0x3F94]  }
0x1a: {  	s8 =	sadd.s32 $0xFFFFE003, lr  }
0x1b: {  	s9 =	sadd.s32 $0xFFFFFEF7, lr;
	s5 =	simm.s32 $0xFFFFFFFF;
	p2 =	slt.u32 s8, $0xFFFFF086  }
0x1c: {  	p1 =	slt.u32 s9, $0xF7A;
	s5 =	simm.s32 @!p2 $0x0  }
0x1d: {  	s5 =	simm.s32 @p1 $0x1;
	p0 =	seq.s32 s7, s2  }
0x1e: {  	s7 =	smul.u32 @!p0 $0xF7A, s2;
	p2 =	seq.s32 @!p0 s5, $0x0  }
0x1f: {  	s9 =	smul.u32 $0xF7A, s1;
	s8 =	simm.s32 @!p0 $0x1BF5;
	p2 =	por !p2, p0  }
0x20: {  	[sflag:s8] =	ssyncset.s32 @!p0 $0xFFFFF086;
	s6 =	sadd.s32 @!p0 s3, s7;
	s7 =	simm.s32 @!p0 $0x108  }
0x21: {  	s3 =	sadd.s32 s3, s9;
	s6 =	sadd.s32 @!p0 $0x88, s6;
	s7 =	simm.s32 @p2 $0x1082  }
0x22: {  	[simem:s7], [sflag:s8] =	dma.local @!p0 [hbm:s6], $0xF7A  }
0x23: {  	s9 =	sor.u32 $0xD0000000, s2;
	s6 =	simm.s32 $0x108;
	_ =	swait.ge @!p0 [sflag:s8], $0x0  }
0x24: {  	s3 =	sadd.s32 $0x88, s3;
	s6 =	simm.s32 @!p1 $0x1082;
	[sflag:s4] =	ssyncset.s32 $0xFFFFF086  }
0x25: {  	[simem:s6], [sflag:s4] =	dma.local [hbm:s3], $0xF7A  }
0x26: {  	[smem:$0x3F94] =	sst s1;
	(tag) =	ssettag s2;
	_ =	strace s9  }
0x27: {  	s1 =	sld [smem:$0x3FA4]  }
0x28: {  	s2 =	sld [smem:$0x3FA5]  }
0x29: {  	s4 =	sld [smem:$0x3FA7]  }
0x2a: {  	p0 =	seq.s32 s5, $0x0;
	s5 =	sld [smem:$0x3FA8]  }
0x2b: {  	s6 =	sld [smem:$0x3FA9]  }
0x2c: {  	s7 =	sld [smem:$0x3FAA]  }
0x2d: {  	s3 =	simm.s32 $0x108;
	s8 =	sld [smem:$0x3FAB]  }
0x2e: {  	s3 =	simm.s32 @!p0 $0x1082;
	s9 =	sld [smem:$0x3FAC]  }
0x2f: {  	lr =	sadd.s32 s0, s3;
	s0 =	sld [smem:$0x3FA3]  }
0x30: {  	s3 =	sld [smem:$0x3FA6]  }
0x31: {  	[smem:$0x3FAF] =	sst s10  }
0x32: {  	s10 =	sld [smem:$0x3FAD];
	_ =	sdelay $0x3  }
0x33: {  	p0 =	seq.s32 s10, $0x1;
	s10 =	sld [smem:$0x3FAF];
	_ =	sdelay $0x3  }
0x34: {  	[smem:$0x3FAF] =	sst s10  }
0x35: {  	s10 =	sld [smem:$0x3FAE];
	_ =	sdelay $0x3  }
0x36: {  	p1 =	seq.s32 s10, $0x1;
	s10 =	sld [smem:$0x3FAF];
	_ =	sdelay $0x3  }
0x37: {  	[smem:$0x3FAF] =	sst s10  }
0x38: {  	s10 =	sld [smem:$0x3FB0]  }
0x39: {  	_ = 	snop;
	(pc) =	sbr.ind lr, $3  }
0x3a: {  	_ = 	snop  }
0x3b: {  	_ = 	snop  }
0x3c: {  	p2 =	seq.s32 s10, $0x1;
	s10 =	sld [smem:$0x3FAF]  }
0x3d: {  	_ =	shalt  }
0x3e: {  	_ =	shalt  }
0x3f: {  	_ =	shalt  }
0x40: {  	_ =	shalt  }
0x41: {  	_ =	shalt  }
0x42: {  	_ =	shalt  }
0x43: {  	_ =	shalt  }
0x44: {  	_ =	shalt  }
0x45: {  	_ =	shalt  }
0x46: {  	_ =	shalt  }
0x47: {  	_ =	shalt  }
0x48: {  	_ =	shalt  }
0x49: {  	_ =	shalt  }
0x4a: {  	_ =	shalt  }
0x4b: {  	_ =	shalt  }
0x4c: {  	_ =	shalt  }
0x4d: {  	_ =	shalt  }
0x4e: {  	_ =	shalt  }
0x4f: {  	_ =	shalt  }
0x50: {  	_ =	shalt  }
0x51: {  	_ =	shalt  }
0x52: {  	_ =	shalt  }
0x53: {  	_ =	shalt  }
0x54: {  	_ =	shalt  }
0x55: {  	_ =	shalt  }
0x56: {  	_ =	shalt  }
0x57: {  	_ =	shalt  }
0x58: {  	_ =	shalt  }
0x59: {  	_ =	shalt  }
0x5a: {  	_ =	shalt  }
0x5b: {  	_ =	shalt  }
0x5c: {  	_ =	shalt  }
0x5d: {  	_ =	shalt  }
0x5e: {  	_ =	shalt  }
0x5f: {  	_ =	shalt  }
0x60: {  	_ =	shalt  }
0x61: {  	_ =	shalt  }
0x62: {  	_ =	shalt  }
0x63: {  	_ =	shalt  }
0x64: {  	_ =	shalt  }
0x65: {  	_ =	shalt  }
0x66: {  	_ =	shalt  }
0x67: {  	_ =	shalt  }
0x68: {  	_ =	shalt  }
0x69: {  	_ =	shalt  }
0x6a: {  	_ =	shalt  }
0x6b: {  	_ =	shalt  }
0x6c: {  	_ =	shalt  }
0x6d: {  	_ =	shalt  }
0x6e: {  	_ =	shalt  }
0x6f: {  	_ =	shalt  }
0x70: {  	_ =	shalt  }
0x71: {  	_ =	shalt  }
0x72: {  	_ =	shalt  }
0x73: {  	_ =	shalt  }
0x74: {  	_ =	shalt  }
0x75: {  	_ =	shalt  }
0x76: {  	_ =	shalt  }
0x77: {  	_ =	shalt  }
0x78: {  	_ =	shalt  }
0x79: {  	_ =	shalt  }
0x7a: {  	_ =	shalt  }
0x7b: {  	_ =	shalt  }
0x7c: {  	_ =	shalt  }
0x7d: {  	_ =	shalt  }
0x7e: {  	_ =	shalt  }
0x7f: {  	_ =	shalt  }
0x80: {  	_ =	shalt  }
0x81: {  	_ =	shalt  }
0x82: {  	_ =	shalt  }
0x83: {  	_ =	shalt  }
0x84: {  	_ =	shalt  }
0x85: {  	_ =	shalt  }
0x86: {  	_ =	shalt  }
0x87: {  	_ =	shalt  }
.Lfunc_end0:
.L_simem_size_0:
called_computation.1_lowered:
.L_overlay_start_0:
0x88: {  	s2 =	sld [smem:$0x3FD9]  }
0x89: {  	s3 =	sld [smem:$0x3FFE];
	_ =	sdelay $0x1  }
0x8a: {  	s1 =	srdreg.scid  }
0x8b: {  	s0 =	sand.u32 $0x1, s1  }
0x8c: {  	s17 =	sshll.u32 s0, $0xA;
	s2 =	sadd.s32 s3, s2  }
0x8d: {  	s2 =	sadd.s32 s2, s17  }
0x8e: {  	[smem:$0x3FBB] =	sst s2  }
0x8f: {  	_ = 	snop  }
0x90: {  	s2 =	sld [smem:$0x3FD0];
	(tm) =	ssettm $0x1  }
0x91: {  	s18 =	sld [smem:$0x3FFB];
	_ =	sdelay $0x3  }
0x92: {  	_ =	strace s18  }
0x93: {  	s3 =	sld [smem:$0x3FFC];
	_ =	sdelay $0x3  }
0x94: {  	_ =	strace s3  }
0x95: {  	s3 =	sld [smem:$0x3FFD];
	_ =	sdelay $0x3  }
0x96: {  	_ =	strace s3  }
0x97: {  	_ =	strace $0x8FFFFFFF  }
0x98: {  	s19 =	sld [smem:$0x3FDB];
	_ =	sdelay $0x1  }
0x99: {  	s4 =	simm.s32 $_scs_section_size  }
0x9a: {  	s5 =	simm.s32 $_size__tile_overlayer_lowered;
	s6 =	simm.s32 $_tile_overlayer_lowered  }
0x9b: {  	s22 =	simm.s32 $0x1BFF;
	s21 =	sshll.u32 s6, $0x1;
	s3 =	sadd.s32 s4, s19  }
0x9c: {  	s7 =	simm.s32 $0x0;
	s20 =	sshll.u32 s5, $0x1;
	s5 =	sadd.s32 s21, s3  }
0x9d: {  	[timem:s7], [sflag:s22] =	dma.local [hbm:s5], s20  }
0x9e: {  	_ =	swait.ge [sflag:s22], s20  }
0x9f: {  	s4 =	ssub.s32 $0x0, s20;
	[sflag:s22] =	ssyncset.done $0x0  }
0xa0: {  	[sflag:s22] =	ssyncadd.s32 s4;
	_ =	sdelay $0x1  }
0xa1: {  	s23 =	simm.s32 $0x1B8B  }
0xa2: {  	_ =	swait.ge [sflag:s23], $0x1  }
0xa3: {  	[sflag:s23] =	ssyncset.done $0x0  }
0xa4: {  	s25 =	simm.s32 $0x1B8E;
	s24 =	sld [smem:$0x3FFE];
	[sflag:s23] =	ssyncadd.s32 $0xFFFFFFFF  }
0xa5: {  	s26 =	simm.s32 $execute0_lowered;
	[smem:$0x3FD2] =	sst s25  }
0xa6: {  	s5 =	sshll.u32 s26, $0x1;
	_ =	strace $0x80000049;
	[dreg:$0x1] =	wrdreg $0xFFFFFFFF  }
0xa7: {  	s28 =	simm.s32 $_size_execute0_lowered;
	s3 =	sadd.s32 s3, s5;
	[dreg:$0x0] =	wrdreg $0x0  }
0xa8: {  	s5 =	sshll.u32 s28, $0x1;
	[dreg:$0x2] =	wrdreg s3  }
0xa9: {  	[dreg:$0x3] =	wrdreg s5  }
0xaa: {  	[dreg:$0x4] =	wrdreg $0xC0  }
0xab: {  	_ =	task [dreg:s7], $0x5FFFF  }
0xac: {  	[dreg:$0x1] =	wrdreg $0xFFFFFFFF  }
0xad: {  	[dreg:$0x0] =	wrdreg $0x60  }
0xae: {  	[dreg:$0x2] =	wrdreg s24  }
0xaf: {  	[dreg:$0x3] =	wrdreg s2  }
0xb0: {  	[dreg:$0x4] =	wrdreg $0x9  }
0xb1: {  	_ =	task.clear_ibuf [dreg:s7], $0x5FFFF;
	_ =	strace $0x90000049  }
0xb2: {  	s29 =	simm.s32 $0x9;
	_ =	strace $0x8000004B  }
0xb3: {  	_ =	swait.ge [sflag:s29], $0x1  }
0xb4: {  	[sflag:s29] =	ssyncadd.s32 $0xFFFFFFFF  }
0xb5: {  	_ =	strace $0x9000004B  }
0xb6: {  	_ =	sfence  }
0xb7: {  	s30 =	sld [smem:$0x0];
	_ =	sdelay $0x2  }
0xb8: {  	s31 =	sshll.u32 s1, $0xD;
	s1 =	sshrl.u32 s1, $0x2  }
0xb9: {  	s3 =	sand.u32 $0x4000, s31;
	s1 =	sadd.s32 s1, s30  }
0xba: {  	s0 =	sor.u32 s3, s0;
	s1 =	sshll.u32 s1, $0x11  }
0xbb: {  	s0 =	sor.u32 s1, s0  }
0xbc: {  	s0 =	sadd.s32 $0x8F2B, s0  }
0xbd: {  	[sflag:s0] =	ssyncadd.remote.s32 $0x1  }
0xbe: {  	_ =	sfence.sel $0xFFFF  }
0xbf: {  	[dreg:$0x0] =	wrdreg $0xFFFFFFFF;
	(pc) =	sbr.abs _section_cstart, $3  }
0xc0: {  	[dreg:$0x1] =	wrdreg $0xFFFFFFFF  }
0xc1: {  	_ =	task.clear_ibuf [dreg:s7], $0x2FFFF;
	_ =	strace $0x9FFFFFFF  }
0xc2: {  	(tm) =	ssettm $0x7FFFFFFF  }
0xc3: {  	_ =	shalt  }
tec
execute0_lowered:
.L_overlay_start_1:
0x0: {  	(tag) =	ssettag $0x1  }
0x1: {  	s4 =	rddreg [dreg:$0x0]  }
0x2: {  	s5 =	rddreg [dreg:$0x1];
	s1 =	srdreg.scid  }
0x3: {  	s0 =	rddreg [dreg:$0x2];
	s2 =	simm.s32 $0x0;
	s10 =	simm.s32 $0x0  }
0x4: {  	s6 =	sand.u32 $0x1, s1;
	[smem:$0x7FF] =	sst s2;
	s1 =	stileid.u32  }
0x5: {  	s3 =	sadd.s32 $0x2200, s4;
	s7 =	ssub.s32 $0x2, s6;
	_ =	strace $0x8000004A  }
0x6: {  	s8 =	sshll.u32 s1, $0x12;
	s29 =	sshll.u32 s6, $0x11;
	s30 =	sshll.u32 s1, $0xB  }
0x7: {  	s6 =	sshll.u32 s6, $0xA;
	s9 =	sshrl.u32 s7, $0x1;
	s8 =	sadd.s32 s8, s4  }
0x8: {  	s31 =	sadd.s32 s30, s5;
	s28 =	ssub.s32 s7, s9;
	s7 =	sadd.s32 s29, s8  }
0x9: {  	s6 =	sadd.s32 s6, s31;
	s8 =	simm.s32 $0x80;
	s9 =	simm.s32 $0x1  }
0xa: {  	s4 =	smax.u32 s28, $0x1;
	s5 =	sadd.s32 $0x402200, s7;
	s7 =	simm.s32 $0x2  }
.LBB2_1:
0xb: {  	s11 =	sadd.s32 $0x0, s6  }
0xc: {  	[tilespmem:s2], [sflag:$0x2] =	stream.linear.gather [hbm4b:s11+s2], $0x80, $0x38;
	[tilespmem:$0x4080] =	vst v63  }
0xd: {  	_ =	swait.ge [sflag:s7], $0x80  }
0xe: {  	[sflag:s7] =	ssyncset.done $0x0  }
0xf: {  	[sflag:s7] =	ssyncadd.s32 $0xFFFFFF80  }
0x10: {  	[tilespmem:s8], [sflag:$0x1] =	stream.indirect.gather [hbm4b:s3+s8], $0x80, s2, s8, $0xb8;
	[tilespmem:$0x4080] =	vst v63  }
0x11: {  	_ =	swait.ge [sflag:s9], $0x4000  }
0x12: {  	[sflag:s9] =	ssyncset.done $0x0  }
0x13: {  	[sflag:s9] =	ssyncadd.s32 $0xFFFFC000  }
0x14: {  	[hbm4b:s5+s2] =	stream.linear.scatter [tilespmem:s8], [sflag:$0x2], $0x4000, $0x38;
	[tilespmem:$0x4080] =	vst v63  }
0x15: {  	s12 =	simm.s32 $0x10;
	_ =	swait.ge [sflag:s7], $0x4000  }
0x16: {  	s13 =	simm.s32 $0x20;
	s11 =	sadd.s32 $0x800, s5;
	[sflag:s7] =	ssyncset.done $0x0  }
.LBB2_2:
0x17: {  	s14 =	sadd.s32 s12, s6  }
0x18: {  	[sflag:s7] =	ssyncadd.s32 $0xFFFFC000;
	s12 =	smov.u32 s13;
	s15 =	sadd.s32 $0x10, s13  }
0x19: {  	[tilespmem:s2], [sflag:$0x2] =	stream.linear.gather [hbm4b:s14+s2], $0x80, $0x38;
	[tilespmem:$0x4080] =	vst v63  }
0x1a: {  	p0 =	sne.s32 s13, $0x3F0;
	_ =	swait.ge [sflag:s7], $0x80  }
0x1b: {  	[sflag:s7] =	ssyncset.done $0x0  }
0x1c: {  	[sflag:s7] =	ssyncadd.s32 $0xFFFFFF80  }
0x1d: {  	[tilespmem:s8], [sflag:$0x1] =	stream.indirect.gather [hbm4b:s3+s8], $0x80, s2, s8, $0xb8;
	[tilespmem:$0x4080] =	vst v63  }
0x1e: {  	_ =	swait.ge [sflag:s9], $0x4000  }
.Ltmp0:
0x1f: {  	[sflag:s9] =	ssyncset.done $0x0;
	(pc) =	sbr.rel @p0 .LBB2_2-.Ltmp0, $4  }
0x20: {  	[sflag:s9] =	ssyncadd.s32 $0xFFFFC000  }
0x21: {  	[hbm4b:s11+s2] =	stream.linear.scatter [tilespmem:s8], [sflag:$0x2], $0x4000, $0x38;
	[tilespmem:$0x4080] =	vst v63  }
0x22: {  	_ =	swait.ge [sflag:s7], $0x4000  }
0x23: {  	s13 =	smov.u32 s15;
	s11 =	sadd.s32 $0x800, s11;
	[sflag:s7] =	ssyncset.done $0x0  }
0x24: {  	s12 =	sadd.s32 s12, s6;
	[sflag:s7] =	ssyncadd.s32 $0xFFFFC000  }
0x25: {  	[tilespmem:s2], [sflag:$0x2] =	stream.linear.gather [hbm4b:s12+s2], $0x80, $0x38;
	[tilespmem:$0x4080] =	vst v63  }
0x26: {  	_ =	swait.ge [sflag:s7], $0x80  }
0x27: {  	[sflag:s7] =	ssyncset.done $0x0  }
0x28: {  	[sflag:s7] =	ssyncadd.s32 $0xFFFFFF80  }
0x29: {  	[tilespmem:s8], [sflag:$0x1] =	stream.indirect.gather [hbm4b:s3+s8], $0x80, s2, s8, $0xb8;
	[tilespmem:$0x4080] =	vst v63  }
0x2a: {  	s10 =	sadd.s32 $0x1, s10;
	_ =	swait.ge [sflag:s9], $0x4000  }
0x2b: {  	p0 =	sne.s32 s10, s4;
	[sflag:s9] =	ssyncset.done $0x0  }
.Ltmp1:
0x2c: {  	[sflag:s9] =	ssyncadd.s32 $0xFFFFC000;
	(pc) =	sbr.rel @p0 .LBB2_1-.Ltmp1, $4  }
0x2d: {  	[hbm4b:s11+s2] =	stream.linear.scatter [tilespmem:s8], [sflag:$0x2], $0x4000, $0x38;
	[tilespmem:$0x4080] =	vst v63  }
0x2e: {  	_ =	swait.ge [sflag:s7], $0x4000  }
0x2f: {  	[sflag:s7] =	ssyncset.done $0x0  }
0x30: {  	[sflag:s7] =	ssyncadd.s32 $0xFFFFC000  }
0x31: {  	_ =	sfence.sel $0x180000  }
0x32: {  	[bflag:$0x0] =	sbarrier.arrive $0xFFFF  }
0x33: {  	p0 =	sne.s32 s1, $0x0;
	_ =	strace $0x9000004A  }
0x34: {  	s0 =	sadd.s32 @!p0 $0x100000, s0;
	[bflag:$0x2] =	sbarrier.arrive $0xFFFF  }
0x35: {  	[sflag:s0] =	ssyncadd.tile.s32 @!p0 $0x1;
	_ =	shalt  }
.Lfunc_end2:
_tile_overlayer_lowered:
.L_overlay_start_2:
0x36: {  	(tag) =	ssettag $0x2  }
0x37: {  	s0 =	rddreg [dreg:$0x0];
	s2 =	stileid.u32  }
0x38: {  	s1 =	rddreg [dreg:$0x1];
	p0 =	sne.s32 s2, $0x0  }
0x39: {  	s3 =	rddreg [dreg:$0x2];
	[bflag:$0x3] =	sbarrier.arrive $0xFFFF;
	s2 =	simm.s32 @!p0 $0x1C02  }
0x3a: {  	[timem:s3], [sflag:s2] =	dma.local @!p0 [hbm:s0], s1  }
0x3b: {  	s0 =	simm.s32 @!p0 $0x2  }
0x3c: {  	_ =	swait.ge @!p0 [sflag:s0], s1  }
0x3d: {  	s1 =	ssub.s32 @!p0 $0x0, s1;
	[sflag:s0] =	ssyncset.done @!p0 $0x0  }
0x3e: {  	[sflag:s0] =	ssyncadd.s32 @!p0 s1  }
0x3f: {  	[bflag:$0x3] =	sbarrier.arrive $0xFFFF  }
0x40: {  	_ =	shalt  }

// kernel: kernel.8.cloned.1.call-start
scs
__scs_entry_jumppad:
0x0: {  	(pc) =	sbr.rel $0x88, $3  }
0x1: {  	(tag) =	ssettag $0x0;
	lr =	simm.s32 $0x1  }
0x2: {  	[smem:$0x3F94] =	sst lr;
	_ =	strace $0xD0000000  }
0x3: {  	_ = 	snop  }
0x4: {  	_ = 	snop  }
0x5: {  	_ = 	snop  }
0x6: {  	_ = 	snop  }
0x7: {  	_ = 	snop  }
__scs_overlays_trampoline_lowered:
0x8: {  	[smem:$0x3FA3] =	sst s0  }
0x9: {  	[smem:$0x3FA4] =	sst s1  }
0xa: {  	[smem:$0x3FA5] =	sst s2  }
0xb: {  	[smem:$0x3FA6] =	sst s3  }
0xc: {  	[smem:$0x3FA7] =	sst s4  }
0xd: {  	[smem:$0x3FA8] =	sst s5  }
0xe: {  	[smem:$0x3FA9] =	sst s6  }
0xf: {  	[smem:$0x3FAA] =	sst s7  }
0x10: {  	[smem:$0x3FAB] =	sst s8  }
0x11: {  	[smem:$0x3FAC] =	sst s9;
	s0 =	simm.s32 @!p0 $0x0  }
0x12: {  	s1 =	sld [smem:$0x3F92];
	s0 =	simm.s32 @p0 $0x1  }
0x13: {  	[smem:$0x3FAD] =	sst s0;
	s0 =	simm.s32 @!p1 $0x0  }
0x14: {  	s2 =	sld [smem:$0x3F91];
	s0 =	simm.s32 @p1 $0x1  }
0x15: {  	[smem:$0x3FAE] =	sst s0;
	s0 =	simm.s32 @!p2 $0x0  }
0x16: {  	s3 =	sld [smem:$0x3FDB];
	s0 =	simm.s32 @p2 $0x1  }
0x17: {  	s4 =	simm.s32 $0x1BF5;
	[smem:$0x3FB0] =	sst s0  }
0x18: {  	s0 =	sld [smem:$0x3F93];
	_ =	swait.ge [sflag:s4], $0x0  }
0x19: {  	s7 =	sld [smem:$0x3F94]  }
0x1a: {  	s8 =	sadd.s32 $0xFFFFE003, lr  }
0x1b: {  	s9 =	sadd.s32 $0xFFFFFEF7, lr;
	s5 =	simm.s32 $0xFFFFFFFF;
	p2 =	slt.u32 s8, $0xFFFFF086  }
0x1c: {  	p1 =	slt.u32 s9, $0xF7A;
	s5 =	simm.s32 @!p2 $0x0  }
0x1d: {  	s5 =	simm.s32 @p1 $0x1;
	p0 =	seq.s32 s7, s2  }
0x1e: {  	s7 =	smul.u32 @!p0 $0xF7A, s2;
	p2 =	seq.s32 @!p0 s5, $0x0  }
0x1f: {  	s9 =	smul.u32 $0xF7A, s1;
	s8 =	simm.s32 @!p0 $0x1BF5;
	p2 =	por !p2, p0  }
0x20: {  	[sflag:s8] =	ssyncset.s32 @!p0 $0xFFFFF086;
	s6 =	sadd.s32 @!p0 s3, s7;
	s7 =	simm.s32 @!p0 $0x108  }
0x21: {  	s3 =	sadd.s32 s3, s9;
	s6 =	sadd.s32 @!p0 $0x88, s6;
	s7 =	simm.s32 @p2 $0x1082  }
0x22: {  	[simem:s7], [sflag:s8] =	dma.local @!p0 [hbm:s6], $0xF7A  }
0x23: {  	s9 =	sor.u32 $0xD0000000, s2;
	s6 =	simm.s32 $0x108;
	_ =	swait.ge @!p0 [sflag:s8], $0x0  }
0x24: {  	s3 =	sadd.s32 $0x88, s3;
	s6 =	simm.s32 @!p1 $0x1082;
	[sflag:s4] =	ssyncset.s32 $0xFFFFF086  }
0x25: {  	[simem:s6], [sflag:s4] =	dma.local [hbm:s3], $0xF7A  }
0x26: {  	[smem:$0x3F94] =	sst s1;
	(tag) =	ssettag s2;
	_ =	strace s9  }
0x27: {  	s1 =	sld [smem:$0x3FA4]  }
0x28: {  	s2 =	sld [smem:$0x3FA5]  }
0x29: {  	s4 =	sld [smem:$0x3FA7]  }
0x2a: {  	p0 =	seq.s32 s5, $0x0;
	s5 =	sld [smem:$0x3FA8]  }
0x2b: {  	s6 =	sld [smem:$0x3FA9]  }
0x2c: {  	s7 =	sld [smem:$0x3FAA]  }
0x2d: {  	s3 =	simm.s32 $0x108;
	s8 =	sld [smem:$0x3FAB]  }
0x2e: {  	s3 =	simm.s32 @!p0 $0x1082;
	s9 =	sld [smem:$0x3FAC]  }
0x2f: {  	lr =	sadd.s32 s0, s3;
	s0 =	sld [smem:$0x3FA3]  }
0x30: {  	s3 =	sld [smem:$0x3FA6]  }
0x31: {  	[smem:$0x3FAF] =	sst s10  }
0x32: {  	s10 =	sld [smem:$0x3FAD];
	_ =	sdelay $0x3  }
0x33: {  	p0 =	seq.s32 s10, $0x1;
	s10 =	sld [smem:$0x3FAF];
	_ =	sdelay $0x3  }
0x34: {  	[smem:$0x3FAF] =	sst s10  }
0x35: {  	s10 =	sld [smem:$0x3FAE];
	_ =	sdelay $0x3  }
0x36: {  	p1 =	seq.s32 s10, $0x1;
	s10 =	sld [smem:$0x3FAF];
	_ =	sdelay $0x3  }
0x37: {  	[smem:$0x3FAF] =	sst s10  }
0x38: {  	s10 =	sld [smem:$0x3FB0]  }
0x39: {  	_ = 	snop;
	(pc) =	sbr.ind lr, $3  }
0x3a: {  	_ = 	snop  }
0x3b: {  	_ = 	snop  }
0x3c: {  	p2 =	seq.s32 s10, $0x1;
	s10 =	sld [smem:$0x3FAF]  }
0x3d: {  	_ =	shalt  }
0x3e: {  	_ =	shalt  }
0x3f: {  	_ =	shalt  }
0x40: {  	_ =	shalt  }
0x41: {  	_ =	shalt  }
0x42: {  	_ =	shalt  }
0x43: {  	_ =	shalt  }
0x44: {  	_ =	shalt  }
0x45: {  	_ =	shalt  }
0x46: {  	_ =	shalt  }
0x47: {  	_ =	shalt  }
0x48: {  	_ =	shalt  }
0x49: {  	_ =	shalt  }
0x4a: {  	_ =	shalt  }
0x4b: {  	_ =	shalt  }
0x4c: {  	_ =	shalt  }
0x4d: {  	_ =	shalt  }
0x4e: {  	_ =	shalt  }
0x4f: {  	_ =	shalt  }
0x50: {  	_ =	shalt  }
0x51: {  	_ =	shalt  }
0x52: {  	_ =	shalt  }
0x53: {  	_ =	shalt  }
0x54: {  	_ =	shalt  }
0x55: {  	_ =	shalt  }
0x56: {  	_ =	shalt  }
0x57: {  	_ =	shalt  }
0x58: {  	_ =	shalt  }
0x59: {  	_ =	shalt  }
0x5a: {  	_ =	shalt  }
0x5b: {  	_ =	shalt  }
0x5c: {  	_ =	shalt  }
0x5d: {  	_ =	shalt  }
0x5e: {  	_ =	shalt  }
0x5f: {  	_ =	shalt  }
0x60: {  	_ =	shalt  }
0x61: {  	_ =	shalt  }
0x62: {  	_ =	shalt  }
0x63: {  	_ =	shalt  }
0x64: {  	_ =	shalt  }
0x65: {  	_ =	shalt  }
0x66: {  	_ =	shalt  }
0x67: {  	_ =	shalt  }
0x68: {  	_ =	shalt  }
0x69: {  	_ =	shalt  }
0x6a: {  	_ =	shalt  }
0x6b: {  	_ =	shalt  }
0x6c: {  	_ =	shalt  }
0x6d: {  	_ =	shalt  }
0x6e: {  	_ =	shalt  }
0x6f: {  	_ =	shalt  }
0x70: {  	_ =	shalt  }
0x71: {  	_ =	shalt  }
0x72: {  	_ =	shalt  }
0x73: {  	_ =	shalt  }
0x74: {  	_ =	shalt  }
0x75: {  	_ =	shalt  }
0x76: {  	_ =	shalt  }
0x77: {  	_ =	shalt  }
0x78: {  	_ =	shalt  }
0x79: {  	_ =	shalt  }
0x7a: {  	_ =	shalt  }
0x7b: {  	_ =	shalt  }
0x7c: {  	_ =	shalt  }
0x7d: {  	_ =	shalt  }
0x7e: {  	_ =	shalt  }
0x7f: {  	_ =	shalt  }
0x80: {  	_ =	shalt  }
0x81: {  	_ =	shalt  }
0x82: {  	_ =	shalt  }
0x83: {  	_ =	shalt  }
0x84: {  	_ =	shalt  }
0x85: {  	_ =	shalt  }
0x86: {  	_ =	shalt  }
0x87: {  	_ =	shalt  }
.Lfunc_end0:
.L_simem_size_0:
called_computation_lowered:
.L_overlay_start_0:
0x88: {  	s2 =	sld [smem:$0x3FD9]  }
0x89: {  	s3 =	sld [smem:$0x3FFE];
	_ =	sdelay $0x1  }
0x8a: {  	s1 =	srdreg.scid  }
0x8b: {  	s0 =	sand.u32 $0x1, s1  }
0x8c: {  	s17 =	sshll.u32 s0, $0xA;
	s2 =	sadd.s32 s3, s2  }
0x8d: {  	s2 =	sadd.s32 s2, s17  }
0x8e: {  	[smem:$0x3FBB] =	sst s2  }
0x8f: {  	_ = 	snop  }
0x90: {  	s2 =	sld [smem:$0x3FD0];
	(tm) =	ssettm $0x1  }
0x91: {  	s18 =	sld [smem:$0x3FFB];
	_ =	sdelay $0x3  }
0x92: {  	_ =	strace s18  }
0x93: {  	s3 =	sld [smem:$0x3FFC];
	_ =	sdelay $0x3  }
0x94: {  	_ =	strace s3  }
0x95: {  	s3 =	sld [smem:$0x3FFD];
	_ =	sdelay $0x3  }
0x96: {  	_ =	strace s3  }
0x97: {  	_ =	strace $0x8FFFFFFF  }
0x98: {  	s19 =	sld [smem:$0x3FDB];
	_ =	sdelay $0x1  }
0x99: {  	s4 =	simm.s32 $_scs_section_size  }
0x9a: {  	s5 =	simm.s32 $_size__tile_overlayer_lowered;
	s6 =	simm.s32 $_tile_overlayer_lowered  }
0x9b: {  	s22 =	simm.s32 $0x1BFF;
	s21 =	sshll.u32 s6, $0x1;
	s3 =	sadd.s32 s4, s19  }
0x9c: {  	s7 =	simm.s32 $0x0;
	s20 =	sshll.u32 s5, $0x1;
	s5 =	sadd.s32 s21, s3  }
0x9d: {  	[timem:s7], [sflag:s22] =	dma.local [hbm:s5], s20  }
0x9e: {  	_ =	swait.ge [sflag:s22], s20  }
0x9f: {  	s4 =	ssub.s32 $0x0, s20;
	[sflag:s22] =	ssyncset.done $0x0  }
0xa0: {  	[sflag:s22] =	ssyncadd.s32 s4;
	_ =	sdelay $0x1  }
0xa1: {  	s23 =	simm.s32 $0x1B8B  }
0xa2: {  	_ =	swait.ge [sflag:s23], $0x1  }
0xa3: {  	[sflag:s23] =	ssyncset.done $0x0  }
0xa4: {  	s25 =	simm.s32 $0x1B8E;
	s24 =	sld [smem:$0x3FFE];
	[sflag:s23] =	ssyncadd.s32 $0xFFFFFFFF  }
0xa5: {  	s26 =	simm.s32 $execute0_lowered;
	[smem:$0x3FD2] =	sst s25  }
0xa6: {  	s5 =	sshll.u32 s26, $0x1;
	_ =	strace $0x80000046;
	[dreg:$0x1] =	wrdreg $0xFFFFFFFF  }
0xa7: {  	s28 =	simm.s32 $_size_execute0_lowered;
	s3 =	sadd.s32 s3, s5;
	[dreg:$0x0] =	wrdreg $0x0  }
0xa8: {  	s5 =	sshll.u32 s28, $0x1;
	[dreg:$0x2] =	wrdreg s3  }
0xa9: {  	[dreg:$0x3] =	wrdreg s5  }
0xaa: {  	[dreg:$0x4] =	wrdreg $0xC0  }
0xab: {  	_ =	task [dreg:s7], $0x5FFFF  }
0xac: {  	[dreg:$0x1] =	wrdreg $0xFFFFFFFF  }
0xad: {  	[dreg:$0x0] =	wrdreg $0x60  }
0xae: {  	[dreg:$0x2] =	wrdreg s24  }
0xaf: {  	[dreg:$0x3] =	wrdreg s2  }
0xb0: {  	[dreg:$0x4] =	wrdreg $0x9  }
0xb1: {  	_ =	task.clear_ibuf [dreg:s7], $0x5FFFF;
	_ =	strace $0x90000046  }
0xb2: {  	s29 =	simm.s32 $0x9;
	_ =	strace $0x80000048  }
0xb3: {  	_ =	swait.ge [sflag:s29], $0x1  }
0xb4: {  	[sflag:s29] =	ssyncadd.s32 $0xFFFFFFFF  }
0xb5: {  	_ =	strace $0x90000048  }
0xb6: {  	_ =	sfence  }
0xb7: {  	s30 =	sld [smem:$0x0];
	_ =	sdelay $0x2  }
0xb8: {  	s31 =	sshll.u32 s1, $0xD;
	s1 =	sshrl.u32 s1, $0x2  }
0xb9: {  	s3 =	sand.u32 $0x4000, s31;
	s1 =	sadd.s32 s1, s30  }
0xba: {  	s0 =	sor.u32 s3, s0;
	s1 =	sshll.u32 s1, $0x11  }
0xbb: {  	s0 =	sor.u32 s1, s0  }
0xbc: {  	s0 =	sadd.s32 $0x8F2B, s0  }
0xbd: {  	[sflag:s0] =	ssyncadd.remote.s32 $0x1  }
0xbe: {  	_ =	sfence.sel $0xFFFF  }
0xbf: {  	[dreg:$0x0] =	wrdreg $0xFFFFFFFF;
	(pc) =	sbr.abs _section_cstart, $3  }
0xc0: {  	[dreg:$0x1] =	wrdreg $0xFFFFFFFF  }
0xc1: {  	_ =	task.clear_ibuf [dreg:s7], $0x2FFFF;
	_ =	strace $0x9FFFFFFF  }
0xc2: {  	(tm) =	ssettm $0x7FFFFFFF  }
0xc3: {  	_ =	shalt  }
tec
execute0_lowered:
.L_overlay_start_1:
0x0: {  	(tag) =	ssettag $0x1  }
0x1: {  	s3 =	rddreg [dreg:$0x0]  }
0x2: {  	s5 =	rddreg [dreg:$0x1];
	s1 =	srdreg.scid  }
0x3: {  	s0 =	rddreg [dreg:$0x2];
	s2 =	simm.s32 $0x0;
	s10 =	simm.s32 $0x0  }
0x4: {  	s6 =	sand.u32 $0x1, s1;
	[smem:$0x7FF] =	sst s2;
	s1 =	stileid.u32  }
0x5: {  	s4 =	ssub.s32 $0x2, s6;
	_ =	strace $0x80000047;
	s7 =	sshll.u32 s1, $0x12  }
0x6: {  	s30 =	sshll.u32 s6, $0x11;
	s9 =	sshll.u32 s1, $0xB;
	s6 =	sshll.u32 s6, $0xA  }
0x7: {  	s8 =	sshrl.u32 s4, $0x1;
	s7 =	sadd.s32 s7, s3;
	s3 =	sadd.s32 $0x402200, s3  }
0x8: {  	s31 =	sadd.s32 s9, s5;
	s9 =	simm.s32 $0x1;
	s4 =	ssub.s32 s4, s8  }
0x9: {  	s7 =	sadd.s32 s30, s7;
	s6 =	sadd.s32 s6, s31;
	s8 =	simm.s32 $0x80  }
0xa: {  	s4 =	smax.u32 s4, $0x1;
	s5 =	sadd.s32 $0x2200, s7;
	s7 =	simm.s32 $0x2  }
.LBB2_1:
0xb: {  	s11 =	sadd.s32 $0x0, s6  }
0xc: {  	[tilespmem:s2], [sflag:$0x2] =	stream.linear.gather [hbm4b:s11+s2], $0x80, $0x38;
	[tilespmem:$0x4080] =	vst v63  }
0xd: {  	_ =	swait.ge [sflag:s7], $0x80  }
0xe: {  	[sflag:s7] =	ssyncset.done $0x0  }
0xf: {  	[sflag:s7] =	ssyncadd.s32 $0xFFFFFF80  }
0x10: {  	[tilespmem:s8], [sflag:$0x2] =	stream.linear.gather [hbm4b:s5+s2], $0x4000, $0x38;
	[tilespmem:$0x4080] =	vst v63  }
0x11: {  	_ =	swait.ge [sflag:s7], $0x4000  }
0x12: {  	[sflag:s7] =	ssyncset.done $0x0  }
0x13: {  	[sflag:s7] =	ssyncadd.s32 $0xFFFFC000  }
0x14: {  	[hbm4b:s3+s8] =	stream.indirect.scatter [tilespmem:s8], [sflag:$0x1], $0x80, s2, s8, $0xb8;
	[tilespmem:$0x4080] =	vst v63  }
0x15: {  	s12 =	simm.s32 $0x10;
	_ =	swait.ge [sflag:s9], $0x4000  }
0x16: {  	s13 =	simm.s32 $0x20;
	s11 =	sadd.s32 $0x800, s5;
	[sflag:s9] =	ssyncset.done $0x0  }
.LBB2_2:
0x17: {  	s14 =	sadd.s32 s12, s6  }
0x18: {  	[sflag:s9] =	ssyncadd.s32 $0xFFFFC000;
	s12 =	smov.u32 s13;
	s15 =	sadd.s32 $0x10, s13  }
0x19: {  	[tilespmem:s2], [sflag:$0x2] =	stream.linear.gather [hbm4b:s14+s2], $0x80, $0x38;
	[tilespmem:$0x4080] =	vst v63  }
0x1a: {  	p0 =	sne.s32 s13, $0x3F0;
	_ =	swait.ge [sflag:s7], $0x80  }
0x1b: {  	[sflag:s7] =	ssyncset.done $0x0  }
0x1c: {  	[sflag:s7] =	ssyncadd.s32 $0xFFFFFF80  }
0x1d: {  	[tilespmem:s8], [sflag:$0x2] =	stream.linear.gather [hbm4b:s11+s2], $0x4000, $0x38;
	[tilespmem:$0x4080] =	vst v63  }
0x1e: {  	_ =	swait.ge [sflag:s7], $0x4000  }
.Ltmp0:
0x1f: {  	[sflag:s7] =	ssyncset.done $0x0;
	(pc) =	sbr.rel @p0 .LBB2_2-.Ltmp0, $4  }
0x20: {  	[sflag:s7] =	ssyncadd.s32 $0xFFFFC000  }
0x21: {  	[hbm4b:s3+s8] =	stream.indirect.scatter [tilespmem:s8], [sflag:$0x1], $0x80, s2, s8, $0xb8;
	[tilespmem:$0x4080] =	vst v63  }
0x22: {  	_ =	swait.ge [sflag:s9], $0x4000  }
0x23: {  	s13 =	smov.u32 s15;
	s11 =	sadd.s32 $0x800, s11;
	[sflag:s9] =	ssyncset.done $0x0  }
0x24: {  	s12 =	sadd.s32 s12, s6;
	[sflag:s9] =	ssyncadd.s32 $0xFFFFC000  }
0x25: {  	[tilespmem:s2], [sflag:$0x2] =	stream.linear.gather [hbm4b:s12+s2], $0x80, $0x38;
	[tilespmem:$0x4080] =	vst v63  }
0x26: {  	_ =	swait.ge [sflag:s7], $0x80  }
0x27: {  	[sflag:s7] =	ssyncset.done $0x0  }
0x28: {  	[sflag:s7] =	ssyncadd.s32 $0xFFFFFF80  }
0x29: {  	[tilespmem:s8], [sflag:$0x2] =	stream.linear.gather [hbm4b:s11+s2], $0x4000, $0x38;
	[tilespmem:$0x4080] =	vst v63  }
0x2a: {  	s10 =	sadd.s32 $0x1, s10;
	_ =	swait.ge [sflag:s7], $0x4000  }
0x2b: {  	p0 =	sne.s32 s10, s4;
	[sflag:s7] =	ssyncset.done $0x0  }
.Ltmp1:
0x2c: {  	[sflag:s7] =	ssyncadd.s32 $0xFFFFC000;
	(pc) =	sbr.rel @p0 .LBB2_1-.Ltmp1, $4  }
0x2d: {  	[hbm4b:s3+s8] =	stream.indirect.scatter [tilespmem:s8], [sflag:$0x1], $0x80, s2, s8, $0xb8;
	[tilespmem:$0x4080] =	vst v63  }
0x2e: {  	_ =	swait.ge [sflag:s9], $0x4000  }
0x2f: {  	[sflag:s9] =	ssyncset.done $0x0  }
0x30: {  	[sflag:s9] =	ssyncadd.s32 $0xFFFFC000  }
0x31: {  	_ =	sfence.sel $0x180000  }
0x32: {  	[bflag:$0x0] =	sbarrier.arrive $0xFFFF  }
0x33: {  	p0 =	sne.s32 s1, $0x0;
	_ =	strace $0x90000047  }
0x34: {  	s0 =	sadd.s32 @!p0 $0x100000, s0;
	[bflag:$0x2] =	sbarrier.arrive $0xFFFF  }
0x35: {  	[sflag:s0] =	ssyncadd.tile.s32 @!p0 $0x1;
	_ =	shalt  }
.Lfunc_end2:
_tile_overlayer_lowered:
.L_overlay_start_2:
0x36: {  	(tag) =	ssettag $0x2  }
0x37: {  	s0 =	rddreg [dreg:$0x0];
	s2 =	stileid.u32  }
0x38: {  	s1 =	rddreg [dreg:$0x1];
	p0 =	sne.s32 s2, $0x0  }
0x39: {  	s3 =	rddreg [dreg:$0x2];
	[bflag:$0x3] =	sbarrier.arrive $0xFFFF;
	s2 =	simm.s32 @!p0 $0x1C02  }
0x3a: {  	[timem:s3], [sflag:s2] =	dma.local @!p0 [hbm:s0], s1  }
0x3b: {  	s0 =	simm.s32 @!p0 $0x2  }
0x3c: {  	_ =	swait.ge @!p0 [sflag:s0], s1  }
0x3d: {  	s1 =	ssub.s32 @!p0 $0x0, s1;
	[sflag:s0] =	ssyncset.done @!p0 $0x0  }
0x3e: {  	[sflag:s0] =	ssyncadd.s32 @!p0 s1  }
0x3f: {  	[bflag:$0x3] =	sbarrier.arrive $0xFFFF  }
0x40: {  	_ =	shalt  }

</sc_bundles>
